<compile_context>
chip_gen: v7x
topology: tpu7x:2x2x1
jax: 0.10.2.dev20260603
libtpu: 0.0.44.dev20260713+nightly
codegen_flags: <defaults>
</compile_context>

<pallas_src>
import functools

import jax
import jax.numpy as jnp
from jax import lax
from jax.experimental import pallas as pl
from jax.experimental.pallas import tpu as pltpu
from jax.experimental.pallas import tpu_sc as plsc

N = 10000
NPAD = 10240
NGRAPH = 32
NC, NS = 2, 16
NW = NC * NS
CHUNK = 128
RPT = NPAD // NS
S = 8
S2 = S // 2


def _vsc_mesh():
    return plsc.VectorSubcoreMesh(core_axis_name="c", subcore_axis_name="s")


def _make_deg_kernel(CH):

    @functools.partial(
        pl.kernel,
        out_type=jax.ShapeDtypeStruct((NC, NPAD), jnp.float32),
        mesh=_vsc_mesh(),
        scratch_types=[
            pltpu.VMEM((CH + S, CHUNK), jnp.int32),
            pltpu.VMEM((CHUNK,), jnp.float32),
            pltpu.VMEM((RPT,), jnp.float32),
            pltpu.VMEM_SHARED((NPAD,), jnp.float32),
            pltpu.SemaphoreType.DMA,
        ],
    )
    def deg_kernel(dst_hbm, ones_hbm, zeros_hbm, out_hbm,
                   dst_v, ones_v, z_v, acc_sh, ssem):
        c = lax.axis_index("c")
        s = lax.axis_index("s")
        wid = s * NC + c
        r0 = s * RPT
        pltpu.sync_copy(zeros_hbm, z_v)
        pltpu.sync_copy(z_v, acc_sh.at[pl.ds(r0, RPT)])
        pltpu.sync_copy(ones_hbm, ones_v)
        pltpu.sync_copy(dst_hbm.at[wid], dst_v)
        plsc.subcore_barrier()

        def body(j, carry):
            pltpu.sync_copy(ones_v, acc_sh.at[dst_v.at[j]], add=True)
            return carry

        lax.fori_loop(0, CH, body, 0)
        plsc.subcore_barrier()
        pltpu.sync_copy(acc_sh.at[pl.ds(r0, RPT)], z_v)
        pltpu.sync_copy(z_v, out_hbm.at[c, pl.ds(r0, RPT)])

    return deg_kernel


def _make_agg_kernel(F, CH):

    @functools.partial(
        pl.kernel,
        out_type=jax.ShapeDtypeStruct((NC, NPAD, F), jnp.float32),
        mesh=_vsc_mesh(),
        compiler_params=pltpu.CompilerParams(use_tc_tiling_on_sc=False),
        scratch_types=[
            pltpu.VMEM((CH + S, CHUNK), jnp.int32),
            pltpu.VMEM((CH + S, CHUNK), jnp.int32),
            pltpu.VMEM((S * CHUNK, F), jnp.float32),
            pltpu.VMEM((RPT, F), jnp.float32),
            pltpu.VMEM_SHARED((NPAD, F), jnp.float32),
            *([pltpu.SemaphoreType.DMA] * S),
        ],
    )
    def agg_kernel(src_hbm, dst_hbm, h_hbm, zeros_hbm, out_hbm,
                   src_v, dst_v, rows, z_v, acc_sh, *gsems):
        c = lax.axis_index("c")
        s = lax.axis_index("s")
        wid = s * NC + c
        r0 = s * RPT
        pltpu.sync_copy(zeros_hbm, z_v)
        pltpu.sync_copy(z_v, acc_sh.at[pl.ds(r0, RPT)])
        pltpu.sync_copy(src_hbm.at[wid], src_v)
        pltpu.sync_copy(dst_hbm.at[wid], dst_v)
        plsc.subcore_barrier()

        for b in range(S):
            pltpu.async_copy(h_hbm.at[src_v.at[b]],
                             rows.at[pl.ds(b * CHUNK, CHUNK)], gsems[b])

        def body(g, carry):
            for b in range(S):
                j = g * S + b
                slot = rows.at[pl.ds(b * CHUNK, CHUNK)]
                pltpu.make_async_copy(h_hbm.at[src_v.at[j]], slot,
                                      gsems[b]).wait()
                pltpu.sync_copy(slot, acc_sh.at[dst_v.at[j]], add=True)
                pltpu.async_copy(h_hbm.at[src_v.at[j + S]], slot, gsems[b])
            return carry

        lax.fori_loop(0, CH // S, body, 0)
        for b in range(S):
            pltpu.make_async_copy(h_hbm.at[src_v.at[b]],
                                  rows.at[pl.ds(b * CHUNK, CHUNK)],
                                  gsems[b]).wait()
        plsc.subcore_barrier()
        pltpu.sync_copy(acc_sh.at[pl.ds(r0, RPT)], z_v)
        pltpu.sync_copy(z_v, out_hbm.at[c, pl.ds(r0, RPT)])

    return agg_kernel


def _dis_col(p_ref):
    deg = p_ref[0] + p_ref[1] + 1.0
    return lax.rsqrt(deg)[:, None]


def _stage_a(x_pad, W1, degp):
    F = W1.shape[1]

    def body(x_ref, w_ref, p_ref, hs_ref):
        dis = _dis_col(p_ref)
        h = jnp.dot(x_ref[...], w_ref[...], preferred_element_type=jnp.float32)
        hs_ref[...] = h * dis

    return pl.pallas_call(
        body,
        out_shape=jax.ShapeDtypeStruct((NPAD, F), jnp.float32),
    )(x_pad, W1, degp)


def _stage_mid(aggp, hs, degp, b, Wnext):
    Fn = Wnext.shape[1]

    def body(p_ref, hs_ref, dp_ref, b_ref, w_ref, out_ref):
        agg = p_ref[0] + p_ref[1]
        dis = _dis_col(dp_ref)
        o = jnp.maximum(dis * (agg + hs_ref[...]) + b_ref[...], 0.0)
        h = jnp.dot(o, w_ref[...], preferred_element_type=jnp.float32)
        rows = lax.broadcasted_iota(jnp.int32, (NPAD, 1), 0)
        out_ref[...] = jnp.where(rows < N, h * dis, 0.0)

    return pl.pallas_call(
        body,
        out_shape=jax.ShapeDtypeStruct((NPAD, Fn), jnp.float32),
    )(aggp, hs, degp, b[None, :], Wnext)


def _stage_final(aggp, hs, degp, b, onehot, W3, b3):

    def body(p_ref, hs_ref, dp_ref, b_ref, oh_ref, w3_ref, b3_ref, out_ref):
        agg = p_ref[0] + p_ref[1]
        dis = _dis_col(dp_ref)
        o = jnp.maximum(dis * (agg + hs_ref[...]) + b_ref[...], 0.0)
        onehot = oh_ref[...]
        sums = lax.dot_general(onehot, o, (((0,), (0,)), ((), ())),
                               preferred_element_type=jnp.float32)
        counts = jnp.sum(onehot, axis=0, keepdims=True)
        g = sums / jnp.maximum(counts, 1.0).T
        out_ref[...] = (
            jnp.dot(g, w3_ref[...], preferred_element_type=jnp.float32) + b3_ref[...]
        )

    return pl.pallas_call(
        body,
        out_shape=jax.ShapeDtypeStruct((NGRAPH, 1), jnp.float32),
    )(aggp, hs, degp, b[None, :], onehot, W3, b3[None, :])


def kernel(x, edge_index, batch, W1, b1, W2, b2, W3, b3):
    src = edge_index[0].astype(jnp.int32)
    dst = edge_index[1].astype(jnp.int32)
    E = src.shape[0]
    CH = -(-E // (NW * CHUNK * S)) * S
    EPAD = NW * CH * CHUNK
    npad_e = EPAD - E
    pad_src = jnp.arange(npad_e, dtype=jnp.int32) % NPAD
    pad_dst = N + (jnp.arange(npad_e, dtype=jnp.int32) % (NPAD - N))
    src_p = jnp.concatenate([src, pad_src]).reshape(NW, CH, CHUNK)
    dst_p = jnp.concatenate([dst, pad_dst]).reshape(NW, CH, CHUNK)
    over = jnp.arange(NW * S * CHUNK, dtype=jnp.int32)
    over_src = (over % NPAD).reshape(NW, S, CHUNK)
    over_dst = (N + over % (NPAD - N)).reshape(NW, S, CHUNK)
    src_p = jnp.concatenate([src_p, over_src], axis=1)
    dst_p = jnp.concatenate([dst_p, over_dst], axis=1)

    x_pad = jnp.pad(x, ((0, NPAD - N), (0, 0)))
    batch_p = jnp.pad(batch.astype(jnp.int32), (0, NPAD - N),
                      constant_values=NGRAPH)
    onehot = (batch_p[:, None] ==
              jnp.arange(NGRAPH, dtype=jnp.int32)[None, :]).astype(jnp.float32)

    ones_c = jnp.ones((CHUNK,), jnp.float32)
    zeros_1 = jnp.zeros((RPT,), jnp.float32)
    zeros_f1 = jnp.zeros((RPT, W1.shape[1]), jnp.float32)
    zeros_f2 = jnp.zeros((RPT, W2.shape[1]), jnp.float32)

    degp = _make_deg_kernel(CH)(dst_p, ones_c, zeros_1)

    h1s = _stage_a(x_pad, W1, degp)
    agg1 = _make_agg_kernel(W1.shape[1], CH)(src_p, dst_p, h1s, zeros_f1)
    h2s = _stage_mid(agg1, h1s, degp, b1, W2)
    agg2 = _make_agg_kernel(W2.shape[1], CH)(src_p, dst_p, h2s, zeros_f2)
    return _stage_final(agg2, h2s, degp, b2, onehot, W3, b3)

# --- scband reference (transcript-rebuilt; emitter-appended) ---
"""Pipeline reference for scband-gnn-89910845374716 (READ-ONLY COPY).

The authoritative reference and input builder live on the scoring server;
editing this copy changes nothing except your own understanding.
"""

import jax, jax.numpy as jnp
import numpy as np

N_NODES = 10000
N_EDGES = 320000
N_GRAPHS = 32


def gcn_conv(x, edge_index, W, b, num_nodes):
    # PyG GCNConv: add self-loops, symmetric normalization, scatter-add aggregation
    src = edge_index[0]
    dst = edge_index[1]
    loop = jnp.arange(num_nodes, dtype=edge_index.dtype)
    src = jnp.concatenate([src, loop])
    dst = jnp.concatenate([dst, loop])
    deg = jnp.zeros((num_nodes,), dtype=x.dtype).at[dst].add(1.0)
    deg_inv_sqrt = jnp.where(deg > 0, deg ** -0.5, 0.0)
    norm = deg_inv_sqrt[src] * deg_inv_sqrt[dst]
    h = x @ W
    msg = h[src] * norm[:, None]
    out = jnp.zeros((num_nodes, W.shape[1]), dtype=x.dtype).at[dst].add(msg)
    return out + b


def global_mean_pool(x, batch, num_graphs):
    sums = jax.ops.segment_sum(x, batch, num_segments=num_graphs)
    counts = jax.ops.segment_sum(jnp.ones((x.shape[0],), dtype=x.dtype), batch, num_segments=num_graphs)
    counts = jnp.clip(counts, 1.0, None)
    return sums / counts[:, None]


def setup_inputs(seed: int = 0) -> dict:
    key = jax.random.key(seed)
    k = jax.random.split(key, 10)
    x = jax.random.normal(k[0], (N_NODES, 128), dtype=jnp.float32)
    edge_index = jax.random.randint(k[1], (2, N_EDGES), 0, N_NODES, dtype=jnp.int64)
    batch = jnp.sort(jax.random.randint(k[2], (N_NODES,), 0, N_GRAPHS, dtype=jnp.int64))
    # parameters: conv1 (128->32), conv2 (32->16), fc3 (16->1)
    W1 = jax.random.normal(k[3], (128, 32), dtype=jnp.float32) * (1.0 / np.sqrt(128))
    b1 = jnp.zeros((32,), dtype=jnp.float32)
    W2 = jax.random.normal(k[4], (32, 16), dtype=jnp.float32) * (1.0 / np.sqrt(32))
    b2 = jnp.zeros((16,), dtype=jnp.float32)
    W3 = jax.random.normal(k[5], (16, 1), dtype=jnp.float32) * (1.0 / np.sqrt(16))
    b3 = jnp.zeros((1,), dtype=jnp.float32)
    return {"x": x, "edge_index": edge_index, "batch": batch,
            "W1": W1, "b1": b1, "W2": W2, "b2": b2, "W3": W3, "b3": b3}


def reference(x, edge_index, batch, W1, b1, W2, b2, W3, b3):
    h = jax.nn.relu(gcn_conv(x, edge_index, W1, b1, N_NODES))
    h = jax.nn.relu(gcn_conv(h, edge_index, W2, b2, N_NODES))
    g = global_mean_pool(h, batch, N_GRAPHS)
    out = g @ W3 + b3
    return out

if __name__ == "__main__":
    import jax
    _d = setup_inputs()
    print(jax.jit(kernel)(*tuple(_d.values())))

</pallas_src>

<mosaic_0001>
#map = affine_map<(d0, d1) -> (0, 0, 0)>
#map1 = affine_map<(d0, d1) -> (0)>
#map2 = affine_map<(d0, d1) -> (0, 0)>
module attributes {stable_mosaic.version = 14 : i64} {
  func.func @deg_kernel(%arg0: i32, %arg1: i32, %arg2: memref<32x88x128xi32, #tpu.memory_space<hbm>>, %arg3: memref<128xf32, #tpu.memory_space<hbm>>, %arg4: memref<640xf32, #tpu.memory_space<hbm>>, %arg5: memref<2x10240xf32, #tpu.memory_space<hbm>>, %arg6: memref<88x128xi32, #tpu.memory_space<vmem>>, %arg7: memref<128xf32, #tpu.memory_space<vmem>>, %arg8: memref<640xf32, #tpu.memory_space<vmem>>, %arg9: memref<10240xf32, #tpu.memory_space<vmem_shared>>, %arg10: memref<!tpu.dma_semaphore, #tpu.memory_space<semaphore_mem>>) attributes {dimension_semantics = [#tpu.dimension_semantics<core_parallel>, #tpu.dimension_semantics<subcore_parallel>], iteration_bounds = array<i64: 2, 16>, scalar_prefetch = 0 : i64, scratch_operands = 5 : i64, tpu.core_type = #tpu.core_type<sc_vector_subcore>, window_params = [{transform_indices = #map}, {transform_indices = #map1}, {transform_indices = #map1}, {transform_indices = #map2}]} {
    %mul3A = arith.constant 2 : i32
    %mul3A_0 = arith.muli %arg1, %mul3A : i32
    %add3A = arith.addi %mul3A_0, %arg0 : i32
    %mul3A_1 = arith.constant 640 : i32
    %mul3A_2 = arith.muli %arg1, %mul3A_1 : i32
    "tpu.region"() ({
      %run_scoped3A = tpu.sem_alloc : memref<!tpu.dma_semaphore, #tpu.memory_space<semaphore_mem>>
      tpu.enqueue_dma source(%arg4 : memref<640xf32, #tpu.memory_space<hbm>>) target(%arg8 : memref<640xf32, #tpu.memory_space<vmem>>) target_semaphore(%run_scoped3A : memref<!tpu.dma_semaphore, #tpu.memory_space<semaphore_mem>>)
      tpu.wait_dma2 semaphore(%run_scoped3A : memref<!tpu.dma_semaphore, #tpu.memory_space<semaphore_mem>>) src(%arg4 : memref<640xf32, #tpu.memory_space<hbm>>) dst(%arg8 : memref<640xf32, #tpu.memory_space<vmem>>)
      tpu.yield
    }) : () -> ()
    "tpu.region"() ({
      %run_scoped3A = tpu.sem_alloc : memref<!tpu.dma_semaphore, #tpu.memory_space<semaphore_mem>>
      %dma_start3A = tpu.memref_slice %arg9[%mul3A_2] : memref<10240xf32, #tpu.memory_space<vmem_shared>> -> memref<640xf32, #tpu.memory_space<vmem_shared>>
      %dma_start3A_9 = tpu.memref_slice %arg9[%mul3A_2] : memref<10240xf32, #tpu.memory_space<vmem_shared>> -> memref<640xf32, #tpu.memory_space<vmem_shared>>
      tpu.enqueue_dma source(%arg8 : memref<640xf32, #tpu.memory_space<vmem>>) target(%dma_start3A_9 : memref<640xf32, #tpu.memory_space<vmem_shared>>) target_semaphore(%run_scoped3A : memref<!tpu.dma_semaphore, #tpu.memory_space<semaphore_mem>>)
      %dma_wait3A = tpu.memref_slice %arg9[%mul3A_2] : memref<10240xf32, #tpu.memory_space<vmem_shared>> -> memref<640xf32, #tpu.memory_space<vmem_shared>>
      %dma_wait3A_10 = tpu.memref_slice %arg9[%mul3A_2] : memref<10240xf32, #tpu.memory_space<vmem_shared>> -> memref<640xf32, #tpu.memory_space<vmem_shared>>
      tpu.wait_dma2 semaphore(%run_scoped3A : memref<!tpu.dma_semaphore, #tpu.memory_space<semaphore_mem>>) src(%arg8 : memref<640xf32, #tpu.memory_space<vmem>>) dst(%dma_wait3A_10 : memref<640xf32, #tpu.memory_space<vmem_shared>>)
      tpu.yield
    }) : () -> ()
    "tpu.region"() ({
      %run_scoped3A = tpu.sem_alloc : memref<!tpu.dma_semaphore, #tpu.memory_space<semaphore_mem>>
      tpu.enqueue_dma source(%arg3 : memref<128xf32, #tpu.memory_space<hbm>>) target(%arg7 : memref<128xf32, #tpu.memory_space<vmem>>) target_semaphore(%run_scoped3A : memref<!tpu.dma_semaphore, #tpu.memory_space<semaphore_mem>>)
      tpu.wait_dma2 semaphore(%run_scoped3A : memref<!tpu.dma_semaphore, #tpu.memory_space<semaphore_mem>>) src(%arg3 : memref<128xf32, #tpu.memory_space<hbm>>) dst(%arg7 : memref<128xf32, #tpu.memory_space<vmem>>)
      tpu.yield
    }) : () -> ()
    "tpu.region"() ({
      %run_scoped3A = tpu.sem_alloc : memref<!tpu.dma_semaphore, #tpu.memory_space<semaphore_mem>>
      %dma_start3A = arith.constant 0 : i32
      %dma_start3A_9 = arith.constant 0 : i32
      %dma_start3A_10 = tpu.memref_slice %arg2[%add3A, %dma_start3A, %dma_start3A_9] : memref<32x88x128xi32, #tpu.memory_space<hbm>> -> memref<1x88x128xi32, #tpu.memory_space<hbm>>
      %dma_start3A_11 = tpu.memref_squeeze %dma_start3A_10 : memref<1x88x128xi32, #tpu.memory_space<hbm>> -> memref<88x128xi32, #tpu.memory_space<hbm>>
      %dma_start3A_12 = arith.constant 0 : i32
      %dma_start3A_13 = arith.constant 0 : i32
      %dma_start3A_14 = tpu.memref_slice %arg2[%add3A, %dma_start3A_12, %dma_start3A_13] : memref<32x88x128xi32, #tpu.memory_space<hbm>> -> memref<1x88x128xi32, #tpu.memory_space<hbm>>
      %dma_start3A_15 = tpu.memref_squeeze %dma_start3A_14 : memref<1x88x128xi32, #tpu.memory_space<hbm>> -> memref<88x128xi32, #tpu.memory_space<hbm>>
      tpu.enqueue_dma source(%dma_start3A_15 : memref<88x128xi32, #tpu.memory_space<hbm>>) target(%arg6 : memref<88x128xi32, #tpu.memory_space<vmem>>) target_semaphore(%run_scoped3A : memref<!tpu.dma_semaphore, #tpu.memory_space<semaphore_mem>>)
      %dma_wait3A = arith.constant 0 : i32
      %dma_wait3A_16 = arith.constant 0 : i32
      %dma_wait3A_17 = tpu.memref_slice %arg2[%add3A, %dma_wait3A, %dma_wait3A_16] : memref<32x88x128xi32, #tpu.memory_space<hbm>> -> memref<1x88x128xi32, #tpu.memory_space<hbm>>
      %dma_wait3A_18 = tpu.memref_squeeze %dma_wait3A_17 : memref<1x88x128xi32, #tpu.memory_space<hbm>> -> memref<88x128xi32, #tpu.memory_space<hbm>>
      %dma_wait3A_19 = arith.constant 0 : i32
      %dma_wait3A_20 = arith.constant 0 : i32
      %dma_wait3A_21 = tpu.memref_slice %arg2[%add3A, %dma_wait3A_19, %dma_wait3A_20] : memref<32x88x128xi32, #tpu.memory_space<hbm>> -> memref<1x88x128xi32, #tpu.memory_space<hbm>>
      %dma_wait3A_22 = tpu.memref_squeeze %dma_wait3A_21 : memref<1x88x128xi32, #tpu.memory_space<hbm>> -> memref<88x128xi32, #tpu.memory_space<hbm>>
      tpu.wait_dma2 semaphore(%run_scoped3A : memref<!tpu.dma_semaphore, #tpu.memory_space<semaphore_mem>>) src(%dma_wait3A_22 : memref<88x128xi32, #tpu.memory_space<hbm>>) dst(%arg6 : memref<88x128xi32, #tpu.memory_space<vmem>>)
      tpu.yield
    }) : () -> ()
    %barrier3A = arith.constant 0 : index
    tpu.barrier barrier_id(%barrier3A)
    %scan3A = arith.constant 0 : i32
    %scan3A_3 = arith.constant 0 : i32
    %scan3A_4 = arith.constant 80 : i32
    %scan3A_5 = arith.addi %scan3A_3, %scan3A_4 : i32
    %scan3A_6 = arith.constant 1 : i32
    scf.for %scan3A_9 = %scan3A_3 to %scan3A_5 step %scan3A_6  : i32 {
      "tpu.region"() ({
        %run_scoped3A = tpu.sem_alloc : memref<!tpu.dma_semaphore, #tpu.memory_space<semaphore_mem>>
        %dma_start3A = arith.constant 0 : i32
        %dma_start3A_10 = tpu.memref_slice %arg6[%scan3A_9, %dma_start3A] : memref<88x128xi32, #tpu.memory_space<vmem>> -> memref<1x128xi32, #tpu.memory_space<vmem>>
        %dma_start3A_11 = tpu.memref_squeeze %dma_start3A_10 : memref<1x128xi32, #tpu.memory_space<vmem>> -> memref<128xi32, #tpu.memory_space<vmem>>
        %dma_start3A_12 = arith.constant 0 : i32
        %dma_start3A_13 = tpu.memref_slice %arg9[%dma_start3A_12] : memref<10240xf32, #tpu.memory_space<vmem_shared>> -> memref<10240xf32, #tpu.memory_space<vmem_shared>>
        tpu.enqueue_indirect_dma source(%arg7 : memref<128xf32, #tpu.memory_space<vmem>>) target(%dma_start3A_13 : memref<10240xf32, #tpu.memory_space<vmem_shared>>) offsets(%dma_start3A_11 : memref<128xi32, #tpu.memory_space<vmem>>) semaphore(%run_scoped3A : memref<!tpu.dma_semaphore, #tpu.memory_space<semaphore_mem>>) {add = true}
        %dma_wait3A = arith.constant 0 : i32
        %dma_wait3A_14 = tpu.memref_slice %arg6[%scan3A_9, %dma_wait3A] : memref<88x128xi32, #tpu.memory_space<vmem>> -> memref<1x128xi32, #tpu.memory_space<vmem>>
        %dma_wait3A_15 = tpu.memref_squeeze %dma_wait3A_14 : memref<1x128xi32, #tpu.memory_space<vmem>> -> memref<128xi32, #tpu.memory_space<vmem>>
        %dma_wait3A_16 = arith.constant 0 : i32
        %dma_wait3A_17 = tpu.memref_slice %arg9[%dma_wait3A_16] : memref<10240xf32, #tpu.memory_space<vmem_shared>> -> memref<10240xf32, #tpu.memory_space<vmem_shared>>
        tpu.wait_indirect_dma semaphore(%run_scoped3A : memref<!tpu.dma_semaphore, #tpu.memory_space<semaphore_mem>>) src(%arg7 : memref<128xf32, #tpu.memory_space<vmem>>) dst(%dma_wait3A_17 : memref<10240xf32, #tpu.memory_space<vmem_shared>>)
        tpu.yield
      }) : () -> ()
    }
    %scan3A_7 = arith.constant 80 : i32
    %barrier3A_8 = arith.constant 0 : index
    tpu.barrier barrier_id(%barrier3A_8)
    "tpu.region"() ({
      %run_scoped3A = tpu.sem_alloc : memref<!tpu.dma_semaphore, #tpu.memory_space<semaphore_mem>>
      %dma_start3A = tpu.memref_slice %arg9[%mul3A_2] : memref<10240xf32, #tpu.memory_space<vmem_shared>> -> memref<640xf32, #tpu.memory_space<vmem_shared>>
      %dma_start3A_9 = tpu.memref_slice %arg9[%mul3A_2] : memref<10240xf32, #tpu.memory_space<vmem_shared>> -> memref<640xf32, #tpu.memory_space<vmem_shared>>
      tpu.enqueue_dma source(%dma_start3A_9 : memref<640xf32, #tpu.memory_space<vmem_shared>>) target(%arg8 : memref<640xf32, #tpu.memory_space<vmem>>) target_semaphore(%run_scoped3A : memref<!tpu.dma_semaphore, #tpu.memory_space<semaphore_mem>>)
      %dma_wait3A = tpu.memref_slice %arg9[%mul3A_2] : memref<10240xf32, #tpu.memory_space<vmem_shared>> -> memref<640xf32, #tpu.memory_space<vmem_shared>>
      %dma_wait3A_10 = tpu.memref_slice %arg9[%mul3A_2] : memref<10240xf32, #tpu.memory_space<vmem_shared>> -> memref<640xf32, #tpu.memory_space<vmem_shared>>
      tpu.wait_dma2 semaphore(%run_scoped3A : memref<!tpu.dma_semaphore, #tpu.memory_space<semaphore_mem>>) src(%dma_wait3A_10 : memref<640xf32, #tpu.memory_space<vmem_shared>>) dst(%arg8 : memref<640xf32, #tpu.memory_space<vmem>>)
      tpu.yield
    }) : () -> ()
    "tpu.region"() ({
      %run_scoped3A = tpu.sem_alloc : memref<!tpu.dma_semaphore, #tpu.memory_space<semaphore_mem>>
      %dma_start3A = tpu.memref_slice %arg5[%arg0, %mul3A_2] : memref<2x10240xf32, #tpu.memory_space<hbm>> -> memref<1x640xf32, #tpu.memory_space<hbm>>
      %dma_start3A_9 = tpu.memref_squeeze %dma_start3A : memref<1x640xf32, #tpu.memory_space<hbm>> -> memref<640xf32, #tpu.memory_space<hbm>>
      %dma_start3A_10 = tpu.memref_slice %arg5[%arg0, %mul3A_2] : memref<2x10240xf32, #tpu.memory_space<hbm>> -> memref<1x640xf32, #tpu.memory_space<hbm>>
      %dma_start3A_11 = tpu.memref_squeeze %dma_start3A_10 : memref<1x640xf32, #tpu.memory_space<hbm>> -> memref<640xf32, #tpu.memory_space<hbm>>
      tpu.enqueue_dma source(%arg8 : memref<640xf32, #tpu.memory_space<vmem>>) target(%dma_start3A_11 : memref<640xf32, #tpu.memory_space<hbm>>) target_semaphore(%run_scoped3A : memref<!tpu.dma_semaphore, #tpu.memory_space<semaphore_mem>>)
      %dma_wait3A = tpu.memref_slice %arg5[%arg0, %mul3A_2] : memref<2x10240xf32, #tpu.memory_space<hbm>> -> memref<1x640xf32, #tpu.memory_space<hbm>>
      %dma_wait3A_12 = tpu.memref_squeeze %dma_wait3A : memref<1x640xf32, #tpu.memory_space<hbm>> -> memref<640xf32, #tpu.memory_space<hbm>>
      %dma_wait3A_13 = tpu.memref_slice %arg5[%arg0, %mul3A_2] : memref<2x10240xf32, #tpu.memory_space<hbm>> -> memref<1x640xf32, #tpu.memory_space<hbm>>
      %dma_wait3A_14 = tpu.memref_squeeze %dma_wait3A_13 : memref<1x640xf32, #tpu.memory_space<hbm>> -> memref<640xf32, #tpu.memory_space<hbm>>
      tpu.wait_dma2 semaphore(%run_scoped3A : memref<!tpu.dma_semaphore, #tpu.memory_space<semaphore_mem>>) src(%arg8 : memref<640xf32, #tpu.memory_space<vmem>>) dst(%dma_wait3A_14 : memref<640xf32, #tpu.memory_space<hbm>>)
      tpu.yield
    }) : () -> ()
    return
  }
}

#map = affine_map<(d0, d1) -> (0, 0, 0)>
#map1 = affine_map<(d0, d1) -> (0, 0)>
module attributes {stable_mosaic.version = 14 : i64} {
  func.func @agg_kernel(%arg0: i32, %arg1: i32, %arg2: memref<32x88x128xi32, #tpu.memory_space<hbm>>, %arg3: memref<32x88x128xi32, #tpu.memory_space<hbm>>, %arg4: memref<10240x16xf32, #tpu.memory_space<hbm>>, %arg5: memref<640x16xf32, #tpu.memory_space<hbm>>, %arg6: memref<2x10240x16xf32, #tpu.memory_space<hbm>>, %arg7: memref<88x128xi32, #tpu.memory_space<vmem>>, %arg8: memref<88x128xi32, #tpu.memory_space<vmem>>, %arg9: memref<1024x16xf32, #tpu.memory_space<vmem>>, %arg10: memref<640x16xf32, #tpu.memory_space<vmem>>, %arg11: memref<10240x16xf32, #tpu.memory_space<vmem_shared>>, %arg12: memref<!tpu.dma_semaphore, #tpu.memory_space<semaphore_mem>>, %arg13: memref<!tpu.dma_semaphore, #tpu.memory_space<semaphore_mem>>, %arg14: memref<!tpu.dma_semaphore, #tpu.memory_space<semaphore_mem>>, %arg15: memref<!tpu.dma_semaphore, #tpu.memory_space<semaphore_mem>>, %arg16: memref<!tpu.dma_semaphore, #tpu.memory_space<semaphore_mem>>, %arg17: memref<!tpu.dma_semaphore, #tpu.memory_space<semaphore_mem>>, %arg18: memref<!tpu.dma_semaphore, #tpu.memory_space<semaphore_mem>>, %arg19: memref<!tpu.dma_semaphore, #tpu.memory_space<semaphore_mem>>) attributes {dimension_semantics = [#tpu.dimension_semantics<core_parallel>, #tpu.dimension_semantics<subcore_parallel>], iteration_bounds = array<i64: 2, 16>, scalar_prefetch = 0 : i64, scratch_operands = 13 : i64, tpu.core_type = #tpu.core_type<sc_vector_subcore>, window_params = [{transform_indices = #map}, {transform_indices = #map}, {transform_indices = #map1}, {transform_indices = #map1}, {transform_indices = #map}]} {
    %mul3A = arith.constant 2 : i32
    %mul3A_0 = arith.muli %arg1, %mul3A : i32
    %add3A = arith.addi %mul3A_0, %arg0 : i32
    %mul3A_1 = arith.constant 640 : i32
    %mul3A_2 = arith.muli %arg1, %mul3A_1 : i32
    "tpu.region"() ({
      %run_scoped3A = tpu.sem_alloc : memref<!tpu.dma_semaphore, #tpu.memory_space<semaphore_mem>>
      tpu.enqueue_dma source(%arg5 : memref<640x16xf32, #tpu.memory_space<hbm>>) target(%arg10 : memref<640x16xf32, #tpu.memory_space<vmem>>) target_semaphore(%run_scoped3A : memref<!tpu.dma_semaphore, #tpu.memory_space<semaphore_mem>>)
      tpu.wait_dma2 semaphore(%run_scoped3A : memref<!tpu.dma_semaphore, #tpu.memory_space<semaphore_mem>>) src(%arg5 : memref<640x16xf32, #tpu.memory_space<hbm>>) dst(%arg10 : memref<640x16xf32, #tpu.memory_space<vmem>>)
      tpu.yield
    }) : () -> ()
    "tpu.region"() ({
      %run_scoped3A = tpu.sem_alloc : memref<!tpu.dma_semaphore, #tpu.memory_space<semaphore_mem>>
      %dma_start3A_167 = arith.constant 0 : i32
      %dma_start3A_168 = tpu.memref_slice %arg11[%mul3A_2, %dma_start3A_167] : memref<10240x16xf32, #tpu.memory_space<vmem_shared>> -> memref<640x16xf32, #tpu.memory_space<vmem_shared>>
      %dma_start3A_169 = arith.constant 0 : i32
      %dma_start3A_170 = tpu.memref_slice %arg11[%mul3A_2, %dma_start3A_169] : memref<10240x16xf32, #tpu.memory_space<vmem_shared>> -> memref<640x16xf32, #tpu.memory_space<vmem_shared>>
      tpu.enqueue_dma source(%arg10 : memref<640x16xf32, #tpu.memory_space<vmem>>) target(%dma_start3A_170 : memref<640x16xf32, #tpu.memory_space<vmem_shared>>) target_semaphore(%run_scoped3A : memref<!tpu.dma_semaphore, #tpu.memory_space<semaphore_mem>>)
      %dma_wait3A_171 = arith.constant 0 : i32
      %dma_wait3A_172 = tpu.memref_slice %arg11[%mul3A_2, %dma_wait3A_171] : memref<10240x16xf32, #tpu.memory_space<vmem_shared>> -> memref<640x16xf32, #tpu.memory_space<vmem_shared>>
      %dma_wait3A_173 = arith.constant 0 : i32
      %dma_wait3A_174 = tpu.memref_slice %arg11[%mul3A_2, %dma_wait3A_173] : memref<10240x16xf32, #tpu.memory_space<vmem_shared>> -> memref<640x16xf32, #tpu.memory_space<vmem_shared>>
      tpu.wait_dma2 semaphore(%run_scoped3A : memref<!tpu.dma_semaphore, #tpu.memory_space<semaphore_mem>>) src(%arg10 : memref<640x16xf32, #tpu.memory_space<vmem>>) dst(%dma_wait3A_174 : memref<640x16xf32, #tpu.memory_space<vmem_shared>>)
      tpu.yield
    }) : () -> ()
    "tpu.region"() ({
      %run_scoped3A = tpu.sem_alloc : memref<!tpu.dma_semaphore, #tpu.memory_space<semaphore_mem>>
      %dma_start3A_167 = arith.constant 0 : i32
      %dma_start3A_168 = arith.constant 0 : i32
      %dma_start3A_169 = tpu.memref_slice %arg2[%add3A, %dma_start3A_167, %dma_start3A_168] : memref<32x88x128xi32, #tpu.memory_space<hbm>> -> memref<1x88x128xi32, #tpu.memory_space<hbm>>
      %dma_start3A_170 = tpu.memref_squeeze %dma_start3A_169 : memref<1x88x128xi32, #tpu.memory_space<hbm>> -> memref<88x128xi32, #tpu.memory_space<hbm>>
      %dma_start3A_171 = arith.constant 0 : i32
      %dma_start3A_172 = arith.constant 0 : i32
      %dma_start3A_173 = tpu.memref_slice %arg2[%add3A, %dma_start3A_171, %dma_start3A_172] : memref<32x88x128xi32, #tpu.memory_space<hbm>> -> memref<1x88x128xi32, #tpu.memory_space<hbm>>
      %dma_start3A_174 = tpu.memref_squeeze %dma_start3A_173 : memref<1x88x128xi32, #tpu.memory_space<hbm>> -> memref<88x128xi32, #tpu.memory_space<hbm>>
      tpu.enqueue_dma source(%dma_start3A_174 : memref<88x128xi32, #tpu.memory_space<hbm>>) target(%arg7 : memref<88x128xi32, #tpu.memory_space<vmem>>) target_semaphore(%run_scoped3A : memref<!tpu.dma_semaphore, #tpu.memory_space<semaphore_mem>>)
      %dma_wait3A_175 = arith.constant 0 : i32
      %dma_wait3A_176 = arith.constant 0 : i32
      %dma_wait3A_177 = tpu.memref_slice %arg2[%add3A, %dma_wait3A_175, %dma_wait3A_176] : memref<32x88x128xi32, #tpu.memory_space<hbm>> -> memref<1x88x128xi32, #tpu.memory_space<hbm>>
      %dma_wait3A_178 = tpu.memref_squeeze %dma_wait3A_177 : memref<1x88x128xi32, #tpu.memory_space<hbm>> -> memref<88x128xi32, #tpu.memory_space<hbm>>
      %dma_wait3A_179 = arith.constant 0 : i32
      %dma_wait3A_180 = arith.constant 0 : i32
      %dma_wait3A_181 = tpu.memref_slice %arg2[%add3A, %dma_wait3A_179, %dma_wait3A_180] : memref<32x88x128xi32, #tpu.memory_space<hbm>> -> memref<1x88x128xi32, #tpu.memory_space<hbm>>
      %dma_wait3A_182 = tpu.memref_squeeze %dma_wait3A_181 : memref<1x88x128xi32, #tpu.memory_space<hbm>> -> memref<88x128xi32, #tpu.memory_space<hbm>>
      tpu.wait_dma2 semaphore(%run_scoped3A : memref<!tpu.dma_semaphore, #tpu.memory_space<semaphore_mem>>) src(%dma_wait3A_182 : memref<88x128xi32, #tpu.memory_space<hbm>>) dst(%arg7 : memref<88x128xi32, #tpu.memory_space<vmem>>)
      tpu.yield
    }) : () -> ()
    "tpu.region"() ({
      %run_scoped3A = tpu.sem_alloc : memref<!tpu.dma_semaphore, #tpu.memory_space<semaphore_mem>>
      %dma_start3A_167 = arith.constant 0 : i32
      %dma_start3A_168 = arith.constant 0 : i32
      %dma_start3A_169 = tpu.memref_slice %arg3[%add3A, %dma_start3A_167, %dma_start3A_168] : memref<32x88x128xi32, #tpu.memory_space<hbm>> -> memref<1x88x128xi32, #tpu.memory_space<hbm>>
      %dma_start3A_170 = tpu.memref_squeeze %dma_start3A_169 : memref<1x88x128xi32, #tpu.memory_space<hbm>> -> memref<88x128xi32, #tpu.memory_space<hbm>>
      %dma_start3A_171 = arith.constant 0 : i32
      %dma_start3A_172 = arith.constant 0 : i32
      %dma_start3A_173 = tpu.memref_slice %arg3[%add3A, %dma_start3A_171, %dma_start3A_172] : memref<32x88x128xi32, #tpu.memory_space<hbm>> -> memref<1x88x128xi32, #tpu.memory_space<hbm>>
      %dma_start3A_174 = tpu.memref_squeeze %dma_start3A_173 : memref<1x88x128xi32, #tpu.memory_space<hbm>> -> memref<88x128xi32, #tpu.memory_space<hbm>>
      tpu.enqueue_dma source(%dma_start3A_174 : memref<88x128xi32, #tpu.memory_space<hbm>>) target(%arg8 : memref<88x128xi32, #tpu.memory_space<vmem>>) target_semaphore(%run_scoped3A : memref<!tpu.dma_semaphore, #tpu.memory_space<semaphore_mem>>)
      %dma_wait3A_175 = arith.constant 0 : i32
      %dma_wait3A_176 = arith.constant 0 : i32
      %dma_wait3A_177 = tpu.memref_slice %arg3[%add3A, %dma_wait3A_175, %dma_wait3A_176] : memref<32x88x128xi32, #tpu.memory_space<hbm>> -> memref<1x88x128xi32, #tpu.memory_space<hbm>>
      %dma_wait3A_178 = tpu.memref_squeeze %dma_wait3A_177 : memref<1x88x128xi32, #tpu.memory_space<hbm>> -> memref<88x128xi32, #tpu.memory_space<hbm>>
      %dma_wait3A_179 = arith.constant 0 : i32
      %dma_wait3A_180 = arith.constant 0 : i32
      %dma_wait3A_181 = tpu.memref_slice %arg3[%add3A, %dma_wait3A_179, %dma_wait3A_180] : memref<32x88x128xi32, #tpu.memory_space<hbm>> -> memref<1x88x128xi32, #tpu.memory_space<hbm>>
      %dma_wait3A_182 = tpu.memref_squeeze %dma_wait3A_181 : memref<1x88x128xi32, #tpu.memory_space<hbm>> -> memref<88x128xi32, #tpu.memory_space<hbm>>
      tpu.wait_dma2 semaphore(%run_scoped3A : memref<!tpu.dma_semaphore, #tpu.memory_space<semaphore_mem>>) src(%dma_wait3A_182 : memref<88x128xi32, #tpu.memory_space<hbm>>) dst(%arg8 : memref<88x128xi32, #tpu.memory_space<vmem>>)
      tpu.yield
    }) : () -> ()
    %barrier3A = arith.constant 0 : index
    tpu.barrier barrier_id(%barrier3A)
    %dma_start3A = arith.constant 0 : i32
    %dma_start3A_3 = arith.constant 0 : i32
    %dma_start3A_4 = arith.constant 0 : i32
    %dma_start3A_5 = tpu.memref_slice %arg9[%dma_start3A_3, %dma_start3A_4] : memref<1024x16xf32, #tpu.memory_space<vmem>> -> memref<128x16xf32, #tpu.memory_space<vmem>>
    %dma_start3A_6 = arith.constant 0 : i32
    %dma_start3A_7 = tpu.memref_slice %arg7[%dma_start3A, %dma_start3A_6] : memref<88x128xi32, #tpu.memory_space<vmem>> -> memref<1x128xi32, #tpu.memory_space<vmem>>
    %dma_start3A_8 = tpu.memref_squeeze %dma_start3A_7 : memref<1x128xi32, #tpu.memory_space<vmem>> -> memref<128xi32, #tpu.memory_space<vmem>>
    %dma_start3A_9 = arith.constant 0 : i32
    %dma_start3A_10 = arith.constant 0 : i32
    %dma_start3A_11 = tpu.memref_slice %arg4[%dma_start3A_9, %dma_start3A_10] : memref<10240x16xf32, #tpu.memory_space<hbm>> -> memref<10240x16xf32, #tpu.memory_space<hbm>>
    tpu.enqueue_indirect_dma source(%dma_start3A_11 : memref<10240x16xf32, #tpu.memory_space<hbm>>) target(%dma_start3A_5 : memref<128x16xf32, #tpu.memory_space<vmem>>) offsets(%dma_start3A_8 : memref<128xi32, #tpu.memory_space<vmem>>) semaphore(%arg12 : memref<!tpu.dma_semaphore, #tpu.memory_space<semaphore_mem>>)
    %dma_start3A_12 = arith.constant 1 : i32
    %dma_start3A_13 = arith.constant 128 : i32
    %dma_start3A_14 = arith.constant 0 : i32
    %dma_start3A_15 = tpu.memref_slice %arg9[%dma_start3A_13, %dma_start3A_14] : memref<1024x16xf32, #tpu.memory_space<vmem>> -> memref<128x16xf32, #tpu.memory_space<vmem>>
    %dma_start3A_16 = arith.constant 0 : i32
    %dma_start3A_17 = tpu.memref_slice %arg7[%dma_start3A_12, %dma_start3A_16] : memref<88x128xi32, #tpu.memory_space<vmem>> -> memref<1x128xi32, #tpu.memory_space<vmem>>
    %dma_start3A_18 = tpu.memref_squeeze %dma_start3A_17 : memref<1x128xi32, #tpu.memory_space<vmem>> -> memref<128xi32, #tpu.memory_space<vmem>>
    %dma_start3A_19 = arith.constant 0 : i32
    %dma_start3A_20 = arith.constant 0 : i32
    %dma_start3A_21 = tpu.memref_slice %arg4[%dma_start3A_19, %dma_start3A_20] : memref<10240x16xf32, #tpu.memory_space<hbm>> -> memref<10240x16xf32, #tpu.memory_space<hbm>>
    tpu.enqueue_indirect_dma source(%dma_start3A_21 : memref<10240x16xf32, #tpu.memory_space<hbm>>) target(%dma_start3A_15 : memref<128x16xf32, #tpu.memory_space<vmem>>) offsets(%dma_start3A_18 : memref<128xi32, #tpu.memory_space<vmem>>) semaphore(%arg13 : memref<!tpu.dma_semaphore, #tpu.memory_space<semaphore_mem>>)
    %dma_start3A_22 = arith.constant 2 : i32
    %dma_start3A_23 = arith.constant 256 : i32
    %dma_start3A_24 = arith.constant 0 : i32
    %dma_start3A_25 = tpu.memref_slice %arg9[%dma_start3A_23, %dma_start3A_24] : memref<1024x16xf32, #tpu.memory_space<vmem>> -> memref<128x16xf32, #tpu.memory_space<vmem>>
    %dma_start3A_26 = arith.constant 0 : i32
    %dma_start3A_27 = tpu.memref_slice %arg7[%dma_start3A_22, %dma_start3A_26] : memref<88x128xi32, #tpu.memory_space<vmem>> -> memref<1x128xi32, #tpu.memory_space<vmem>>
    %dma_start3A_28 = tpu.memref_squeeze %dma_start3A_27 : memref<1x128xi32, #tpu.memory_space<vmem>> -> memref<128xi32, #tpu.memory_space<vmem>>
    %dma_start3A_29 = arith.constant 0 : i32
    %dma_start3A_30 = arith.constant 0 : i32
    %dma_start3A_31 = tpu.memref_slice %arg4[%dma_start3A_29, %dma_start3A_30] : memref<10240x16xf32, #tpu.memory_space<hbm>> -> memref<10240x16xf32, #tpu.memory_space<hbm>>
    tpu.enqueue_indirect_dma source(%dma_start3A_31 : memref<10240x16xf32, #tpu.memory_space<hbm>>) target(%dma_start3A_25 : memref<128x16xf32, #tpu.memory_space<vmem>>) offsets(%dma_start3A_28 : memref<128xi32, #tpu.memory_space<vmem>>) semaphore(%arg14 : memref<!tpu.dma_semaphore, #tpu.memory_space<semaphore_mem>>)
    %dma_start3A_32 = arith.constant 3 : i32
    %dma_start3A_33 = arith.constant 384 : i32
    %dma_start3A_34 = arith.constant 0 : i32
    %dma_start3A_35 = tpu.memref_slice %arg9[%dma_start3A_33, %dma_start3A_34] : memref<1024x16xf32, #tpu.memory_space<vmem>> -> memref<128x16xf32, #tpu.memory_space<vmem>>
    %dma_start3A_36 = arith.constant 0 : i32
    %dma_start3A_37 = tpu.memref_slice %arg7[%dma_start3A_32, %dma_start3A_36] : memref<88x128xi32, #tpu.memory_space<vmem>> -> memref<1x128xi32, #tpu.memory_space<vmem>>
    %dma_start3A_38 = tpu.memref_squeeze %dma_start3A_37 : memref<1x128xi32, #tpu.memory_space<vmem>> -> memref<128xi32, #tpu.memory_space<vmem>>
    %dma_start3A_39 = arith.constant 0 : i32
    %dma_start3A_40 = arith.constant 0 : i32
    %dma_start3A_41 = tpu.memref_slice %arg4[%dma_start3A_39, %dma_start3A_40] : memref<10240x16xf32, #tpu.memory_space<hbm>> -> memref<10240x16xf32, #tpu.memory_space<hbm>>
    tpu.enqueue_indirect_dma source(%dma_start3A_41 : memref<10240x16xf32, #tpu.memory_space<hbm>>) target(%dma_start3A_35 : memref<128x16xf32, #tpu.memory_space<vmem>>) offsets(%dma_start3A_38 : memref<128xi32, #tpu.memory_space<vmem>>) semaphore(%arg15 : memref<!tpu.dma_semaphore, #tpu.memory_space<semaphore_mem>>)
    %dma_start3A_42 = arith.constant 4 : i32
    %dma_start3A_43 = arith.constant 512 : i32
    %dma_start3A_44 = arith.constant 0 : i32
    %dma_start3A_45 = tpu.memref_slice %arg9[%dma_start3A_43, %dma_start3A_44] : memref<1024x16xf32, #tpu.memory_space<vmem>> -> memref<128x16xf32, #tpu.memory_space<vmem>>
    %dma_start3A_46 = arith.constant 0 : i32
    %dma_start3A_47 = tpu.memref_slice %arg7[%dma_start3A_42, %dma_start3A_46] : memref<88x128xi32, #tpu.memory_space<vmem>> -> memref<1x128xi32, #tpu.memory_space<vmem>>
    %dma_start3A_48 = tpu.memref_squeeze %dma_start3A_47 : memref<1x128xi32, #tpu.memory_space<vmem>> -> memref<128xi32, #tpu.memory_space<vmem>>
    %dma_start3A_49 = arith.constant 0 : i32
    %dma_start3A_50 = arith.constant 0 : i32
    %dma_start3A_51 = tpu.memref_slice %arg4[%dma_start3A_49, %dma_start3A_50] : memref<10240x16xf32, #tpu.memory_space<hbm>> -> memref<10240x16xf32, #tpu.memory_space<hbm>>
    tpu.enqueue_indirect_dma source(%dma_start3A_51 : memref<10240x16xf32, #tpu.memory_space<hbm>>) target(%dma_start3A_45 : memref<128x16xf32, #tpu.memory_space<vmem>>) offsets(%dma_start3A_48 : memref<128xi32, #tpu.memory_space<vmem>>) semaphore(%arg16 : memref<!tpu.dma_semaphore, #tpu.memory_space<semaphore_mem>>)
    %dma_start3A_52 = arith.constant 5 : i32
    %dma_start3A_53 = arith.constant 640 : i32
    %dma_start3A_54 = arith.constant 0 : i32
    %dma_start3A_55 = tpu.memref_slice %arg9[%dma_start3A_53, %dma_start3A_54] : memref<1024x16xf32, #tpu.memory_space<vmem>> -> memref<128x16xf32, #tpu.memory_space<vmem>>
    %dma_start3A_56 = arith.constant 0 : i32
    %dma_start3A_57 = tpu.memref_slice %arg7[%dma_start3A_52, %dma_start3A_56] : memref<88x128xi32, #tpu.memory_space<vmem>> -> memref<1x128xi32, #tpu.memory_space<vmem>>
    %dma_start3A_58 = tpu.memref_squeeze %dma_start3A_57 : memref<1x128xi32, #tpu.memory_space<vmem>> -> memref<128xi32, #tpu.memory_space<vmem>>
    %dma_start3A_59 = arith.constant 0 : i32
    %dma_start3A_60 = arith.constant 0 : i32
    %dma_start3A_61 = tpu.memref_slice %arg4[%dma_start3A_59, %dma_start3A_60] : memref<10240x16xf32, #tpu.memory_space<hbm>> -> memref<10240x16xf32, #tpu.memory_space<hbm>>
    tpu.enqueue_indirect_dma source(%dma_start3A_61 : memref<10240x16xf32, #tpu.memory_space<hbm>>) target(%dma_start3A_55 : memref<128x16xf32, #tpu.memory_space<vmem>>) offsets(%dma_start3A_58 : memref<128xi32, #tpu.memory_space<vmem>>) semaphore(%arg17 : memref<!tpu.dma_semaphore, #tpu.memory_space<semaphore_mem>>)
    %dma_start3A_62 = arith.constant 6 : i32
    %dma_start3A_63 = arith.constant 768 : i32
    %dma_start3A_64 = arith.constant 0 : i32
    %dma_start3A_65 = tpu.memref_slice %arg9[%dma_start3A_63, %dma_start3A_64] : memref<1024x16xf32, #tpu.memory_space<vmem>> -> memref<128x16xf32, #tpu.memory_space<vmem>>
    %dma_start3A_66 = arith.constant 0 : i32
    %dma_start3A_67 = tpu.memref_slice %arg7[%dma_start3A_62, %dma_start3A_66] : memref<88x128xi32, #tpu.memory_space<vmem>> -> memref<1x128xi32, #tpu.memory_space<vmem>>
    %dma_start3A_68 = tpu.memref_squeeze %dma_start3A_67 : memref<1x128xi32, #tpu.memory_space<vmem>> -> memref<128xi32, #tpu.memory_space<vmem>>
    %dma_start3A_69 = arith.constant 0 : i32
    %dma_start3A_70 = arith.constant 0 : i32
    %dma_start3A_71 = tpu.memref_slice %arg4[%dma_start3A_69, %dma_start3A_70] : memref<10240x16xf32, #tpu.memory_space<hbm>> -> memref<10240x16xf32, #tpu.memory_space<hbm>>
    tpu.enqueue_indirect_dma source(%dma_start3A_71 : memref<10240x16xf32, #tpu.memory_space<hbm>>) target(%dma_start3A_65 : memref<128x16xf32, #tpu.memory_space<vmem>>) offsets(%dma_start3A_68 : memref<128xi32, #tpu.memory_space<vmem>>) semaphore(%arg18 : memref<!tpu.dma_semaphore, #tpu.memory_space<semaphore_mem>>)
    %dma_start3A_72 = arith.constant 7 : i32
    %dma_start3A_73 = arith.constant 896 : i32
    %dma_start3A_74 = arith.constant 0 : i32
    %dma_start3A_75 = tpu.memref_slice %arg9[%dma_start3A_73, %dma_start3A_74] : memref<1024x16xf32, #tpu.memory_space<vmem>> -> memref<128x16xf32, #tpu.memory_space<vmem>>
    %dma_start3A_76 = arith.constant 0 : i32
    %dma_start3A_77 = tpu.memref_slice %arg7[%dma_start3A_72, %dma_start3A_76] : memref<88x128xi32, #tpu.memory_space<vmem>> -> memref<1x128xi32, #tpu.memory_space<vmem>>
    %dma_start3A_78 = tpu.memref_squeeze %dma_start3A_77 : memref<1x128xi32, #tpu.memory_space<vmem>> -> memref<128xi32, #tpu.memory_space<vmem>>
    %dma_start3A_79 = arith.constant 0 : i32
    %dma_start3A_80 = arith.constant 0 : i32
    %dma_start3A_81 = tpu.memref_slice %arg4[%dma_start3A_79, %dma_start3A_80] : memref<10240x16xf32, #tpu.memory_space<hbm>> -> memref<10240x16xf32, #tpu.memory_space<hbm>>
    tpu.enqueue_indirect_dma source(%dma_start3A_81 : memref<10240x16xf32, #tpu.memory_space<hbm>>) target(%dma_start3A_75 : memref<128x16xf32, #tpu.memory_space<vmem>>) offsets(%dma_start3A_78 : memref<128xi32, #tpu.memory_space<vmem>>) semaphore(%arg19 : memref<!tpu.dma_semaphore, #tpu.memory_space<semaphore_mem>>)
    %scan3A = arith.constant 0 : i32
    %scan3A_82 = arith.constant 0 : i32
    %scan3A_83 = arith.constant 10 : i32
    %scan3A_84 = arith.addi %scan3A_82, %scan3A_83 : i32
    %scan3A_85 = arith.constant 1 : i32
    scf.for %scan3A_167 = %scan3A_82 to %scan3A_84 step %scan3A_85  : i32 {
      %mul3A_168 = arith.constant 8 : i32
      %mul3A_169 = arith.muli %scan3A_167, %mul3A_168 : i32
      %add3A_170 = arith.constant 0 : i32
      %add3A_171 = arith.addi %mul3A_169, %add3A_170 : i32
      %dma_wait3A_172 = arith.constant 0 : i32
      %dma_wait3A_173 = arith.constant 0 : i32
      %dma_wait3A_174 = tpu.memref_slice %arg9[%dma_wait3A_172, %dma_wait3A_173] : memref<1024x16xf32, #tpu.memory_space<vmem>> -> memref<128x16xf32, #tpu.memory_space<vmem>>
      %dma_wait3A_175 = arith.constant 0 : i32
      %dma_wait3A_176 = tpu.memref_slice %arg7[%add3A_171, %dma_wait3A_175] : memref<88x128xi32, #tpu.memory_space<vmem>> -> memref<1x128xi32, #tpu.memory_space<vmem>>
      %dma_wait3A_177 = tpu.memref_squeeze %dma_wait3A_176 : memref<1x128xi32, #tpu.memory_space<vmem>> -> memref<128xi32, #tpu.memory_space<vmem>>
      %dma_wait3A_178 = arith.constant 0 : i32
      %dma_wait3A_179 = arith.constant 0 : i32
      %dma_wait3A_180 = tpu.memref_slice %arg4[%dma_wait3A_178, %dma_wait3A_179] : memref<10240x16xf32, #tpu.memory_space<hbm>> -> memref<10240x16xf32, #tpu.memory_space<hbm>>
      tpu.wait_indirect_dma semaphore(%arg12 : memref<!tpu.dma_semaphore, #tpu.memory_space<semaphore_mem>>) src(%dma_wait3A_180 : memref<10240x16xf32, #tpu.memory_space<hbm>>) dst(%dma_wait3A_174 : memref<128x16xf32, #tpu.memory_space<vmem>>)
      "tpu.region"() ({
        %run_scoped3A = tpu.sem_alloc : memref<!tpu.dma_semaphore, #tpu.memory_space<semaphore_mem>>
        %dma_start3A_360 = arith.constant 0 : i32
        %dma_start3A_361 = arith.constant 0 : i32
        %dma_start3A_362 = tpu.memref_slice %arg9[%dma_start3A_360, %dma_start3A_361] : memref<1024x16xf32, #tpu.memory_space<vmem>> -> memref<128x16xf32, #tpu.memory_space<vmem>>
        %dma_start3A_363 = arith.constant 0 : i32
        %dma_start3A_364 = tpu.memref_slice %arg8[%add3A_171, %dma_start3A_363] : memref<88x128xi32, #tpu.memory_space<vmem>> -> memref<1x128xi32, #tpu.memory_space<vmem>>
        %dma_start3A_365 = tpu.memref_squeeze %dma_start3A_364 : memref<1x128xi32, #tpu.memory_space<vmem>> -> memref<128xi32, #tpu.memory_space<vmem>>
        %dma_start3A_366 = arith.constant 0 : i32
        %dma_start3A_367 = arith.constant 0 : i32
        %dma_start3A_368 = tpu.memref_slice %arg11[%dma_start3A_366, %dma_start3A_367] : memref<10240x16xf32, #tpu.memory_space<vmem_shared>> -> memref<10240x16xf32, #tpu.memory_space<vmem_shared>>
        tpu.enqueue_indirect_dma source(%dma_start3A_362 : memref<128x16xf32, #tpu.memory_space<vmem>>) target(%dma_start3A_368 : memref<10240x16xf32, #tpu.memory_space<vmem_shared>>) offsets(%dma_start3A_365 : memref<128xi32, #tpu.memory_space<vmem>>) semaphore(%run_scoped3A : memref<!tpu.dma_semaphore, #tpu.memory_space<semaphore_mem>>) {add = true}
        %dma_wait3A_369 = arith.constant 0 : i32
        %dma_wait3A_370 = arith.constant 0 : i32
        %dma_wait3A_371 = tpu.memref_slice %arg9[%dma_wait3A_369, %dma_wait3A_370] : memref<1024x16xf32, #tpu.memory_space<vmem>> -> memref<128x16xf32, #tpu.memory_space<vmem>>
        %dma_wait3A_372 = arith.constant 0 : i32
        %dma_wait3A_373 = tpu.memref_slice %arg8[%add3A_171, %dma_wait3A_372] : memref<88x128xi32, #tpu.memory_space<vmem>> -> memref<1x128xi32, #tpu.memory_space<vmem>>
        %dma_wait3A_374 = tpu.memref_squeeze %dma_wait3A_373 : memref<1x128xi32, #tpu.memory_space<vmem>> -> memref<128xi32, #tpu.memory_space<vmem>>
        %dma_wait3A_375 = arith.constant 0 : i32
        %dma_wait3A_376 = arith.constant 0 : i32
        %dma_wait3A_377 = tpu.memref_slice %arg11[%dma_wait3A_375, %dma_wait3A_376] : memref<10240x16xf32, #tpu.memory_space<vmem_shared>> -> memref<10240x16xf32, #tpu.memory_space<vmem_shared>>
        tpu.wait_indirect_dma semaphore(%run_scoped3A : memref<!tpu.dma_semaphore, #tpu.memory_space<semaphore_mem>>) src(%dma_wait3A_371 : memref<128x16xf32, #tpu.memory_space<vmem>>) dst(%dma_wait3A_377 : memref<10240x16xf32, #tpu.memory_space<vmem_shared>>)
        tpu.yield
      }) : () -> ()
      %add3A_181 = arith.constant 8 : i32
      %add3A_182 = arith.addi %add3A_171, %add3A_181 : i32
      %dma_start3A_183 = arith.constant 0 : i32
      %dma_start3A_184 = arith.constant 0 : i32
      %dma_start3A_185 = tpu.memref_slice %arg9[%dma_start3A_183, %dma_start3A_184] : memref<1024x16xf32, #tpu.memory_space<vmem>> -> memref<128x16xf32, #tpu.memory_space<vmem>>
      %dma_start3A_186 = arith.constant 0 : i32
      %dma_start3A_187 = tpu.memref_slice %arg7[%add3A_182, %dma_start3A_186] : memref<88x128xi32, #tpu.memory_space<vmem>> -> memref<1x128xi32, #tpu.memory_space<vmem>>
      %dma_start3A_188 = tpu.memref_squeeze %dma_start3A_187 : memref<1x128xi32, #tpu.memory_space<vmem>> -> memref<128xi32, #tpu.memory_space<vmem>>
      %dma_start3A_189 = arith.constant 0 : i32
      %dma_start3A_190 = arith.constant 0 : i32
      %dma_start3A_191 = tpu.memref_slice %arg4[%dma_start3A_189, %dma_start3A_190] : memref<10240x16xf32, #tpu.memory_space<hbm>> -> memref<10240x16xf32, #tpu.memory_space<hbm>>
      tpu.enqueue_indirect_dma source(%dma_start3A_191 : memref<10240x16xf32, #tpu.memory_space<hbm>>) target(%dma_start3A_185 : memref<128x16xf32, #tpu.memory_space<vmem>>) offsets(%dma_start3A_188 : memref<128xi32, #tpu.memory_space<vmem>>) semaphore(%arg12 : memref<!tpu.dma_semaphore, #tpu.memory_space<semaphore_mem>>)
      %mul3A_192 = arith.constant 8 : i32
      %mul3A_193 = arith.muli %scan3A_167, %mul3A_192 : i32
      %add3A_194 = arith.constant 1 : i32
      %add3A_195 = arith.addi %mul3A_193, %add3A_194 : i32
      %dma_wait3A_196 = arith.constant 128 : i32
      %dma_wait3A_197 = arith.constant 0 : i32
      %dma_wait3A_198 = tpu.memref_slice %arg9[%dma_wait3A_196, %dma_wait3A_197] : memref<1024x16xf32, #tpu.memory_space<vmem>> -> memref<128x16xf32, #tpu.memory_space<vmem>>
      %dma_wait3A_199 = arith.constant 0 : i32
      %dma_wait3A_200 = tpu.memref_slice %arg7[%add3A_195, %dma_wait3A_199] : memref<88x128xi32, #tpu.memory_space<vmem>> -> memref<1x128xi32, #tpu.memory_space<vmem>>
      %dma_wait3A_201 = tpu.memref_squeeze %dma_wait3A_200 : memref<1x128xi32, #tpu.memory_space<vmem>> -> memref<128xi32, #tpu.memory_space<vmem>>
      %dma_wait3A_202 = arith.constant 0 : i32
      %dma_wait3A_203 = arith.constant 0 : i32
      %dma_wait3A_204 = tpu.memref_slice %arg4[%dma_wait3A_202, %dma_wait3A_203] : memref<10240x16xf32, #tpu.memory_space<hbm>> -> memref<10240x16xf32, #tpu.memory_space<hbm>>
      tpu.wait_indirect_dma semaphore(%arg13 : memref<!tpu.dma_semaphore, #tpu.memory_space<semaphore_mem>>) src(%dma_wait3A_204 : memref<10240x16xf32, #tpu.memory_space<hbm>>) dst(%dma_wait3A_198 : memref<128x16xf32, #tpu.memory_space<vmem>>)
      "tpu.region"() ({
        %run_scoped3A = tpu.sem_alloc : memref<!tpu.dma_semaphore, #tpu.memory_space<semaphore_mem>>
        %dma_start3A_360 = arith.constant 128 : i32
        %dma_start3A_361 = arith.constant 0 : i32
        %dma_start3A_362 = tpu.memref_slice %arg9[%dma_start3A_360, %dma_start3A_361] : memref<1024x16xf32, #tpu.memory_space<vmem>> -> memref<128x16xf32, #tpu.memory_space<vmem>>
        %dma_start3A_363 = arith.constant 0 : i32
        %dma_start3A_364 = tpu.memref_slice %arg8[%add3A_195, %dma_start3A_363] : memref<88x128xi32, #tpu.memory_space<vmem>> -> memref<1x128xi32, #tpu.memory_space<vmem>>
        %dma_start3A_365 = tpu.memref_squeeze %dma_start3A_364 : memref<1x128xi32, #tpu.memory_space<vmem>> -> memref<128xi32, #tpu.memory_space<vmem>>
        %dma_start3A_366 = arith.constant 0 : i32
        %dma_start3A_367 = arith.constant 0 : i32
        %dma_start3A_368 = tpu.memref_slice %arg11[%dma_start3A_366, %dma_start3A_367] : memref<10240x16xf32, #tpu.memory_space<vmem_shared>> -> memref<10240x16xf32, #tpu.memory_space<vmem_shared>>
        tpu.enqueue_indirect_dma source(%dma_start3A_362 : memref<128x16xf32, #tpu.memory_space<vmem>>) target(%dma_start3A_368 : memref<10240x16xf32, #tpu.memory_space<vmem_shared>>) offsets(%dma_start3A_365 : memref<128xi32, #tpu.memory_space<vmem>>) semaphore(%run_scoped3A : memref<!tpu.dma_semaphore, #tpu.memory_space<semaphore_mem>>) {add = true}
        %dma_wait3A_369 = arith.constant 128 : i32
        %dma_wait3A_370 = arith.constant 0 : i32
        %dma_wait3A_371 = tpu.memref_slice %arg9[%dma_wait3A_369, %dma_wait3A_370] : memref<1024x16xf32, #tpu.memory_space<vmem>> -> memref<128x16xf32, #tpu.memory_space<vmem>>
        %dma_wait3A_372 = arith.constant 0 : i32
        %dma_wait3A_373 = tpu.memref_slice %arg8[%add3A_195, %dma_wait3A_372] : memref<88x128xi32, #tpu.memory_space<vmem>> -> memref<1x128xi32, #tpu.memory_space<vmem>>
        %dma_wait3A_374 = tpu.memref_squeeze %dma_wait3A_373 : memref<1x128xi32, #tpu.memory_space<vmem>> -> memref<128xi32, #tpu.memory_space<vmem>>
        %dma_wait3A_375 = arith.constant 0 : i32
        %dma_wait3A_376 = arith.constant 0 : i32
        %dma_wait3A_377 = tpu.memref_slice %arg11[%dma_wait3A_375, %dma_wait3A_376] : memref<10240x16xf32, #tpu.memory_space<vmem_shared>> -> memref<10240x16xf32, #tpu.memory_space<vmem_shared>>
        tpu.wait_indirect_dma semaphore(%run_scoped3A : memref<!tpu.dma_semaphore, #tpu.memory_space<semaphore_mem>>) src(%dma_wait3A_371 : memref<128x16xf32, #tpu.memory_space<vmem>>) dst(%dma_wait3A_377 : memref<10240x16xf32, #tpu.memory_space<vmem_shared>>)
        tpu.yield
      }) : () -> ()
      %add3A_205 = arith.constant 8 : i32
      %add3A_206 = arith.addi %add3A_195, %add3A_205 : i32
      %dma_start3A_207 = arith.constant 128 : i32
      %dma_start3A_208 = arith.constant 0 : i32
      %dma_start3A_209 = tpu.memref_slice %arg9[%dma_start3A_207, %dma_start3A_208] : memref<1024x16xf32, #tpu.memory_space<vmem>> -> memref<128x16xf32, #tpu.memory_space<vmem>>
      %dma_start3A_210 = arith.constant 0 : i32
      %dma_start3A_211 = tpu.memref_slice %arg7[%add3A_206, %dma_start3A_210] : memref<88x128xi32, #tpu.memory_space<vmem>> -> memref<1x128xi32, #tpu.memory_space<vmem>>
      %dma_start3A_212 = tpu.memref_squeeze %dma_start3A_211 : memref<1x128xi32, #tpu.memory_space<vmem>> -> memref<128xi32, #tpu.memory_space<vmem>>
      %dma_start3A_213 = arith.constant 0 : i32
      %dma_start3A_214 = arith.constant 0 : i32
      %dma_start3A_215 = tpu.memref_slice %arg4[%dma_start3A_213, %dma_start3A_214] : memref<10240x16xf32, #tpu.memory_space<hbm>> -> memref<10240x16xf32, #tpu.memory_space<hbm>>
      tpu.enqueue_indirect_dma source(%dma_start3A_215 : memref<10240x16xf32, #tpu.memory_space<hbm>>) target(%dma_start3A_209 : memref<128x16xf32, #tpu.memory_space<vmem>>) offsets(%dma_start3A_212 : memref<128xi32, #tpu.memory_space<vmem>>) semaphore(%arg13 : memref<!tpu.dma_semaphore, #tpu.memory_space<semaphore_mem>>)
      %mul3A_216 = arith.constant 8 : i32
      %mul3A_217 = arith.muli %scan3A_167, %mul3A_216 : i32
      %add3A_218 = arith.constant 2 : i32
      %add3A_219 = arith.addi %mul3A_217, %add3A_218 : i32
      %dma_wait3A_220 = arith.constant 256 : i32
      %dma_wait3A_221 = arith.constant 0 : i32
      %dma_wait3A_222 = tpu.memref_slice %arg9[%dma_wait3A_220, %dma_wait3A_221] : memref<1024x16xf32, #tpu.memory_space<vmem>> -> memref<128x16xf32, #tpu.memory_space<vmem>>
      %dma_wait3A_223 = arith.constant 0 : i32
      %dma_wait3A_224 = tpu.memref_slice %arg7[%add3A_219, %dma_wait3A_223] : memref<88x128xi32, #tpu.memory_space<vmem>> -> memref<1x128xi32, #tpu.memory_space<vmem>>
      %dma_wait3A_225 = tpu.memref_squeeze %dma_wait3A_224 : memref<1x128xi32, #tpu.memory_space<vmem>> -> memref<128xi32, #tpu.memory_space<vmem>>
      %dma_wait3A_226 = arith.constant 0 : i32
      %dma_wait3A_227 = arith.constant 0 : i32
      %dma_wait3A_228 = tpu.memref_slice %arg4[%dma_wait3A_226, %dma_wait3A_227] : memref<10240x16xf32, #tpu.memory_space<hbm>> -> memref<10240x16xf32, #tpu.memory_space<hbm>>
      tpu.wait_indirect_dma semaphore(%arg14 : memref<!tpu.dma_semaphore, #tpu.memory_space<semaphore_mem>>) src(%dma_wait3A_228 : memref<10240x16xf32, #tpu.memory_space<hbm>>) dst(%dma_wait3A_222 : memref<128x16xf32, #tpu.memory_space<vmem>>)
      "tpu.region"() ({
        %run_scoped3A = tpu.sem_alloc : memref<!tpu.dma_semaphore, #tpu.memory_space<semaphore_mem>>
        %dma_start3A_360 = arith.constant 256 : i32
        %dma_start3A_361 = arith.constant 0 : i32
        %dma_start3A_362 = tpu.memref_slice %arg9[%dma_start3A_360, %dma_start3A_361] : memref<1024x16xf32, #tpu.memory_space<vmem>> -> memref<128x16xf32, #tpu.memory_space<vmem>>
        %dma_start3A_363 = arith.constant 0 : i32
        %dma_start3A_364 = tpu.memref_slice %arg8[%add3A_219, %dma_start3A_363] : memref<88x128xi32, #tpu.memory_space<vmem>> -> memref<1x128xi32, #tpu.memory_space<vmem>>
        %dma_start3A_365 = tpu.memref_squeeze %dma_start3A_364 : memref<1x128xi32, #tpu.memory_space<vmem>> -> memref<128xi32, #tpu.memory_space<vmem>>
        %dma_start3A_366 = arith.constant 0 : i32
        %dma_start3A_367 = arith.constant 0 : i32
        %dma_start3A_368 = tpu.memref_slice %arg11[%dma_start3A_366, %dma_start3A_367] : memref<10240x16xf32, #tpu.memory_space<vmem_shared>> -> memref<10240x16xf32, #tpu.memory_space<vmem_shared>>
        tpu.enqueue_indirect_dma source(%dma_start3A_362 : memref<128x16xf32, #tpu.memory_space<vmem>>) target(%dma_start3A_368 : memref<10240x16xf32, #tpu.memory_space<vmem_shared>>) offsets(%dma_start3A_365 : memref<128xi32, #tpu.memory_space<vmem>>) semaphore(%run_scoped3A : memref<!tpu.dma_semaphore, #tpu.memory_space<semaphore_mem>>) {add = true}
        %dma_wait3A_369 = arith.constant 256 : i32
        %dma_wait3A_370 = arith.constant 0 : i32
        %dma_wait3A_371 = tpu.memref_slice %arg9[%dma_wait3A_369, %dma_wait3A_370] : memref<1024x16xf32, #tpu.memory_space<vmem>> -> memref<128x16xf32, #tpu.memory_space<vmem>>
        %dma_wait3A_372 = arith.constant 0 : i32
        %dma_wait3A_373 = tpu.memref_slice %arg8[%add3A_219, %dma_wait3A_372] : memref<88x128xi32, #tpu.memory_space<vmem>> -> memref<1x128xi32, #tpu.memory_space<vmem>>
        %dma_wait3A_374 = tpu.memref_squeeze %dma_wait3A_373 : memref<1x128xi32, #tpu.memory_space<vmem>> -> memref<128xi32, #tpu.memory_space<vmem>>
        %dma_wait3A_375 = arith.constant 0 : i32
        %dma_wait3A_376 = arith.constant 0 : i32
        %dma_wait3A_377 = tpu.memref_slice %arg11[%dma_wait3A_375, %dma_wait3A_376] : memref<10240x16xf32, #tpu.memory_space<vmem_shared>> -> memref<10240x16xf32, #tpu.memory_space<vmem_shared>>
        tpu.wait_indirect_dma semaphore(%run_scoped3A : memref<!tpu.dma_semaphore, #tpu.memory_space<semaphore_mem>>) src(%dma_wait3A_371 : memref<128x16xf32, #tpu.memory_space<vmem>>) dst(%dma_wait3A_377 : memref<10240x16xf32, #tpu.memory_space<vmem_shared>>)
        tpu.yield
      }) : () -> ()
      %add3A_229 = arith.constant 8 : i32
      %add3A_230 = arith.addi %add3A_219, %add3A_229 : i32
      %dma_start3A_231 = arith.constant 256 : i32
      %dma_start3A_232 = arith.constant 0 : i32
      %dma_start3A_233 = tpu.memref_slice %arg9[%dma_start3A_231, %dma_start3A_232] : memref<1024x16xf32, #tpu.memory_space<vmem>> -> memref<128x16xf32, #tpu.memory_space<vmem>>
      %dma_start3A_234 = arith.constant 0 : i32
      %dma_start3A_235 = tpu.memref_slice %arg7[%add3A_230, %dma_start3A_234] : memref<88x128xi32, #tpu.memory_space<vmem>> -> memref<1x128xi32, #tpu.memory_space<vmem>>
      %dma_start3A_236 = tpu.memref_squeeze %dma_start3A_235 : memref<1x128xi32, #tpu.memory_space<vmem>> -> memref<128xi32, #tpu.memory_space<vmem>>
      %dma_start3A_237 = arith.constant 0 : i32
      %dma_start3A_238 = arith.constant 0 : i32
      %dma_start3A_239 = tpu.memref_slice %arg4[%dma_start3A_237, %dma_start3A_238] : memref<10240x16xf32, #tpu.memory_space<hbm>> -> memref<10240x16xf32, #tpu.memory_space<hbm>>
      tpu.enqueue_indirect_dma source(%dma_start3A_239 : memref<10240x16xf32, #tpu.memory_space<hbm>>) target(%dma_start3A_233 : memref<128x16xf32, #tpu.memory_space<vmem>>) offsets(%dma_start3A_236 : memref<128xi32, #tpu.memory_space<vmem>>) semaphore(%arg14 : memref<!tpu.dma_semaphore, #tpu.memory_space<semaphore_mem>>)
      %mul3A_240 = arith.constant 8 : i32
      %mul3A_241 = arith.muli %scan3A_167, %mul3A_240 : i32
      %add3A_242 = arith.constant 3 : i32
      %add3A_243 = arith.addi %mul3A_241, %add3A_242 : i32
      %dma_wait3A_244 = arith.constant 384 : i32
      %dma_wait3A_245 = arith.constant 0 : i32
      %dma_wait3A_246 = tpu.memref_slice %arg9[%dma_wait3A_244, %dma_wait3A_245] : memref<1024x16xf32, #tpu.memory_space<vmem>> -> memref<128x16xf32, #tpu.memory_space<vmem>>
      %dma_wait3A_247 = arith.constant 0 : i32
      %dma_wait3A_248 = tpu.memref_slice %arg7[%add3A_243, %dma_wait3A_247] : memref<88x128xi32, #tpu.memory_space<vmem>> -> memref<1x128xi32, #tpu.memory_space<vmem>>
      %dma_wait3A_249 = tpu.memref_squeeze %dma_wait3A_248 : memref<1x128xi32, #tpu.memory_space<vmem>> -> memref<128xi32, #tpu.memory_space<vmem>>
      %dma_wait3A_250 = arith.constant 0 : i32
      %dma_wait3A_251 = arith.constant 0 : i32
      %dma_wait3A_252 = tpu.memref_slice %arg4[%dma_wait3A_250, %dma_wait3A_251] : memref<10240x16xf32, #tpu.memory_space<hbm>> -> memref<10240x16xf32, #tpu.memory_space<hbm>>
      tpu.wait_indirect_dma semaphore(%arg15 : memref<!tpu.dma_semaphore, #tpu.memory_space<semaphore_mem>>) src(%dma_wait3A_252 : memref<10240x16xf32, #tpu.memory_space<hbm>>) dst(%dma_wait3A_246 : memref<128x16xf32, #tpu.memory_space<vmem>>)
      "tpu.region"() ({
        %run_scoped3A = tpu.sem_alloc : memref<!tpu.dma_semaphore, #tpu.memory_space<semaphore_mem>>
        %dma_start3A_360 = arith.constant 384 : i32
        %dma_start3A_361 = arith.constant 0 : i32
        %dma_start3A_362 = tpu.memref_slice %arg9[%dma_start3A_360, %dma_start3A_361] : memref<1024x16xf32, #tpu.memory_space<vmem>> -> memref<128x16xf32, #tpu.memory_space<vmem>>
        %dma_start3A_363 = arith.constant 0 : i32
        %dma_start3A_364 = tpu.memref_slice %arg8[%add3A_243, %dma_start3A_363] : memref<88x128xi32, #tpu.memory_space<vmem>> -> memref<1x128xi32, #tpu.memory_space<vmem>>
        %dma_start3A_365 = tpu.memref_squeeze %dma_start3A_364 : memref<1x128xi32, #tpu.memory_space<vmem>> -> memref<128xi32, #tpu.memory_space<vmem>>
        %dma_start3A_366 = arith.constant 0 : i32
        %dma_start3A_367 = arith.constant 0 : i32
        %dma_start3A_368 = tpu.memref_slice %arg11[%dma_start3A_366, %dma_start3A_367] : memref<10240x16xf32, #tpu.memory_space<vmem_shared>> -> memref<10240x16xf32, #tpu.memory_space<vmem_shared>>
        tpu.enqueue_indirect_dma source(%dma_start3A_362 : memref<128x16xf32, #tpu.memory_space<vmem>>) target(%dma_start3A_368 : memref<10240x16xf32, #tpu.memory_space<vmem_shared>>) offsets(%dma_start3A_365 : memref<128xi32, #tpu.memory_space<vmem>>) semaphore(%run_scoped3A : memref<!tpu.dma_semaphore, #tpu.memory_space<semaphore_mem>>) {add = true}
        %dma_wait3A_369 = arith.constant 384 : i32
        %dma_wait3A_370 = arith.constant 0 : i32
        %dma_wait3A_371 = tpu.memref_slice %arg9[%dma_wait3A_369, %dma_wait3A_370] : memref<1024x16xf32, #tpu.memory_space<vmem>> -> memref<128x16xf32, #tpu.memory_space<vmem>>
        %dma_wait3A_372 = arith.constant 0 : i32
        %dma_wait3A_373 = tpu.memref_slice %arg8[%add3A_243, %dma_wait3A_372] : memref<88x128xi32, #tpu.memory_space<vmem>> -> memref<1x128xi32, #tpu.memory_space<vmem>>
        %dma_wait3A_374 = tpu.memref_squeeze %dma_wait3A_373 : memref<1x128xi32, #tpu.memory_space<vmem>> -> memref<128xi32, #tpu.memory_space<vmem>>
        %dma_wait3A_375 = arith.constant 0 : i32
        %dma_wait3A_376 = arith.constant 0 : i32
        %dma_wait3A_377 = tpu.memref_slice %arg11[%dma_wait3A_375, %dma_wait3A_376] : memref<10240x16xf32, #tpu.memory_space<vmem_shared>> -> memref<10240x16xf32, #tpu.memory_space<vmem_shared>>
        tpu.wait_indirect_dma semaphore(%run_scoped3A : memref<!tpu.dma_semaphore, #tpu.memory_space<semaphore_mem>>) src(%dma_wait3A_371 : memref<128x16xf32, #tpu.memory_space<vmem>>) dst(%dma_wait3A_377 : memref<10240x16xf32, #tpu.memory_space<vmem_shared>>)
        tpu.yield
      }) : () -> ()
      %add3A_253 = arith.constant 8 : i32
      %add3A_254 = arith.addi %add3A_243, %add3A_253 : i32
      %dma_start3A_255 = arith.constant 384 : i32
      %dma_start3A_256 = arith.constant 0 : i32
      %dma_start3A_257 = tpu.memref_slice %arg9[%dma_start3A_255, %dma_start3A_256] : memref<1024x16xf32, #tpu.memory_space<vmem>> -> memref<128x16xf32, #tpu.memory_space<vmem>>
      %dma_start3A_258 = arith.constant 0 : i32
      %dma_start3A_259 = tpu.memref_slice %arg7[%add3A_254, %dma_start3A_258] : memref<88x128xi32, #tpu.memory_space<vmem>> -> memref<1x128xi32, #tpu.memory_space<vmem>>
      %dma_start3A_260 = tpu.memref_squeeze %dma_start3A_259 : memref<1x128xi32, #tpu.memory_space<vmem>> -> memref<128xi32, #tpu.memory_space<vmem>>
      %dma_start3A_261 = arith.constant 0 : i32
      %dma_start3A_262 = arith.constant 0 : i32
      %dma_start3A_263 = tpu.memref_slice %arg4[%dma_start3A_261, %dma_start3A_262] : memref<10240x16xf32, #tpu.memory_space<hbm>> -> memref<10240x16xf32, #tpu.memory_space<hbm>>
      tpu.enqueue_indirect_dma source(%dma_start3A_263 : memref<10240x16xf32, #tpu.memory_space<hbm>>) target(%dma_start3A_257 : memref<128x16xf32, #tpu.memory_space<vmem>>) offsets(%dma_start3A_260 : memref<128xi32, #tpu.memory_space<vmem>>) semaphore(%arg15 : memref<!tpu.dma_semaphore, #tpu.memory_space<semaphore_mem>>)
      %mul3A_264 = arith.constant 8 : i32
      %mul3A_265 = arith.muli %scan3A_167, %mul3A_264 : i32
      %add3A_266 = arith.constant 4 : i32
      %add3A_267 = arith.addi %mul3A_265, %add3A_266 : i32
      %dma_wait3A_268 = arith.constant 512 : i32
      %dma_wait3A_269 = arith.constant 0 : i32
      %dma_wait3A_270 = tpu.memref_slice %arg9[%dma_wait3A_268, %dma_wait3A_269] : memref<1024x16xf32, #tpu.memory_space<vmem>> -> memref<128x16xf32, #tpu.memory_space<vmem>>
      %dma_wait3A_271 = arith.constant 0 : i32
      %dma_wait3A_272 = tpu.memref_slice %arg7[%add3A_267, %dma_wait3A_271] : memref<88x128xi32, #tpu.memory_space<vmem>> -> memref<1x128xi32, #tpu.memory_space<vmem>>
      %dma_wait3A_273 = tpu.memref_squeeze %dma_wait3A_272 : memref<1x128xi32, #tpu.memory_space<vmem>> -> memref<128xi32, #tpu.memory_space<vmem>>
      %dma_wait3A_274 = arith.constant 0 : i32
      %dma_wait3A_275 = arith.constant 0 : i32
      %dma_wait3A_276 = tpu.memref_slice %arg4[%dma_wait3A_274, %dma_wait3A_275] : memref<10240x16xf32, #tpu.memory_space<hbm>> -> memref<10240x16xf32, #tpu.memory_space<hbm>>
      tpu.wait_indirect_dma semaphore(%arg16 : memref<!tpu.dma_semaphore, #tpu.memory_space<semaphore_mem>>) src(%dma_wait3A_276 : memref<10240x16xf32, #tpu.memory_space<hbm>>) dst(%dma_wait3A_270 : memref<128x16xf32, #tpu.memory_space<vmem>>)
      "tpu.region"() ({
        %run_scoped3A = tpu.sem_alloc : memref<!tpu.dma_semaphore, #tpu.memory_space<semaphore_mem>>
        %dma_start3A_360 = arith.constant 512 : i32
        %dma_start3A_361 = arith.constant 0 : i32
        %dma_start3A_362 = tpu.memref_slice %arg9[%dma_start3A_360, %dma_start3A_361] : memref<1024x16xf32, #tpu.memory_space<vmem>> -> memref<128x16xf32, #tpu.memory_space<vmem>>
        %dma_start3A_363 = arith.constant 0 : i32
        %dma_start3A_364 = tpu.memref_slice %arg8[%add3A_267, %dma_start3A_363] : memref<88x128xi32, #tpu.memory_space<vmem>> -> memref<1x128xi32, #tpu.memory_space<vmem>>
        %dma_start3A_365 = tpu.memref_squeeze %dma_start3A_364 : memref<1x128xi32, #tpu.memory_space<vmem>> -> memref<128xi32, #tpu.memory_space<vmem>>
        %dma_start3A_366 = arith.constant 0 : i32
        %dma_start3A_367 = arith.constant 0 : i32
        %dma_start3A_368 = tpu.memref_slice %arg11[%dma_start3A_366, %dma_start3A_367] : memref<10240x16xf32, #tpu.memory_space<vmem_shared>> -> memref<10240x16xf32, #tpu.memory_space<vmem_shared>>
        tpu.enqueue_indirect_dma source(%dma_start3A_362 : memref<128x16xf32, #tpu.memory_space<vmem>>) target(%dma_start3A_368 : memref<10240x16xf32, #tpu.memory_space<vmem_shared>>) offsets(%dma_start3A_365 : memref<128xi32, #tpu.memory_space<vmem>>) semaphore(%run_scoped3A : memref<!tpu.dma_semaphore, #tpu.memory_space<semaphore_mem>>) {add = true}
        %dma_wait3A_369 = arith.constant 512 : i32
        %dma_wait3A_370 = arith.constant 0 : i32
        %dma_wait3A_371 = tpu.memref_slice %arg9[%dma_wait3A_369, %dma_wait3A_370] : memref<1024x16xf32, #tpu.memory_space<vmem>> -> memref<128x16xf32, #tpu.memory_space<vmem>>
        %dma_wait3A_372 = arith.constant 0 : i32
        %dma_wait3A_373 = tpu.memref_slice %arg8[%add3A_267, %dma_wait3A_372] : memref<88x128xi32, #tpu.memory_space<vmem>> -> memref<1x128xi32, #tpu.memory_space<vmem>>
        %dma_wait3A_374 = tpu.memref_squeeze %dma_wait3A_373 : memref<1x128xi32, #tpu.memory_space<vmem>> -> memref<128xi32, #tpu.memory_space<vmem>>
        %dma_wait3A_375 = arith.constant 0 : i32
        %dma_wait3A_376 = arith.constant 0 : i32
        %dma_wait3A_377 = tpu.memref_slice %arg11[%dma_wait3A_375, %dma_wait3A_376] : memref<10240x16xf32, #tpu.memory_space<vmem_shared>> -> memref<10240x16xf32, #tpu.memory_space<vmem_shared>>
        tpu.wait_indirect_dma semaphore(%run_scoped3A : memref<!tpu.dma_semaphore, #tpu.memory_space<semaphore_mem>>) src(%dma_wait3A_371 : memref<128x16xf32, #tpu.memory_space<vmem>>) dst(%dma_wait3A_377 : memref<10240x16xf32, #tpu.memory_space<vmem_shared>>)
        tpu.yield
      }) : () -> ()
      %add3A_277 = arith.constant 8 : i32
      %add3A_278 = arith.addi %add3A_267, %add3A_277 : i32
      %dma_start3A_279 = arith.constant 512 : i32
      %dma_start3A_280 = arith.constant 0 : i32
      %dma_start3A_281 = tpu.memref_slice %arg9[%dma_start3A_279, %dma_start3A_280] : memref<1024x16xf32, #tpu.memory_space<vmem>> -> memref<128x16xf32, #tpu.memory_space<vmem>>
      %dma_start3A_282 = arith.constant 0 : i32
      %dma_start3A_283 = tpu.memref_slice %arg7[%add3A_278, %dma_start3A_282] : memref<88x128xi32, #tpu.memory_space<vmem>> -> memref<1x128xi32, #tpu.memory_space<vmem>>
      %dma_start3A_284 = tpu.memref_squeeze %dma_start3A_283 : memref<1x128xi32, #tpu.memory_space<vmem>> -> memref<128xi32, #tpu.memory_space<vmem>>
      %dma_start3A_285 = arith.constant 0 : i32
      %dma_start3A_286 = arith.constant 0 : i32
      %dma_start3A_287 = tpu.memref_slice %arg4[%dma_start3A_285, %dma_start3A_286] : memref<10240x16xf32, #tpu.memory_space<hbm>> -> memref<10240x16xf32, #tpu.memory_space<hbm>>
      tpu.enqueue_indirect_dma source(%dma_start3A_287 : memref<10240x16xf32, #tpu.memory_space<hbm>>) target(%dma_start3A_281 : memref<128x16xf32, #tpu.memory_space<vmem>>) offsets(%dma_start3A_284 : memref<128xi32, #tpu.memory_space<vmem>>) semaphore(%arg16 : memref<!tpu.dma_semaphore, #tpu.memory_space<semaphore_mem>>)
      %mul3A_288 = arith.constant 8 : i32
      %mul3A_289 = arith.muli %scan3A_167, %mul3A_288 : i32
      %add3A_290 = arith.constant 5 : i32
      %add3A_291 = arith.addi %mul3A_289, %add3A_290 : i32
      %dma_wait3A_292 = arith.constant 640 : i32
      %dma_wait3A_293 = arith.constant 0 : i32
      %dma_wait3A_294 = tpu.memref_slice %arg9[%dma_wait3A_292, %dma_wait3A_293] : memref<1024x16xf32, #tpu.memory_space<vmem>> -> memref<128x16xf32, #tpu.memory_space<vmem>>
      %dma_wait3A_295 = arith.constant 0 : i32
      %dma_wait3A_296 = tpu.memref_slice %arg7[%add3A_291, %dma_wait3A_295] : memref<88x128xi32, #tpu.memory_space<vmem>> -> memref<1x128xi32, #tpu.memory_space<vmem>>
      %dma_wait3A_297 = tpu.memref_squeeze %dma_wait3A_296 : memref<1x128xi32, #tpu.memory_space<vmem>> -> memref<128xi32, #tpu.memory_space<vmem>>
      %dma_wait3A_298 = arith.constant 0 : i32
      %dma_wait3A_299 = arith.constant 0 : i32
      %dma_wait3A_300 = tpu.memref_slice %arg4[%dma_wait3A_298, %dma_wait3A_299] : memref<10240x16xf32, #tpu.memory_space<hbm>> -> memref<10240x16xf32, #tpu.memory_space<hbm>>
      tpu.wait_indirect_dma semaphore(%arg17 : memref<!tpu.dma_semaphore, #tpu.memory_space<semaphore_mem>>) src(%dma_wait3A_300 : memref<10240x16xf32, #tpu.memory_space<hbm>>) dst(%dma_wait3A_294 : memref<128x16xf32, #tpu.memory_space<vmem>>)
      "tpu.region"() ({
        %run_scoped3A = tpu.sem_alloc : memref<!tpu.dma_semaphore, #tpu.memory_space<semaphore_mem>>
        %dma_start3A_360 = arith.constant 640 : i32
        %dma_start3A_361 = arith.constant 0 : i32
        %dma_start3A_362 = tpu.memref_slice %arg9[%dma_start3A_360, %dma_start3A_361] : memref<1024x16xf32, #tpu.memory_space<vmem>> -> memref<128x16xf32, #tpu.memory_space<vmem>>
        %dma_start3A_363 = arith.constant 0 : i32
        %dma_start3A_364 = tpu.memref_slice %arg8[%add3A_291, %dma_start3A_363] : memref<88x128xi32, #tpu.memory_space<vmem>> -> memref<1x128xi32, #tpu.memory_space<vmem>>
        %dma_start3A_365 = tpu.memref_squeeze %dma_start3A_364 : memref<1x128xi32, #tpu.memory_space<vmem>> -> memref<128xi32, #tpu.memory_space<vmem>>
        %dma_start3A_366 = arith.constant 0 : i32
        %dma_start3A_367 = arith.constant 0 : i32
        %dma_start3A_368 = tpu.memref_slice %arg11[%dma_start3A_366, %dma_start3A_367] : memref<10240x16xf32, #tpu.memory_space<vmem_shared>> -> memref<10240x16xf32, #tpu.memory_space<vmem_shared>>
        tpu.enqueue_indirect_dma source(%dma_start3A_362 : memref<128x16xf32, #tpu.memory_space<vmem>>) target(%dma_start3A_368 : memref<10240x16xf32, #tpu.memory_space<vmem_shared>>) offsets(%dma_start3A_365 : memref<128xi32, #tpu.memory_space<vmem>>) semaphore(%run_scoped3A : memref<!tpu.dma_semaphore, #tpu.memory_space<semaphore_mem>>) {add = true}
        %dma_wait3A_369 = arith.constant 640 : i32
        %dma_wait3A_370 = arith.constant 0 : i32
        %dma_wait3A_371 = tpu.memref_slice %arg9[%dma_wait3A_369, %dma_wait3A_370] : memref<1024x16xf32, #tpu.memory_space<vmem>> -> memref<128x16xf32, #tpu.memory_space<vmem>>
        %dma_wait3A_372 = arith.constant 0 : i32
        %dma_wait3A_373 = tpu.memref_slice %arg8[%add3A_291, %dma_wait3A_372] : memref<88x128xi32, #tpu.memory_space<vmem>> -> memref<1x128xi32, #tpu.memory_space<vmem>>
        %dma_wait3A_374 = tpu.memref_squeeze %dma_wait3A_373 : memref<1x128xi32, #tpu.memory_space<vmem>> -> memref<128xi32, #tpu.memory_space<vmem>>
        %dma_wait3A_375 = arith.constant 0 : i32
        %dma_wait3A_376 = arith.constant 0 : i32
        %dma_wait3A_377 = tpu.memref_slice %arg11[%dma_wait3A_375, %dma_wait3A_376] : memref<10240x16xf32, #tpu.memory_space<vmem_shared>> -> memref<10240x16xf32, #tpu.memory_space<vmem_shared>>
        tpu.wait_indirect_dma semaphore(%run_scoped3A : memref<!tpu.dma_semaphore, #tpu.memory_space<semaphore_mem>>) src(%dma_wait3A_371 : memref<128x16xf32, #tpu.memory_space<vmem>>) dst(%dma_wait3A_377 : memref<10240x16xf32, #tpu.memory_space<vmem_shared>>)
        tpu.yield
      }) : () -> ()
      %add3A_301 = arith.constant 8 : i32
      %add3A_302 = arith.addi %add3A_291, %add3A_301 : i32
      %dma_start3A_303 = arith.constant 640 : i32
      %dma_start3A_304 = arith.constant 0 : i32
      %dma_start3A_305 = tpu.memref_slice %arg9[%dma_start3A_303, %dma_start3A_304] : memref<1024x16xf32, #tpu.memory_space<vmem>> -> memref<128x16xf32, #tpu.memory_space<vmem>>
      %dma_start3A_306 = arith.constant 0 : i32
      %dma_start3A_307 = tpu.memref_slice %arg7[%add3A_302, %dma_start3A_306] : memref<88x128xi32, #tpu.memory_space<vmem>> -> memref<1x128xi32, #tpu.memory_space<vmem>>
      %dma_start3A_308 = tpu.memref_squeeze %dma_start3A_307 : memref<1x128xi32, #tpu.memory_space<vmem>> -> memref<128xi32, #tpu.memory_space<vmem>>
      %dma_start3A_309 = arith.constant 0 : i32
      %dma_start3A_310 = arith.constant 0 : i32
      %dma_start3A_311 = tpu.memref_slice %arg4[%dma_start3A_309, %dma_start3A_310] : memref<10240x16xf32, #tpu.memory_space<hbm>> -> memref<10240x16xf32, #tpu.memory_space<hbm>>
      tpu.enqueue_indirect_dma source(%dma_start3A_311 : memref<10240x16xf32, #tpu.memory_space<hbm>>) target(%dma_start3A_305 : memref<128x16xf32, #tpu.memory_space<vmem>>) offsets(%dma_start3A_308 : memref<128xi32, #tpu.memory_space<vmem>>) semaphore(%arg17 : memref<!tpu.dma_semaphore, #tpu.memory_space<semaphore_mem>>)
      %mul3A_312 = arith.constant 8 : i32
      %mul3A_313 = arith.muli %scan3A_167, %mul3A_312 : i32
      %add3A_314 = arith.constant 6 : i32
      %add3A_315 = arith.addi %mul3A_313, %add3A_314 : i32
      %dma_wait3A_316 = arith.constant 768 : i32
      %dma_wait3A_317 = arith.constant 0 : i32
      %dma_wait3A_318 = tpu.memref_slice %arg9[%dma_wait3A_316, %dma_wait3A_317] : memref<1024x16xf32, #tpu.memory_space<vmem>> -> memref<128x16xf32, #tpu.memory_space<vmem>>
      %dma_wait3A_319 = arith.constant 0 : i32
      %dma_wait3A_320 = tpu.memref_slice %arg7[%add3A_315, %dma_wait3A_319] : memref<88x128xi32, #tpu.memory_space<vmem>> -> memref<1x128xi32, #tpu.memory_space<vmem>>
      %dma_wait3A_321 = tpu.memref_squeeze %dma_wait3A_320 : memref<1x128xi32, #tpu.memory_space<vmem>> -> memref<128xi32, #tpu.memory_space<vmem>>
      %dma_wait3A_322 = arith.constant 0 : i32
      %dma_wait3A_323 = arith.constant 0 : i32
      %dma_wait3A_324 = tpu.memref_slice %arg4[%dma_wait3A_322, %dma_wait3A_323] : memref<10240x16xf32, #tpu.memory_space<hbm>> -> memref<10240x16xf32, #tpu.memory_space<hbm>>
      tpu.wait_indirect_dma semaphore(%arg18 : memref<!tpu.dma_semaphore, #tpu.memory_space<semaphore_mem>>) src(%dma_wait3A_324 : memref<10240x16xf32, #tpu.memory_space<hbm>>) dst(%dma_wait3A_318 : memref<128x16xf32, #tpu.memory_space<vmem>>)
      "tpu.region"() ({
        %run_scoped3A = tpu.sem_alloc : memref<!tpu.dma_semaphore, #tpu.memory_space<semaphore_mem>>
        %dma_start3A_360 = arith.constant 768 : i32
        %dma_start3A_361 = arith.constant 0 : i32
        %dma_start3A_362 = tpu.memref_slice %arg9[%dma_start3A_360, %dma_start3A_361] : memref<1024x16xf32, #tpu.memory_space<vmem>> -> memref<128x16xf32, #tpu.memory_space<vmem>>
        %dma_start3A_363 = arith.constant 0 : i32
        %dma_start3A_364 = tpu.memref_slice %arg8[%add3A_315, %dma_start3A_363] : memref<88x128xi32, #tpu.memory_space<vmem>> -> memref<1x128xi32, #tpu.memory_space<vmem>>
        %dma_start3A_365 = tpu.memref_squeeze %dma_start3A_364 : memref<1x128xi32, #tpu.memory_space<vmem>> -> memref<128xi32, #tpu.memory_space<vmem>>
        %dma_start3A_366 = arith.constant 0 : i32
        %dma_start3A_367 = arith.constant 0 : i32
        %dma_start3A_368 = tpu.memref_slice %arg11[%dma_start3A_366, %dma_start3A_367] : memref<10240x16xf32, #tpu.memory_space<vmem_shared>> -> memref<10240x16xf32, #tpu.memory_space<vmem_shared>>
        tpu.enqueue_indirect_dma source(%dma_start3A_362 : memref<128x16xf32, #tpu.memory_space<vmem>>) target(%dma_start3A_368 : memref<10240x16xf32, #tpu.memory_space<vmem_shared>>) offsets(%dma_start3A_365 : memref<128xi32, #tpu.memory_space<vmem>>) semaphore(%run_scoped3A : memref<!tpu.dma_semaphore, #tpu.memory_space<semaphore_mem>>) {add = true}
        %dma_wait3A_369 = arith.constant 768 : i32
        %dma_wait3A_370 = arith.constant 0 : i32
        %dma_wait3A_371 = tpu.memref_slice %arg9[%dma_wait3A_369, %dma_wait3A_370] : memref<1024x16xf32, #tpu.memory_space<vmem>> -> memref<128x16xf32, #tpu.memory_space<vmem>>
        %dma_wait3A_372 = arith.constant 0 : i32
        %dma_wait3A_373 = tpu.memref_slice %arg8[%add3A_315, %dma_wait3A_372] : memref<88x128xi32, #tpu.memory_space<vmem>> -> memref<1x128xi32, #tpu.memory_space<vmem>>
        %dma_wait3A_374 = tpu.memref_squeeze %dma_wait3A_373 : memref<1x128xi32, #tpu.memory_space<vmem>> -> memref<128xi32, #tpu.memory_space<vmem>>
        %dma_wait3A_375 = arith.constant 0 : i32
        %dma_wait3A_376 = arith.constant 0 : i32
        %dma_wait3A_377 = tpu.memref_slice %arg11[%dma_wait3A_375, %dma_wait3A_376] : memref<10240x16xf32, #tpu.memory_space<vmem_shared>> -> memref<10240x16xf32, #tpu.memory_space<vmem_shared>>
        tpu.wait_indirect_dma semaphore(%run_scoped3A : memref<!tpu.dma_semaphore, #tpu.memory_space<semaphore_mem>>) src(%dma_wait3A_371 : memref<128x16xf32, #tpu.memory_space<vmem>>) dst(%dma_wait3A_377 : memref<10240x16xf32, #tpu.memory_space<vmem_shared>>)
        tpu.yield
      }) : () -> ()
      %add3A_325 = arith.constant 8 : i32
      %add3A_326 = arith.addi %add3A_315, %add3A_325 : i32
      %dma_start3A_327 = arith.constant 768 : i32
      %dma_start3A_328 = arith.constant 0 : i32
      %dma_start3A_329 = tpu.memref_slice %arg9[%dma_start3A_327, %dma_start3A_328] : memref<1024x16xf32, #tpu.memory_space<vmem>> -> memref<128x16xf32, #tpu.memory_space<vmem>>
      %dma_start3A_330 = arith.constant 0 : i32
      %dma_start3A_331 = tpu.memref_slice %arg7[%add3A_326, %dma_start3A_330] : memref<88x128xi32, #tpu.memory_space<vmem>> -> memref<1x128xi32, #tpu.memory_space<vmem>>
      %dma_start3A_332 = tpu.memref_squeeze %dma_start3A_331 : memref<1x128xi32, #tpu.memory_space<vmem>> -> memref<128xi32, #tpu.memory_space<vmem>>
      %dma_start3A_333 = arith.constant 0 : i32
      %dma_start3A_334 = arith.constant 0 : i32
      %dma_start3A_335 = tpu.memref_slice %arg4[%dma_start3A_333, %dma_start3A_334] : memref<10240x16xf32, #tpu.memory_space<hbm>> -> memref<10240x16xf32, #tpu.memory_space<hbm>>
      tpu.enqueue_indirect_dma source(%dma_start3A_335 : memref<10240x16xf32, #tpu.memory_space<hbm>>) target(%dma_start3A_329 : memref<128x16xf32, #tpu.memory_space<vmem>>) offsets(%dma_start3A_332 : memref<128xi32, #tpu.memory_space<vmem>>) semaphore(%arg18 : memref<!tpu.dma_semaphore, #tpu.memory_space<semaphore_mem>>)
      %mul3A_336 = arith.constant 8 : i32
      %mul3A_337 = arith.muli %scan3A_167, %mul3A_336 : i32
      %add3A_338 = arith.constant 7 : i32
      %add3A_339 = arith.addi %mul3A_337, %add3A_338 : i32
      %dma_wait3A_340 = arith.constant 896 : i32
      %dma_wait3A_341 = arith.constant 0 : i32
      %dma_wait3A_342 = tpu.memref_slice %arg9[%dma_wait3A_340, %dma_wait3A_341] : memref<1024x16xf32, #tpu.memory_space<vmem>> -> memref<128x16xf32, #tpu.memory_space<vmem>>
      %dma_wait3A_343 = arith.constant 0 : i32
      %dma_wait3A_344 = tpu.memref_slice %arg7[%add3A_339, %dma_wait3A_343] : memref<88x128xi32, #tpu.memory_space<vmem>> -> memref<1x128xi32, #tpu.memory_space<vmem>>
      %dma_wait3A_345 = tpu.memref_squeeze %dma_wait3A_344 : memref<1x128xi32, #tpu.memory_space<vmem>> -> memref<128xi32, #tpu.memory_space<vmem>>
      %dma_wait3A_346 = arith.constant 0 : i32
      %dma_wait3A_347 = arith.constant 0 : i32
      %dma_wait3A_348 = tpu.memref_slice %arg4[%dma_wait3A_346, %dma_wait3A_347] : memref<10240x16xf32, #tpu.memory_space<hbm>> -> memref<10240x16xf32, #tpu.memory_space<hbm>>
      tpu.wait_indirect_dma semaphore(%arg19 : memref<!tpu.dma_semaphore, #tpu.memory_space<semaphore_mem>>) src(%dma_wait3A_348 : memref<10240x16xf32, #tpu.memory_space<hbm>>) dst(%dma_wait3A_342 : memref<128x16xf32, #tpu.memory_space<vmem>>)
      "tpu.region"() ({
        %run_scoped3A = tpu.sem_alloc : memref<!tpu.dma_semaphore, #tpu.memory_space<semaphore_mem>>
        %dma_start3A_360 = arith.constant 896 : i32
        %dma_start3A_361 = arith.constant 0 : i32
        %dma_start3A_362 = tpu.memref_slice %arg9[%dma_start3A_360, %dma_start3A_361] : memref<1024x16xf32, #tpu.memory_space<vmem>> -> memref<128x16xf32, #tpu.memory_space<vmem>>
        %dma_start3A_363 = arith.constant 0 : i32
        %dma_start3A_364 = tpu.memref_slice %arg8[%add3A_339, %dma_start3A_363] : memref<88x128xi32, #tpu.memory_space<vmem>> -> memref<1x128xi32, #tpu.memory_space<vmem>>
        %dma_start3A_365 = tpu.memref_squeeze %dma_start3A_364 : memref<1x128xi32, #tpu.memory_space<vmem>> -> memref<128xi32, #tpu.memory_space<vmem>>
        %dma_start3A_366 = arith.constant 0 : i32
        %dma_start3A_367 = arith.constant 0 : i32
        %dma_start3A_368 = tpu.memref_slice %arg11[%dma_start3A_366, %dma_start3A_367] : memref<10240x16xf32, #tpu.memory_space<vmem_shared>> -> memref<10240x16xf32, #tpu.memory_space<vmem_shared>>
        tpu.enqueue_indirect_dma source(%dma_start3A_362 : memref<128x16xf32, #tpu.memory_space<vmem>>) target(%dma_start3A_368 : memref<10240x16xf32, #tpu.memory_space<vmem_shared>>) offsets(%dma_start3A_365 : memref<128xi32, #tpu.memory_space<vmem>>) semaphore(%run_scoped3A : memref<!tpu.dma_semaphore, #tpu.memory_space<semaphore_mem>>) {add = true}
        %dma_wait3A_369 = arith.constant 896 : i32
        %dma_wait3A_370 = arith.constant 0 : i32
        %dma_wait3A_371 = tpu.memref_slice %arg9[%dma_wait3A_369, %dma_wait3A_370] : memref<1024x16xf32, #tpu.memory_space<vmem>> -> memref<128x16xf32, #tpu.memory_space<vmem>>
        %dma_wait3A_372 = arith.constant 0 : i32
        %dma_wait3A_373 = tpu.memref_slice %arg8[%add3A_339, %dma_wait3A_372] : memref<88x128xi32, #tpu.memory_space<vmem>> -> memref<1x128xi32, #tpu.memory_space<vmem>>
        %dma_wait3A_374 = tpu.memref_squeeze %dma_wait3A_373 : memref<1x128xi32, #tpu.memory_space<vmem>> -> memref<128xi32, #tpu.memory_space<vmem>>
        %dma_wait3A_375 = arith.constant 0 : i32
        %dma_wait3A_376 = arith.constant 0 : i32
        %dma_wait3A_377 = tpu.memref_slice %arg11[%dma_wait3A_375, %dma_wait3A_376] : memref<10240x16xf32, #tpu.memory_space<vmem_shared>> -> memref<10240x16xf32, #tpu.memory_space<vmem_shared>>
        tpu.wait_indirect_dma semaphore(%run_scoped3A : memref<!tpu.dma_semaphore, #tpu.memory_space<semaphore_mem>>) src(%dma_wait3A_371 : memref<128x16xf32, #tpu.memory_space<vmem>>) dst(%dma_wait3A_377 : memref<10240x16xf32, #tpu.memory_space<vmem_shared>>)
        tpu.yield
      }) : () -> ()
      %add3A_349 = arith.constant 8 : i32
      %add3A_350 = arith.addi %add3A_339, %add3A_349 : i32
      %dma_start3A_351 = arith.constant 896 : i32
      %dma_start3A_352 = arith.constant 0 : i32
      %dma_start3A_353 = tpu.memref_slice %arg9[%dma_start3A_351, %dma_start3A_352] : memref<1024x16xf32, #tpu.memory_space<vmem>> -> memref<128x16xf32, #tpu.memory_space<vmem>>
      %dma_start3A_354 = arith.constant 0 : i32
      %dma_start3A_355 = tpu.memref_slice %arg7[%add3A_350, %dma_start3A_354] : memref<88x128xi32, #tpu.memory_space<vmem>> -> memref<1x128xi32, #tpu.memory_space<vmem>>
      %dma_start3A_356 = tpu.memref_squeeze %dma_start3A_355 : memref<1x128xi32, #tpu.memory_space<vmem>> -> memref<128xi32, #tpu.memory_space<vmem>>
      %dma_start3A_357 = arith.constant 0 : i32
      %dma_start3A_358 = arith.constant 0 : i32
      %dma_start3A_359 = tpu.memref_slice %arg4[%dma_start3A_357, %dma_start3A_358] : memref<10240x16xf32, #tpu.memory_space<hbm>> -> memref<10240x16xf32, #tpu.memory_space<hbm>>
      tpu.enqueue_indirect_dma source(%dma_start3A_359 : memref<10240x16xf32, #tpu.memory_space<hbm>>) target(%dma_start3A_353 : memref<128x16xf32, #tpu.memory_space<vmem>>) offsets(%dma_start3A_356 : memref<128xi32, #tpu.memory_space<vmem>>) semaphore(%arg19 : memref<!tpu.dma_semaphore, #tpu.memory_space<semaphore_mem>>)
    }
    %scan3A_86 = arith.constant 10 : i32
    %dma_wait3A = arith.constant 0 : i32
    %dma_wait3A_87 = arith.constant 0 : i32
    %dma_wait3A_88 = arith.constant 0 : i32
    %dma_wait3A_89 = tpu.memref_slice %arg9[%dma_wait3A_87, %dma_wait3A_88] : memref<1024x16xf32, #tpu.memory_space<vmem>> -> memref<128x16xf32, #tpu.memory_space<vmem>>
    %dma_wait3A_90 = arith.constant 0 : i32
    %dma_wait3A_91 = tpu.memref_slice %arg7[%dma_wait3A, %dma_wait3A_90] : memref<88x128xi32, #tpu.memory_space<vmem>> -> memref<1x128xi32, #tpu.memory_space<vmem>>
    %dma_wait3A_92 = tpu.memref_squeeze %dma_wait3A_91 : memref<1x128xi32, #tpu.memory_space<vmem>> -> memref<128xi32, #tpu.memory_space<vmem>>
    %dma_wait3A_93 = arith.constant 0 : i32
    %dma_wait3A_94 = arith.constant 0 : i32
    %dma_wait3A_95 = tpu.memref_slice %arg4[%dma_wait3A_93, %dma_wait3A_94] : memref<10240x16xf32, #tpu.memory_space<hbm>> -> memref<10240x16xf32, #tpu.memory_space<hbm>>
    tpu.wait_indirect_dma semaphore(%arg12 : memref<!tpu.dma_semaphore, #tpu.memory_space<semaphore_mem>>) src(%dma_wait3A_95 : memref<10240x16xf32, #tpu.memory_space<hbm>>) dst(%dma_wait3A_89 : memref<128x16xf32, #tpu.memory_space<vmem>>)
    %dma_wait3A_96 = arith.constant 1 : i32
    %dma_wait3A_97 = arith.constant 128 : i32
    %dma_wait3A_98 = arith.constant 0 : i32
    %dma_wait3A_99 = tpu.memref_slice %arg9[%dma_wait3A_97, %dma_wait3A_98] : memref<1024x16xf32, #tpu.memory_space<vmem>> -> memref<128x16xf32, #tpu.memory_space<vmem>>
    %dma_wait3A_100 = arith.constant 0 : i32
    %dma_wait3A_101 = tpu.memref_slice %arg7[%dma_wait3A_96, %dma_wait3A_100] : memref<88x128xi32, #tpu.memory_space<vmem>> -> memref<1x128xi32, #tpu.memory_space<vmem>>
    %dma_wait3A_102 = tpu.memref_squeeze %dma_wait3A_101 : memref<1x128xi32, #tpu.memory_space<vmem>> -> memref<128xi32, #tpu.memory_space<vmem>>
    %dma_wait3A_103 = arith.constant 0 : i32
    %dma_wait3A_104 = arith.constant 0 : i32
    %dma_wait3A_105 = tpu.memref_slice %arg4[%dma_wait3A_103, %dma_wait3A_104] : memref<10240x16xf32, #tpu.memory_space<hbm>> -> memref<10240x16xf32, #tpu.memory_space<hbm>>
    tpu.wait_indirect_dma semaphore(%arg13 : memref<!tpu.dma_semaphore, #tpu.memory_space<semaphore_mem>>) src(%dma_wait3A_105 : memref<10240x16xf32, #tpu.memory_space<hbm>>) dst(%dma_wait3A_99 : memref<128x16xf32, #tpu.memory_space<vmem>>)
    %dma_wait3A_106 = arith.constant 2 : i32
    %dma_wait3A_107 = arith.constant 256 : i32
    %dma_wait3A_108 = arith.constant 0 : i32
    %dma_wait3A_109 = tpu.memref_slice %arg9[%dma_wait3A_107, %dma_wait3A_108] : memref<1024x16xf32, #tpu.memory_space<vmem>> -> memref<128x16xf32, #tpu.memory_space<vmem>>
    %dma_wait3A_110 = arith.constant 0 : i32
    %dma_wait3A_111 = tpu.memref_slice %arg7[%dma_wait3A_106, %dma_wait3A_110] : memref<88x128xi32, #tpu.memory_space<vmem>> -> memref<1x128xi32, #tpu.memory_space<vmem>>
    %dma_wait3A_112 = tpu.memref_squeeze %dma_wait3A_111 : memref<1x128xi32, #tpu.memory_space<vmem>> -> memref<128xi32, #tpu.memory_space<vmem>>
    %dma_wait3A_113 = arith.constant 0 : i32
    %dma_wait3A_114 = arith.constant 0 : i32
    %dma_wait3A_115 = tpu.memref_slice %arg4[%dma_wait3A_113, %dma_wait3A_114] : memref<10240x16xf32, #tpu.memory_space<hbm>> -> memref<10240x16xf32, #tpu.memory_space<hbm>>
    tpu.wait_indirect_dma semaphore(%arg14 : memref<!tpu.dma_semaphore, #tpu.memory_space<semaphore_mem>>) src(%dma_wait3A_115 : memref<10240x16xf32, #tpu.memory_space<hbm>>) dst(%dma_wait3A_109 : memref<128x16xf32, #tpu.memory_space<vmem>>)
    %dma_wait3A_116 = arith.constant 3 : i32
    %dma_wait3A_117 = arith.constant 384 : i32
    %dma_wait3A_118 = arith.constant 0 : i32
    %dma_wait3A_119 = tpu.memref_slice %arg9[%dma_wait3A_117, %dma_wait3A_118] : memref<1024x16xf32, #tpu.memory_space<vmem>> -> memref<128x16xf32, #tpu.memory_space<vmem>>
    %dma_wait3A_120 = arith.constant 0 : i32
    %dma_wait3A_121 = tpu.memref_slice %arg7[%dma_wait3A_116, %dma_wait3A_120] : memref<88x128xi32, #tpu.memory_space<vmem>> -> memref<1x128xi32, #tpu.memory_space<vmem>>
    %dma_wait3A_122 = tpu.memref_squeeze %dma_wait3A_121 : memref<1x128xi32, #tpu.memory_space<vmem>> -> memref<128xi32, #tpu.memory_space<vmem>>
    %dma_wait3A_123 = arith.constant 0 : i32
    %dma_wait3A_124 = arith.constant 0 : i32
    %dma_wait3A_125 = tpu.memref_slice %arg4[%dma_wait3A_123, %dma_wait3A_124] : memref<10240x16xf32, #tpu.memory_space<hbm>> -> memref<10240x16xf32, #tpu.memory_space<hbm>>
    tpu.wait_indirect_dma semaphore(%arg15 : memref<!tpu.dma_semaphore, #tpu.memory_space<semaphore_mem>>) src(%dma_wait3A_125 : memref<10240x16xf32, #tpu.memory_space<hbm>>) dst(%dma_wait3A_119 : memref<128x16xf32, #tpu.memory_space<vmem>>)
    %dma_wait3A_126 = arith.constant 4 : i32
    %dma_wait3A_127 = arith.constant 512 : i32
    %dma_wait3A_128 = arith.constant 0 : i32
    %dma_wait3A_129 = tpu.memref_slice %arg9[%dma_wait3A_127, %dma_wait3A_128] : memref<1024x16xf32, #tpu.memory_space<vmem>> -> memref<128x16xf32, #tpu.memory_space<vmem>>
    %dma_wait3A_130 = arith.constant 0 : i32
    %dma_wait3A_131 = tpu.memref_slice %arg7[%dma_wait3A_126, %dma_wait3A_130] : memref<88x128xi32, #tpu.memory_space<vmem>> -> memref<1x128xi32, #tpu.memory_space<vmem>>
    %dma_wait3A_132 = tpu.memref_squeeze %dma_wait3A_131 : memref<1x128xi32, #tpu.memory_space<vmem>> -> memref<128xi32, #tpu.memory_space<vmem>>
    %dma_wait3A_133 = arith.constant 0 : i32
    %dma_wait3A_134 = arith.constant 0 : i32
    %dma_wait3A_135 = tpu.memref_slice %arg4[%dma_wait3A_133, %dma_wait3A_134] : memref<10240x16xf32, #tpu.memory_space<hbm>> -> memref<10240x16xf32, #tpu.memory_space<hbm>>
    tpu.wait_indirect_dma semaphore(%arg16 : memref<!tpu.dma_semaphore, #tpu.memory_space<semaphore_mem>>) src(%dma_wait3A_135 : memref<10240x16xf32, #tpu.memory_space<hbm>>) dst(%dma_wait3A_129 : memref<128x16xf32, #tpu.memory_space<vmem>>)
    %dma_wait3A_136 = arith.constant 5 : i32
    %dma_wait3A_137 = arith.constant 640 : i32
    %dma_wait3A_138 = arith.constant 0 : i32
    %dma_wait3A_139 = tpu.memref_slice %arg9[%dma_wait3A_137, %dma_wait3A_138] : memref<1024x16xf32, #tpu.memory_space<vmem>> -> memref<128x16xf32, #tpu.memory_space<vmem>>
    %dma_wait3A_140 = arith.constant 0 : i32
    %dma_wait3A_141 = tpu.memref_slice %arg7[%dma_wait3A_136, %dma_wait3A_140] : memref<88x128xi32, #tpu.memory_space<vmem>> -> memref<1x128xi32, #tpu.memory_space<vmem>>
    %dma_wait3A_142 = tpu.memref_squeeze %dma_wait3A_141 : memref<1x128xi32, #tpu.memory_space<vmem>> -> memref<128xi32, #tpu.memory_space<vmem>>
    %dma_wait3A_143 = arith.constant 0 : i32
    %dma_wait3A_144 = arith.constant 0 : i32
    %dma_wait3A_145 = tpu.memref_slice %arg4[%dma_wait3A_143, %dma_wait3A_144] : memref<10240x16xf32, #tpu.memory_space<hbm>> -> memref<10240x16xf32, #tpu.memory_space<hbm>>
    tpu.wait_indirect_dma semaphore(%arg17 : memref<!tpu.dma_semaphore, #tpu.memory_space<semaphore_mem>>) src(%dma_wait3A_145 : memref<10240x16xf32, #tpu.memory_space<hbm>>) dst(%dma_wait3A_139 : memref<128x16xf32, #tpu.memory_space<vmem>>)
    %dma_wait3A_146 = arith.constant 6 : i32
    %dma_wait3A_147 = arith.constant 768 : i32
    %dma_wait3A_148 = arith.constant 0 : i32
    %dma_wait3A_149 = tpu.memref_slice %arg9[%dma_wait3A_147, %dma_wait3A_148] : memref<1024x16xf32, #tpu.memory_space<vmem>> -> memref<128x16xf32, #tpu.memory_space<vmem>>
    %dma_wait3A_150 = arith.constant 0 : i32
    %dma_wait3A_151 = tpu.memref_slice %arg7[%dma_wait3A_146, %dma_wait3A_150] : memref<88x128xi32, #tpu.memory_space<vmem>> -> memref<1x128xi32, #tpu.memory_space<vmem>>
    %dma_wait3A_152 = tpu.memref_squeeze %dma_wait3A_151 : memref<1x128xi32, #tpu.memory_space<vmem>> -> memref<128xi32, #tpu.memory_space<vmem>>
    %dma_wait3A_153 = arith.constant 0 : i32
    %dma_wait3A_154 = arith.constant 0 : i32
    %dma_wait3A_155 = tpu.memref_slice %arg4[%dma_wait3A_153, %dma_wait3A_154] : memref<10240x16xf32, #tpu.memory_space<hbm>> -> memref<10240x16xf32, #tpu.memory_space<hbm>>
    tpu.wait_indirect_dma semaphore(%arg18 : memref<!tpu.dma_semaphore, #tpu.memory_space<semaphore_mem>>) src(%dma_wait3A_155 : memref<10240x16xf32, #tpu.memory_space<hbm>>) dst(%dma_wait3A_149 : memref<128x16xf32, #tpu.memory_space<vmem>>)
    %dma_wait3A_156 = arith.constant 7 : i32
    %dma_wait3A_157 = arith.constant 896 : i32
    %dma_wait3A_158 = arith.constant 0 : i32
    %dma_wait3A_159 = tpu.memref_slice %arg9[%dma_wait3A_157, %dma_wait3A_158] : memref<1024x16xf32, #tpu.memory_space<vmem>> -> memref<128x16xf32, #tpu.memory_space<vmem>>
    %dma_wait3A_160 = arith.constant 0 : i32
    %dma_wait3A_161 = tpu.memref_slice %arg7[%dma_wait3A_156, %dma_wait3A_160] : memref<88x128xi32, #tpu.memory_space<vmem>> -> memref<1x128xi32, #tpu.memory_space<vmem>>
    %dma_wait3A_162 = tpu.memref_squeeze %dma_wait3A_161 : memref<1x128xi32, #tpu.memory_space<vmem>> -> memref<128xi32, #tpu.memory_space<vmem>>
    %dma_wait3A_163 = arith.constant 0 : i32
    %dma_wait3A_164 = arith.constant 0 : i32
    %dma_wait3A_165 = tpu.memref_slice %arg4[%dma_wait3A_163, %dma_wait3A_164] : memref<10240x16xf32, #tpu.memory_space<hbm>> -> memref<10240x16xf32, #tpu.memory_space<hbm>>
    tpu.wait_indirect_dma semaphore(%arg19 : memref<!tpu.dma_semaphore, #tpu.memory_space<semaphore_mem>>) src(%dma_wait3A_165 : memref<10240x16xf32, #tpu.memory_space<hbm>>) dst(%dma_wait3A_159 : memref<128x16xf32, #tpu.memory_space<vmem>>)
    %barrier3A_166 = arith.constant 0 : index
    tpu.barrier barrier_id(%barrier3A_166)
    "tpu.region"() ({
      %run_scoped3A = tpu.sem_alloc : memref<!tpu.dma_semaphore, #tpu.memory_space<semaphore_mem>>
      %dma_start3A_167 = arith.constant 0 : i32
      %dma_start3A_168 = tpu.memref_slice %arg11[%mul3A_2, %dma_start3A_167] : memref<10240x16xf32, #tpu.memory_space<vmem_shared>> -> memref<640x16xf32, #tpu.memory_space<vmem_shared>>
      %dma_start3A_169 = arith.constant 0 : i32
      %dma_start3A_170 = tpu.memref_slice %arg11[%mul3A_2, %dma_start3A_169] : memref<10240x16xf32, #tpu.memory_space<vmem_shared>> -> memref<640x16xf32, #tpu.memory_space<vmem_shared>>
      tpu.enqueue_dma source(%dma_start3A_170 : memref<640x16xf32, #tpu.memory_space<vmem_shared>>) target(%arg10 : memref<640x16xf32, #tpu.memory_space<vmem>>) target_semaphore(%run_scoped3A : memref<!tpu.dma_semaphore, #tpu.memory_space<semaphore_mem>>)
      %dma_wait3A_171 = arith.constant 0 : i32
      %dma_wait3A_172 = tpu.memref_slice %arg11[%mul3A_2, %dma_wait3A_171] : memref<10240x16xf32, #tpu.memory_space<vmem_shared>> -> memref<640x16xf32, #tpu.memory_space<vmem_shared>>
      %dma_wait3A_173 = arith.constant 0 : i32
      %dma_wait3A_174 = tpu.memref_slice %arg11[%mul3A_2, %dma_wait3A_173] : memref<10240x16xf32, #tpu.memory_space<vmem_shared>> -> memref<640x16xf32, #tpu.memory_space<vmem_shared>>
      tpu.wait_dma2 semaphore(%run_scoped3A : memref<!tpu.dma_semaphore, #tpu.memory_space<semaphore_mem>>) src(%dma_wait3A_174 : memref<640x16xf32, #tpu.memory_space<vmem_shared>>) dst(%arg10 : memref<640x16xf32, #tpu.memory_space<vmem>>)
      tpu.yield
    }) : () -> ()
    "tpu.region"() ({
      %run_scoped3A = tpu.sem_alloc : memref<!tpu.dma_semaphore, #tpu.memory_space<semaphore_mem>>
      %dma_start3A_167 = arith.constant 0 : i32
      %dma_start3A_168 = tpu.memref_slice %arg6[%arg0, %mul3A_2, %dma_start3A_167] : memref<2x10240x16xf32, #tpu.memory_space<hbm>> -> memref<1x640x16xf32, #tpu.memory_space<hbm>>
      %dma_start3A_169 = tpu.memref_squeeze %dma_start3A_168 : memref<1x640x16xf32, #tpu.memory_space<hbm>> -> memref<640x16xf32, #tpu.memory_space<hbm>>
      %dma_start3A_170 = arith.constant 0 : i32
      %dma_start3A_171 = tpu.memref_slice %arg6[%arg0, %mul3A_2, %dma_start3A_170] : memref<2x10240x16xf32, #tpu.memory_space<hbm>> -> memref<1x640x16xf32, #tpu.memory_space<hbm>>
      %dma_start3A_172 = tpu.memref_squeeze %dma_start3A_171 : memref<1x640x16xf32, #tpu.memory_space<hbm>> -> memref<640x16xf32, #tpu.memory_space<hbm>>
      tpu.enqueue_dma source(%arg10 : memref<640x16xf32, #tpu.memory_space<vmem>>) target(%dma_start3A_172 : memref<640x16xf32, #tpu.memory_space<hbm>>) target_semaphore(%run_scoped3A : memref<!tpu.dma_semaphore, #tpu.memory_space<semaphore_mem>>)
      %dma_wait3A_173 = arith.constant 0 : i32
      %dma_wait3A_174 = tpu.memref_slice %arg6[%arg0, %mul3A_2, %dma_wait3A_173] : memref<2x10240x16xf32, #tpu.memory_space<hbm>> -> memref<1x640x16xf32, #tpu.memory_space<hbm>>
      %dma_wait3A_175 = tpu.memref_squeeze %dma_wait3A_174 : memref<1x640x16xf32, #tpu.memory_space<hbm>> -> memref<640x16xf32, #tpu.memory_space<hbm>>
      %dma_wait3A_176 = arith.constant 0 : i32
      %dma_wait3A_177 = tpu.memref_slice %arg6[%arg0, %mul3A_2, %dma_wait3A_176] : memref<2x10240x16xf32, #tpu.memory_space<hbm>> -> memref<1x640x16xf32, #tpu.memory_space<hbm>>
      %dma_wait3A_178 = tpu.memref_squeeze %dma_wait3A_177 : memref<1x640x16xf32, #tpu.memory_space<hbm>> -> memref<640x16xf32, #tpu.memory_space<hbm>>
      tpu.wait_dma2 semaphore(%run_scoped3A : memref<!tpu.dma_semaphore, #tpu.memory_space<semaphore_mem>>) src(%arg10 : memref<640x16xf32, #tpu.memory_space<vmem>>) dst(%dma_wait3A_178 : memref<640x16xf32, #tpu.memory_space<hbm>>)
      tpu.yield
    }) : () -> ()
    return
  }
}

#map = affine_map<(d0, d1) -> (0, 0, 0)>
#map1 = affine_map<(d0, d1) -> (0, 0)>
module attributes {stable_mosaic.version = 14 : i64} {
  func.func @agg_kernel(%arg0: i32, %arg1: i32, %arg2: memref<32x88x128xi32, #tpu.memory_space<hbm>>, %arg3: memref<32x88x128xi32, #tpu.memory_space<hbm>>, %arg4: memref<10240x32xf32, #tpu.memory_space<hbm>>, %arg5: memref<640x32xf32, #tpu.memory_space<hbm>>, %arg6: memref<2x10240x32xf32, #tpu.memory_space<hbm>>, %arg7: memref<88x128xi32, #tpu.memory_space<vmem>>, %arg8: memref<88x128xi32, #tpu.memory_space<vmem>>, %arg9: memref<1024x32xf32, #tpu.memory_space<vmem>>, %arg10: memref<640x32xf32, #tpu.memory_space<vmem>>, %arg11: memref<10240x32xf32, #tpu.memory_space<vmem_shared>>, %arg12: memref<!tpu.dma_semaphore, #tpu.memory_space<semaphore_mem>>, %arg13: memref<!tpu.dma_semaphore, #tpu.memory_space<semaphore_mem>>, %arg14: memref<!tpu.dma_semaphore, #tpu.memory_space<semaphore_mem>>, %arg15: memref<!tpu.dma_semaphore, #tpu.memory_space<semaphore_mem>>, %arg16: memref<!tpu.dma_semaphore, #tpu.memory_space<semaphore_mem>>, %arg17: memref<!tpu.dma_semaphore, #tpu.memory_space<semaphore_mem>>, %arg18: memref<!tpu.dma_semaphore, #tpu.memory_space<semaphore_mem>>, %arg19: memref<!tpu.dma_semaphore, #tpu.memory_space<semaphore_mem>>) attributes {dimension_semantics = [#tpu.dimension_semantics<core_parallel>, #tpu.dimension_semantics<subcore_parallel>], iteration_bounds = array<i64: 2, 16>, scalar_prefetch = 0 : i64, scratch_operands = 13 : i64, tpu.core_type = #tpu.core_type<sc_vector_subcore>, window_params = [{transform_indices = #map}, {transform_indices = #map}, {transform_indices = #map1}, {transform_indices = #map1}, {transform_indices = #map}]} {
    %mul3A = arith.constant 2 : i32
    %mul3A_0 = arith.muli %arg1, %mul3A : i32
    %add3A = arith.addi %mul3A_0, %arg0 : i32
    %mul3A_1 = arith.constant 640 : i32
    %mul3A_2 = arith.muli %arg1, %mul3A_1 : i32
    "tpu.region"() ({
      %run_scoped3A = tpu.sem_alloc : memref<!tpu.dma_semaphore, #tpu.memory_space<semaphore_mem>>
      tpu.enqueue_dma source(%arg5 : memref<640x32xf32, #tpu.memory_space<hbm>>) target(%arg10 : memref<640x32xf32, #tpu.memory_space<vmem>>) target_semaphore(%run_scoped3A : memref<!tpu.dma_semaphore, #tpu.memory_space<semaphore_mem>>)
      tpu.wait_dma2 semaphore(%run_scoped3A : memref<!tpu.dma_semaphore, #tpu.memory_space<semaphore_mem>>) src(%arg5 : memref<640x32xf32, #tpu.memory_space<hbm>>) dst(%arg10 : memref<640x32xf32, #tpu.memory_space<vmem>>)
      tpu.yield
    }) : () -> ()
    "tpu.region"() ({
      %run_scoped3A = tpu.sem_alloc : memref<!tpu.dma_semaphore, #tpu.memory_space<semaphore_mem>>
      %dma_start3A_167 = arith.constant 0 : i32
      %dma_start3A_168 = tpu.memref_slice %arg11[%mul3A_2, %dma_start3A_167] : memref<10240x32xf32, #tpu.memory_space<vmem_shared>> -> memref<640x32xf32, #tpu.memory_space<vmem_shared>>
      %dma_start3A_169 = arith.constant 0 : i32
      %dma_start3A_170 = tpu.memref_slice %arg11[%mul3A_2, %dma_start3A_169] : memref<10240x32xf32, #tpu.memory_space<vmem_shared>> -> memref<640x32xf32, #tpu.memory_space<vmem_shared>>
      tpu.enqueue_dma source(%arg10 : memref<640x32xf32, #tpu.memory_space<vmem>>) target(%dma_start3A_170 : memref<640x32xf32, #tpu.memory_space<vmem_shared>>) target_semaphore(%run_scoped3A : memref<!tpu.dma_semaphore, #tpu.memory_space<semaphore_mem>>)
      %dma_wait3A_171 = arith.constant 0 : i32
      %dma_wait3A_172 = tpu.memref_slice %arg11[%mul3A_2, %dma_wait3A_171] : memref<10240x32xf32, #tpu.memory_space<vmem_shared>> -> memref<640x32xf32, #tpu.memory_space<vmem_shared>>
      %dma_wait3A_173 = arith.constant 0 : i32
      %dma_wait3A_174 = tpu.memref_slice %arg11[%mul3A_2, %dma_wait3A_173] : memref<10240x32xf32, #tpu.memory_space<vmem_shared>> -> memref<640x32xf32, #tpu.memory_space<vmem_shared>>
      tpu.wait_dma2 semaphore(%run_scoped3A : memref<!tpu.dma_semaphore, #tpu.memory_space<semaphore_mem>>) src(%arg10 : memref<640x32xf32, #tpu.memory_space<vmem>>) dst(%dma_wait3A_174 : memref<640x32xf32, #tpu.memory_space<vmem_shared>>)
      tpu.yield
    }) : () -> ()
    "tpu.region"() ({
      %run_scoped3A = tpu.sem_alloc : memref<!tpu.dma_semaphore, #tpu.memory_space<semaphore_mem>>
      %dma_start3A_167 = arith.constant 0 : i32
      %dma_start3A_168 = arith.constant 0 : i32
      %dma_start3A_169 = tpu.memref_slice %arg2[%add3A, %dma_start3A_167, %dma_start3A_168] : memref<32x88x128xi32, #tpu.memory_space<hbm>> -> memref<1x88x128xi32, #tpu.memory_space<hbm>>
      %dma_start3A_170 = tpu.memref_squeeze %dma_start3A_169 : memref<1x88x128xi32, #tpu.memory_space<hbm>> -> memref<88x128xi32, #tpu.memory_space<hbm>>
      %dma_start3A_171 = arith.constant 0 : i32
      %dma_start3A_172 = arith.constant 0 : i32
      %dma_start3A_173 = tpu.memref_slice %arg2[%add3A, %dma_start3A_171, %dma_start3A_172] : memref<32x88x128xi32, #tpu.memory_space<hbm>> -> memref<1x88x128xi32, #tpu.memory_space<hbm>>
      %dma_start3A_174 = tpu.memref_squeeze %dma_start3A_173 : memref<1x88x128xi32, #tpu.memory_space<hbm>> -> memref<88x128xi32, #tpu.memory_space<hbm>>
      tpu.enqueue_dma source(%dma_start3A_174 : memref<88x128xi32, #tpu.memory_space<hbm>>) target(%arg7 : memref<88x128xi32, #tpu.memory_space<vmem>>) target_semaphore(%run_scoped3A : memref<!tpu.dma_semaphore, #tpu.memory_space<semaphore_mem>>)
      %dma_wait3A_175 = arith.constant 0 : i32
      %dma_wait3A_176 = arith.constant 0 : i32
      %dma_wait3A_177 = tpu.memref_slice %arg2[%add3A, %dma_wait3A_175, %dma_wait3A_176] : memref<32x88x128xi32, #tpu.memory_space<hbm>> -> memref<1x88x128xi32, #tpu.memory_space<hbm>>
      %dma_wait3A_178 = tpu.memref_squeeze %dma_wait3A_177 : memref<1x88x128xi32, #tpu.memory_space<hbm>> -> memref<88x128xi32, #tpu.memory_space<hbm>>
      %dma_wait3A_179 = arith.constant 0 : i32
      %dma_wait3A_180 = arith.constant 0 : i32
      %dma_wait3A_181 = tpu.memref_slice %arg2[%add3A, %dma_wait3A_179, %dma_wait3A_180] : memref<32x88x128xi32, #tpu.memory_space<hbm>> -> memref<1x88x128xi32, #tpu.memory_space<hbm>>
      %dma_wait3A_182 = tpu.memref_squeeze %dma_wait3A_181 : memref<1x88x128xi32, #tpu.memory_space<hbm>> -> memref<88x128xi32, #tpu.memory_space<hbm>>
      tpu.wait_dma2 semaphore(%run_scoped3A : memref<!tpu.dma_semaphore, #tpu.memory_space<semaphore_mem>>) src(%dma_wait3A_182 : memref<88x128xi32, #tpu.memory_space<hbm>>) dst(%arg7 : memref<88x128xi32, #tpu.memory_space<vmem>>)
      tpu.yield
    }) : () -> ()
    "tpu.region"() ({
      %run_scoped3A = tpu.sem_alloc : memref<!tpu.dma_semaphore, #tpu.memory_space<semaphore_mem>>
      %dma_start3A_167 = arith.constant 0 : i32
      %dma_start3A_168 = arith.constant 0 : i32
      %dma_start3A_169 = tpu.memref_slice %arg3[%add3A, %dma_start3A_167, %dma_start3A_168] : memref<32x88x128xi32, #tpu.memory_space<hbm>> -> memref<1x88x128xi32, #tpu.memory_space<hbm>>
      %dma_start3A_170 = tpu.memref_squeeze %dma_start3A_169 : memref<1x88x128xi32, #tpu.memory_space<hbm>> -> memref<88x128xi32, #tpu.memory_space<hbm>>
      %dma_start3A_171 = arith.constant 0 : i32
      %dma_start3A_172 = arith.constant 0 : i32
      %dma_start3A_173 = tpu.memref_slice %arg3[%add3A, %dma_start3A_171, %dma_start3A_172] : memref<32x88x128xi32, #tpu.memory_space<hbm>> -> memref<1x88x128xi32, #tpu.memory_space<hbm>>
      %dma_start3A_174 = tpu.memref_squeeze %dma_start3A_173 : memref<1x88x128xi32, #tpu.memory_space<hbm>> -> memref<88x128xi32, #tpu.memory_space<hbm>>
      tpu.enqueue_dma source(%dma_start3A_174 : memref<88x128xi32, #tpu.memory_space<hbm>>) target(%arg8 : memref<88x128xi32, #tpu.memory_space<vmem>>) target_semaphore(%run_scoped3A : memref<!tpu.dma_semaphore, #tpu.memory_space<semaphore_mem>>)
      %dma_wait3A_175 = arith.constant 0 : i32
      %dma_wait3A_176 = arith.constant 0 : i32
      %dma_wait3A_177 = tpu.memref_slice %arg3[%add3A, %dma_wait3A_175, %dma_wait3A_176] : memref<32x88x128xi32, #tpu.memory_space<hbm>> -> memref<1x88x128xi32, #tpu.memory_space<hbm>>
      %dma_wait3A_178 = tpu.memref_squeeze %dma_wait3A_177 : memref<1x88x128xi32, #tpu.memory_space<hbm>> -> memref<88x128xi32, #tpu.memory_space<hbm>>
      %dma_wait3A_179 = arith.constant 0 : i32
      %dma_wait3A_180 = arith.constant 0 : i32
      %dma_wait3A_181 = tpu.memref_slice %arg3[%add3A, %dma_wait3A_179, %dma_wait3A_180] : memref<32x88x128xi32, #tpu.memory_space<hbm>> -> memref<1x88x128xi32, #tpu.memory_space<hbm>>
      %dma_wait3A_182 = tpu.memref_squeeze %dma_wait3A_181 : memref<1x88x128xi32, #tpu.memory_space<hbm>> -> memref<88x128xi32, #tpu.memory_space<hbm>>
      tpu.wait_dma2 semaphore(%run_scoped3A : memref<!tpu.dma_semaphore, #tpu.memory_space<semaphore_mem>>) src(%dma_wait3A_182 : memref<88x128xi32, #tpu.memory_space<hbm>>) dst(%arg8 : memref<88x128xi32, #tpu.memory_space<vmem>>)
      tpu.yield
    }) : () -> ()
    %barrier3A = arith.constant 0 : index
    tpu.barrier barrier_id(%barrier3A)
    %dma_start3A = arith.constant 0 : i32
    %dma_start3A_3 = arith.constant 0 : i32
    %dma_start3A_4 = arith.constant 0 : i32
    %dma_start3A_5 = tpu.memref_slice %arg9[%dma_start3A_3, %dma_start3A_4] : memref<1024x32xf32, #tpu.memory_space<vmem>> -> memref<128x32xf32, #tpu.memory_space<vmem>>
    %dma_start3A_6 = arith.constant 0 : i32
    %dma_start3A_7 = tpu.memref_slice %arg7[%dma_start3A, %dma_start3A_6] : memref<88x128xi32, #tpu.memory_space<vmem>> -> memref<1x128xi32, #tpu.memory_space<vmem>>
    %dma_start3A_8 = tpu.memref_squeeze %dma_start3A_7 : memref<1x128xi32, #tpu.memory_space<vmem>> -> memref<128xi32, #tpu.memory_space<vmem>>
    %dma_start3A_9 = arith.constant 0 : i32
    %dma_start3A_10 = arith.constant 0 : i32
    %dma_start3A_11 = tpu.memref_slice %arg4[%dma_start3A_9, %dma_start3A_10] : memref<10240x32xf32, #tpu.memory_space<hbm>> -> memref<10240x32xf32, #tpu.memory_space<hbm>>
    tpu.enqueue_indirect_dma source(%dma_start3A_11 : memref<10240x32xf32, #tpu.memory_space<hbm>>) target(%dma_start3A_5 : memref<128x32xf32, #tpu.memory_space<vmem>>) offsets(%dma_start3A_8 : memref<128xi32, #tpu.memory_space<vmem>>) semaphore(%arg12 : memref<!tpu.dma_semaphore, #tpu.memory_space<semaphore_mem>>)
    %dma_start3A_12 = arith.constant 1 : i32
    %dma_start3A_13 = arith.constant 128 : i32
    %dma_start3A_14 = arith.constant 0 : i32
    %dma_start3A_15 = tpu.memref_slice %arg9[%dma_start3A_13, %dma_start3A_14] : memref<1024x32xf32, #tpu.memory_space<vmem>> -> memref<128x32xf32, #tpu.memory_space<vmem>>
    %dma_start3A_16 = arith.constant 0 : i32
    %dma_start3A_17 = tpu.memref_slice %arg7[%dma_start3A_12, %dma_start3A_16] : memref<88x128xi32, #tpu.memory_space<vmem>> -> memref<1x128xi32, #tpu.memory_space<vmem>>
    %dma_start3A_18 = tpu.memref_squeeze %dma_start3A_17 : memref<1x128xi32, #tpu.memory_space<vmem>> -> memref<128xi32, #tpu.memory_space<vmem>>
    %dma_start3A_19 = arith.constant 0 : i32
    %dma_start3A_20 = arith.constant 0 : i32
    %dma_start3A_21 = tpu.memref_slice %arg4[%dma_start3A_19, %dma_start3A_20] : memref<10240x32xf32, #tpu.memory_space<hbm>> -> memref<10240x32xf32, #tpu.memory_space<hbm>>
    tpu.enqueue_indirect_dma source(%dma_start3A_21 : memref<10240x32xf32, #tpu.memory_space<hbm>>) target(%dma_start3A_15 : memref<128x32xf32, #tpu.memory_space<vmem>>) offsets(%dma_start3A_18 : memref<128xi32, #tpu.memory_space<vmem>>) semaphore(%arg13 : memref<!tpu.dma_semaphore, #tpu.memory_space<semaphore_mem>>)
    %dma_start3A_22 = arith.constant 2 : i32
    %dma_start3A_23 = arith.constant 256 : i32
    %dma_start3A_24 = arith.constant 0 : i32
    %dma_start3A_25 = tpu.memref_slice %arg9[%dma_start3A_23, %dma_start3A_24] : memref<1024x32xf32, #tpu.memory_space<vmem>> -> memref<128x32xf32, #tpu.memory_space<vmem>>
    %dma_start3A_26 = arith.constant 0 : i32
    %dma_start3A_27 = tpu.memref_slice %arg7[%dma_start3A_22, %dma_start3A_26] : memref<88x128xi32, #tpu.memory_space<vmem>> -> memref<1x128xi32, #tpu.memory_space<vmem>>
    %dma_start3A_28 = tpu.memref_squeeze %dma_start3A_27 : memref<1x128xi32, #tpu.memory_space<vmem>> -> memref<128xi32, #tpu.memory_space<vmem>>
    %dma_start3A_29 = arith.constant 0 : i32
    %dma_start3A_30 = arith.constant 0 : i32
    %dma_start3A_31 = tpu.memref_slice %arg4[%dma_start3A_29, %dma_start3A_30] : memref<10240x32xf32, #tpu.memory_space<hbm>> -> memref<10240x32xf32, #tpu.memory_space<hbm>>
    tpu.enqueue_indirect_dma source(%dma_start3A_31 : memref<10240x32xf32, #tpu.memory_space<hbm>>) target(%dma_start3A_25 : memref<128x32xf32, #tpu.memory_space<vmem>>) offsets(%dma_start3A_28 : memref<128xi32, #tpu.memory_space<vmem>>) semaphore(%arg14 : memref<!tpu.dma_semaphore, #tpu.memory_space<semaphore_mem>>)
    %dma_start3A_32 = arith.constant 3 : i32
    %dma_start3A_33 = arith.constant 384 : i32
    %dma_start3A_34 = arith.constant 0 : i32
    %dma_start3A_35 = tpu.memref_slice %arg9[%dma_start3A_33, %dma_start3A_34] : memref<1024x32xf32, #tpu.memory_space<vmem>> -> memref<128x32xf32, #tpu.memory_space<vmem>>
    %dma_start3A_36 = arith.constant 0 : i32
    %dma_start3A_37 = tpu.memref_slice %arg7[%dma_start3A_32, %dma_start3A_36] : memref<88x128xi32, #tpu.memory_space<vmem>> -> memref<1x128xi32, #tpu.memory_space<vmem>>
    %dma_start3A_38 = tpu.memref_squeeze %dma_start3A_37 : memref<1x128xi32, #tpu.memory_space<vmem>> -> memref<128xi32, #tpu.memory_space<vmem>>
    %dma_start3A_39 = arith.constant 0 : i32
    %dma_start3A_40 = arith.constant 0 : i32
    %dma_start3A_41 = tpu.memref_slice %arg4[%dma_start3A_39, %dma_start3A_40] : memref<10240x32xf32, #tpu.memory_space<hbm>> -> memref<10240x32xf32, #tpu.memory_space<hbm>>
    tpu.enqueue_indirect_dma source(%dma_start3A_41 : memref<10240x32xf32, #tpu.memory_space<hbm>>) target(%dma_start3A_35 : memref<128x32xf32, #tpu.memory_space<vmem>>) offsets(%dma_start3A_38 : memref<128xi32, #tpu.memory_space<vmem>>) semaphore(%arg15 : memref<!tpu.dma_semaphore, #tpu.memory_space<semaphore_mem>>)
    %dma_start3A_42 = arith.constant 4 : i32
    %dma_start3A_43 = arith.constant 512 : i32
    %dma_start3A_44 = arith.constant 0 : i32
    %dma_start3A_45 = tpu.memref_slice %arg9[%dma_start3A_43, %dma_start3A_44] : memref<1024x32xf32, #tpu.memory_space<vmem>> -> memref<128x32xf32, #tpu.memory_space<vmem>>
    %dma_start3A_46 = arith.constant 0 : i32
    %dma_start3A_47 = tpu.memref_slice %arg7[%dma_start3A_42, %dma_start3A_46] : memref<88x128xi32, #tpu.memory_space<vmem>> -> memref<1x128xi32, #tpu.memory_space<vmem>>
    %dma_start3A_48 = tpu.memref_squeeze %dma_start3A_47 : memref<1x128xi32, #tpu.memory_space<vmem>> -> memref<128xi32, #tpu.memory_space<vmem>>
    %dma_start3A_49 = arith.constant 0 : i32
    %dma_start3A_50 = arith.constant 0 : i32
    %dma_start3A_51 = tpu.memref_slice %arg4[%dma_start3A_49, %dma_start3A_50] : memref<10240x32xf32, #tpu.memory_space<hbm>> -> memref<10240x32xf32, #tpu.memory_space<hbm>>
    tpu.enqueue_indirect_dma source(%dma_start3A_51 : memref<10240x32xf32, #tpu.memory_space<hbm>>) target(%dma_start3A_45 : memref<128x32xf32, #tpu.memory_space<vmem>>) offsets(%dma_start3A_48 : memref<128xi32, #tpu.memory_space<vmem>>) semaphore(%arg16 : memref<!tpu.dma_semaphore, #tpu.memory_space<semaphore_mem>>)
    %dma_start3A_52 = arith.constant 5 : i32
    %dma_start3A_53 = arith.constant 640 : i32
    %dma_start3A_54 = arith.constant 0 : i32
    %dma_start3A_55 = tpu.memref_slice %arg9[%dma_start3A_53, %dma_start3A_54] : memref<1024x32xf32, #tpu.memory_space<vmem>> -> memref<128x32xf32, #tpu.memory_space<vmem>>
    %dma_start3A_56 = arith.constant 0 : i32
    %dma_start3A_57 = tpu.memref_slice %arg7[%dma_start3A_52, %dma_start3A_56] : memref<88x128xi32, #tpu.memory_space<vmem>> -> memref<1x128xi32, #tpu.memory_space<vmem>>
    %dma_start3A_58 = tpu.memref_squeeze %dma_start3A_57 : memref<1x128xi32, #tpu.memory_space<vmem>> -> memref<128xi32, #tpu.memory_space<vmem>>
    %dma_start3A_59 = arith.constant 0 : i32
    %dma_start3A_60 = arith.constant 0 : i32
    %dma_start3A_61 = tpu.memref_slice %arg4[%dma_start3A_59, %dma_start3A_60] : memref<10240x32xf32, #tpu.memory_space<hbm>> -> memref<10240x32xf32, #tpu.memory_space<hbm>>
    tpu.enqueue_indirect_dma source(%dma_start3A_61 : memref<10240x32xf32, #tpu.memory_space<hbm>>) target(%dma_start3A_55 : memref<128x32xf32, #tpu.memory_space<vmem>>) offsets(%dma_start3A_58 : memref<128xi32, #tpu.memory_space<vmem>>) semaphore(%arg17 : memref<!tpu.dma_semaphore, #tpu.memory_space<semaphore_mem>>)
    %dma_start3A_62 = arith.constant 6 : i32
    %dma_start3A_63 = arith.constant 768 : i32
    %dma_start3A_64 = arith.constant 0 : i32
    %dma_start3A_65 = tpu.memref_slice %arg9[%dma_start3A_63, %dma_start3A_64] : memref<1024x32xf32, #tpu.memory_space<vmem>> -> memref<128x32xf32, #tpu.memory_space<vmem>>
    %dma_start3A_66 = arith.constant 0 : i32
    %dma_start3A_67 = tpu.memref_slice %arg7[%dma_start3A_62, %dma_start3A_66] : memref<88x128xi32, #tpu.memory_space<vmem>> -> memref<1x128xi32, #tpu.memory_space<vmem>>
    %dma_start3A_68 = tpu.memref_squeeze %dma_start3A_67 : memref<1x128xi32, #tpu.memory_space<vmem>> -> memref<128xi32, #tpu.memory_space<vmem>>
    %dma_start3A_69 = arith.constant 0 : i32
    %dma_start3A_70 = arith.constant 0 : i32
    %dma_start3A_71 = tpu.memref_slice %arg4[%dma_start3A_69, %dma_start3A_70] : memref<10240x32xf32, #tpu.memory_space<hbm>> -> memref<10240x32xf32, #tpu.memory_space<hbm>>
    tpu.enqueue_indirect_dma source(%dma_start3A_71 : memref<10240x32xf32, #tpu.memory_space<hbm>>) target(%dma_start3A_65 : memref<128x32xf32, #tpu.memory_space<vmem>>) offsets(%dma_start3A_68 : memref<128xi32, #tpu.memory_space<vmem>>) semaphore(%arg18 : memref<!tpu.dma_semaphore, #tpu.memory_space<semaphore_mem>>)
    %dma_start3A_72 = arith.constant 7 : i32
    %dma_start3A_73 = arith.constant 896 : i32
    %dma_start3A_74 = arith.constant 0 : i32
    %dma_start3A_75 = tpu.memref_slice %arg9[%dma_start3A_73, %dma_start3A_74] : memref<1024x32xf32, #tpu.memory_space<vmem>> -> memref<128x32xf32, #tpu.memory_space<vmem>>
    %dma_start3A_76 = arith.constant 0 : i32
    %dma_start3A_77 = tpu.memref_slice %arg7[%dma_start3A_72, %dma_start3A_76] : memref<88x128xi32, #tpu.memory_space<vmem>> -> memref<1x128xi32, #tpu.memory_space<vmem>>
    %dma_start3A_78 = tpu.memref_squeeze %dma_start3A_77 : memref<1x128xi32, #tpu.memory_space<vmem>> -> memref<128xi32, #tpu.memory_space<vmem>>
    %dma_start3A_79 = arith.constant 0 : i32
    %dma_start3A_80 = arith.constant 0 : i32
    %dma_start3A_81 = tpu.memref_slice %arg4[%dma_start3A_79, %dma_start3A_80] : memref<10240x32xf32, #tpu.memory_space<hbm>> -> memref<10240x32xf32, #tpu.memory_space<hbm>>
    tpu.enqueue_indirect_dma source(%dma_start3A_81 : memref<10240x32xf32, #tpu.memory_space<hbm>>) target(%dma_start3A_75 : memref<128x32xf32, #tpu.memory_space<vmem>>) offsets(%dma_start3A_78 : memref<128xi32, #tpu.memory_space<vmem>>) semaphore(%arg19 : memref<!tpu.dma_semaphore, #tpu.memory_space<semaphore_mem>>)
    %scan3A = arith.constant 0 : i32
    %scan3A_82 = arith.constant 0 : i32
    %scan3A_83 = arith.constant 10 : i32
    %scan3A_84 = arith.addi %scan3A_82, %scan3A_83 : i32
    %scan3A_85 = arith.constant 1 : i32
    scf.for %scan3A_167 = %scan3A_82 to %scan3A_84 step %scan3A_85  : i32 {
      %mul3A_168 = arith.constant 8 : i32
      %mul3A_169 = arith.muli %scan3A_167, %mul3A_168 : i32
      %add3A_170 = arith.constant 0 : i32
      %add3A_171 = arith.addi %mul3A_169, %add3A_170 : i32
      %dma_wait3A_172 = arith.constant 0 : i32
      %dma_wait3A_173 = arith.constant 0 : i32
      %dma_wait3A_174 = tpu.memref_slice %arg9[%dma_wait3A_172, %dma_wait3A_173] : memref<1024x32xf32, #tpu.memory_space<vmem>> -> memref<128x32xf32, #tpu.memory_space<vmem>>
      %dma_wait3A_175 = arith.constant 0 : i32
      %dma_wait3A_176 = tpu.memref_slice %arg7[%add3A_171, %dma_wait3A_175] : memref<88x128xi32, #tpu.memory_space<vmem>> -> memref<1x128xi32, #tpu.memory_space<vmem>>
      %dma_wait3A_177 = tpu.memref_squeeze %dma_wait3A_176 : memref<1x128xi32, #tpu.memory_space<vmem>> -> memref<128xi32, #tpu.memory_space<vmem>>
      %dma_wait3A_178 = arith.constant 0 : i32
      %dma_wait3A_179 = arith.constant 0 : i32
      %dma_wait3A_180 = tpu.memref_slice %arg4[%dma_wait3A_178, %dma_wait3A_179] : memref<10240x32xf32, #tpu.memory_space<hbm>> -> memref<10240x32xf32, #tpu.memory_space<hbm>>
      tpu.wait_indirect_dma semaphore(%arg12 : memref<!tpu.dma_semaphore, #tpu.memory_space<semaphore_mem>>) src(%dma_wait3A_180 : memref<10240x32xf32, #tpu.memory_space<hbm>>) dst(%dma_wait3A_174 : memref<128x32xf32, #tpu.memory_space<vmem>>)
      "tpu.region"() ({
        %run_scoped3A = tpu.sem_alloc : memref<!tpu.dma_semaphore, #tpu.memory_space<semaphore_mem>>
        %dma_start3A_360 = arith.constant 0 : i32
        %dma_start3A_361 = arith.constant 0 : i32
        %dma_start3A_362 = tpu.memref_slice %arg9[%dma_start3A_360, %dma_start3A_361] : memref<1024x32xf32, #tpu.memory_space<vmem>> -> memref<128x32xf32, #tpu.memory_space<vmem>>
        %dma_start3A_363 = arith.constant 0 : i32
        %dma_start3A_364 = tpu.memref_slice %arg8[%add3A_171, %dma_start3A_363] : memref<88x128xi32, #tpu.memory_space<vmem>> -> memref<1x128xi32, #tpu.memory_space<vmem>>
        %dma_start3A_365 = tpu.memref_squeeze %dma_start3A_364 : memref<1x128xi32, #tpu.memory_space<vmem>> -> memref<128xi32, #tpu.memory_space<vmem>>
        %dma_start3A_366 = arith.constant 0 : i32
        %dma_start3A_367 = arith.constant 0 : i32
        %dma_start3A_368 = tpu.memref_slice %arg11[%dma_start3A_366, %dma_start3A_367] : memref<10240x32xf32, #tpu.memory_space<vmem_shared>> -> memref<10240x32xf32, #tpu.memory_space<vmem_shared>>
        tpu.enqueue_indirect_dma source(%dma_start3A_362 : memref<128x32xf32, #tpu.memory_space<vmem>>) target(%dma_start3A_368 : memref<10240x32xf32, #tpu.memory_space<vmem_shared>>) offsets(%dma_start3A_365 : memref<128xi32, #tpu.memory_space<vmem>>) semaphore(%run_scoped3A : memref<!tpu.dma_semaphore, #tpu.memory_space<semaphore_mem>>) {add = true}
        %dma_wait3A_369 = arith.constant 0 : i32
        %dma_wait3A_370 = arith.constant 0 : i32
        %dma_wait3A_371 = tpu.memref_slice %arg9[%dma_wait3A_369, %dma_wait3A_370] : memref<1024x32xf32, #tpu.memory_space<vmem>> -> memref<128x32xf32, #tpu.memory_space<vmem>>
        %dma_wait3A_372 = arith.constant 0 : i32
        %dma_wait3A_373 = tpu.memref_slice %arg8[%add3A_171, %dma_wait3A_372] : memref<88x128xi32, #tpu.memory_space<vmem>> -> memref<1x128xi32, #tpu.memory_space<vmem>>
        %dma_wait3A_374 = tpu.memref_squeeze %dma_wait3A_373 : memref<1x128xi32, #tpu.memory_space<vmem>> -> memref<128xi32, #tpu.memory_space<vmem>>
        %dma_wait3A_375 = arith.constant 0 : i32
        %dma_wait3A_376 = arith.constant 0 : i32
        %dma_wait3A_377 = tpu.memref_slice %arg11[%dma_wait3A_375, %dma_wait3A_376] : memref<10240x32xf32, #tpu.memory_space<vmem_shared>> -> memref<10240x32xf32, #tpu.memory_space<vmem_shared>>
        tpu.wait_indirect_dma semaphore(%run_scoped3A : memref<!tpu.dma_semaphore, #tpu.memory_space<semaphore_mem>>) src(%dma_wait3A_371 : memref<128x32xf32, #tpu.memory_space<vmem>>) dst(%dma_wait3A_377 : memref<10240x32xf32, #tpu.memory_space<vmem_shared>>)
        tpu.yield
      }) : () -> ()
      %add3A_181 = arith.constant 8 : i32
      %add3A_182 = arith.addi %add3A_171, %add3A_181 : i32
      %dma_start3A_183 = arith.constant 0 : i32
      %dma_start3A_184 = arith.constant 0 : i32
      %dma_start3A_185 = tpu.memref_slice %arg9[%dma_start3A_183, %dma_start3A_184] : memref<1024x32xf32, #tpu.memory_space<vmem>> -> memref<128x32xf32, #tpu.memory_space<vmem>>
      %dma_start3A_186 = arith.constant 0 : i32
      %dma_start3A_187 = tpu.memref_slice %arg7[%add3A_182, %dma_start3A_186] : memref<88x128xi32, #tpu.memory_space<vmem>> -> memref<1x128xi32, #tpu.memory_space<vmem>>
      %dma_start3A_188 = tpu.memref_squeeze %dma_start3A_187 : memref<1x128xi32, #tpu.memory_space<vmem>> -> memref<128xi32, #tpu.memory_space<vmem>>
      %dma_start3A_189 = arith.constant 0 : i32
      %dma_start3A_190 = arith.constant 0 : i32
      %dma_start3A_191 = tpu.memref_slice %arg4[%dma_start3A_189, %dma_start3A_190] : memref<10240x32xf32, #tpu.memory_space<hbm>> -> memref<10240x32xf32, #tpu.memory_space<hbm>>
      tpu.enqueue_indirect_dma source(%dma_start3A_191 : memref<10240x32xf32, #tpu.memory_space<hbm>>) target(%dma_start3A_185 : memref<128x32xf32, #tpu.memory_space<vmem>>) offsets(%dma_start3A_188 : memref<128xi32, #tpu.memory_space<vmem>>) semaphore(%arg12 : memref<!tpu.dma_semaphore, #tpu.memory_space<semaphore_mem>>)
      %mul3A_192 = arith.constant 8 : i32
      %mul3A_193 = arith.muli %scan3A_167, %mul3A_192 : i32
      %add3A_194 = arith.constant 1 : i32
      %add3A_195 = arith.addi %mul3A_193, %add3A_194 : i32
      %dma_wait3A_196 = arith.constant 128 : i32
      %dma_wait3A_197 = arith.constant 0 : i32
      %dma_wait3A_198 = tpu.memref_slice %arg9[%dma_wait3A_196, %dma_wait3A_197] : memref<1024x32xf32, #tpu.memory_space<vmem>> -> memref<128x32xf32, #tpu.memory_space<vmem>>
      %dma_wait3A_199 = arith.constant 0 : i32
      %dma_wait3A_200 = tpu.memref_slice %arg7[%add3A_195, %dma_wait3A_199] : memref<88x128xi32, #tpu.memory_space<vmem>> -> memref<1x128xi32, #tpu.memory_space<vmem>>
      %dma_wait3A_201 = tpu.memref_squeeze %dma_wait3A_200 : memref<1x128xi32, #tpu.memory_space<vmem>> -> memref<128xi32, #tpu.memory_space<vmem>>
      %dma_wait3A_202 = arith.constant 0 : i32
      %dma_wait3A_203 = arith.constant 0 : i32
      %dma_wait3A_204 = tpu.memref_slice %arg4[%dma_wait3A_202, %dma_wait3A_203] : memref<10240x32xf32, #tpu.memory_space<hbm>> -> memref<10240x32xf32, #tpu.memory_space<hbm>>
      tpu.wait_indirect_dma semaphore(%arg13 : memref<!tpu.dma_semaphore, #tpu.memory_space<semaphore_mem>>) src(%dma_wait3A_204 : memref<10240x32xf32, #tpu.memory_space<hbm>>) dst(%dma_wait3A_198 : memref<128x32xf32, #tpu.memory_space<vmem>>)
      "tpu.region"() ({
        %run_scoped3A = tpu.sem_alloc : memref<!tpu.dma_semaphore, #tpu.memory_space<semaphore_mem>>
        %dma_start3A_360 = arith.constant 128 : i32
        %dma_start3A_361 = arith.constant 0 : i32
        %dma_start3A_362 = tpu.memref_slice %arg9[%dma_start3A_360, %dma_start3A_361] : memref<1024x32xf32, #tpu.memory_space<vmem>> -> memref<128x32xf32, #tpu.memory_space<vmem>>
        %dma_start3A_363 = arith.constant 0 : i32
        %dma_start3A_364 = tpu.memref_slice %arg8[%add3A_195, %dma_start3A_363] : memref<88x128xi32, #tpu.memory_space<vmem>> -> memref<1x128xi32, #tpu.memory_space<vmem>>
        %dma_start3A_365 = tpu.memref_squeeze %dma_start3A_364 : memref<1x128xi32, #tpu.memory_space<vmem>> -> memref<128xi32, #tpu.memory_space<vmem>>
        %dma_start3A_366 = arith.constant 0 : i32
        %dma_start3A_367 = arith.constant 0 : i32
        %dma_start3A_368 = tpu.memref_slice %arg11[%dma_start3A_366, %dma_start3A_367] : memref<10240x32xf32, #tpu.memory_space<vmem_shared>> -> memref<10240x32xf32, #tpu.memory_space<vmem_shared>>
        tpu.enqueue_indirect_dma source(%dma_start3A_362 : memref<128x32xf32, #tpu.memory_space<vmem>>) target(%dma_start3A_368 : memref<10240x32xf32, #tpu.memory_space<vmem_shared>>) offsets(%dma_start3A_365 : memref<128xi32, #tpu.memory_space<vmem>>) semaphore(%run_scoped3A : memref<!tpu.dma_semaphore, #tpu.memory_space<semaphore_mem>>) {add = true}
        %dma_wait3A_369 = arith.constant 128 : i32
        %dma_wait3A_370 = arith.constant 0 : i32
        %dma_wait3A_371 = tpu.memref_slice %arg9[%dma_wait3A_369, %dma_wait3A_370] : memref<1024x32xf32, #tpu.memory_space<vmem>> -> memref<128x32xf32, #tpu.memory_space<vmem>>
        %dma_wait3A_372 = arith.constant 0 : i32
        %dma_wait3A_373 = tpu.memref_slice %arg8[%add3A_195, %dma_wait3A_372] : memref<88x128xi32, #tpu.memory_space<vmem>> -> memref<1x128xi32, #tpu.memory_space<vmem>>
        %dma_wait3A_374 = tpu.memref_squeeze %dma_wait3A_373 : memref<1x128xi32, #tpu.memory_space<vmem>> -> memref<128xi32, #tpu.memory_space<vmem>>
        %dma_wait3A_375 = arith.constant 0 : i32
        %dma_wait3A_376 = arith.constant 0 : i32
        %dma_wait3A_377 = tpu.memref_slice %arg11[%dma_wait3A_375, %dma_wait3A_376] : memref<10240x32xf32, #tpu.memory_space<vmem_shared>> -> memref<10240x32xf32, #tpu.memory_space<vmem_shared>>
        tpu.wait_indirect_dma semaphore(%run_scoped3A : memref<!tpu.dma_semaphore, #tpu.memory_space<semaphore_mem>>) src(%dma_wait3A_371 : memref<128x32xf32, #tpu.memory_space<vmem>>) dst(%dma_wait3A_377 : memref<10240x32xf32, #tpu.memory_space<vmem_shared>>)
        tpu.yield
      }) : () -> ()
      %add3A_205 = arith.constant 8 : i32
      %add3A_206 = arith.addi %add3A_195, %add3A_205 : i32
      %dma_start3A_207 = arith.constant 128 : i32
      %dma_start3A_208 = arith.constant 0 : i32
      %dma_start3A_209 = tpu.memref_slice %arg9[%dma_start3A_207, %dma_start3A_208] : memref<1024x32xf32, #tpu.memory_space<vmem>> -> memref<128x32xf32, #tpu.memory_space<vmem>>
      %dma_start3A_210 = arith.constant 0 : i32
      %dma_start3A_211 = tpu.memref_slice %arg7[%add3A_206, %dma_start3A_210] : memref<88x128xi32, #tpu.memory_space<vmem>> -> memref<1x128xi32, #tpu.memory_space<vmem>>
      %dma_start3A_212 = tpu.memref_squeeze %dma_start3A_211 : memref<1x128xi32, #tpu.memory_space<vmem>> -> memref<128xi32, #tpu.memory_space<vmem>>
      %dma_start3A_213 = arith.constant 0 : i32
      %dma_start3A_214 = arith.constant 0 : i32
      %dma_start3A_215 = tpu.memref_slice %arg4[%dma_start3A_213, %dma_start3A_214] : memref<10240x32xf32, #tpu.memory_space<hbm>> -> memref<10240x32xf32, #tpu.memory_space<hbm>>
      tpu.enqueue_indirect_dma source(%dma_start3A_215 : memref<10240x32xf32, #tpu.memory_space<hbm>>) target(%dma_start3A_209 : memref<128x32xf32, #tpu.memory_space<vmem>>) offsets(%dma_start3A_212 : memref<128xi32, #tpu.memory_space<vmem>>) semaphore(%arg13 : memref<!tpu.dma_semaphore, #tpu.memory_space<semaphore_mem>>)
      %mul3A_216 = arith.constant 8 : i32
      %mul3A_217 = arith.muli %scan3A_167, %mul3A_216 : i32
      %add3A_218 = arith.constant 2 : i32
      %add3A_219 = arith.addi %mul3A_217, %add3A_218 : i32
      %dma_wait3A_220 = arith.constant 256 : i32
      %dma_wait3A_221 = arith.constant 0 : i32
      %dma_wait3A_222 = tpu.memref_slice %arg9[%dma_wait3A_220, %dma_wait3A_221] : memref<1024x32xf32, #tpu.memory_space<vmem>> -> memref<128x32xf32, #tpu.memory_space<vmem>>
      %dma_wait3A_223 = arith.constant 0 : i32
      %dma_wait3A_224 = tpu.memref_slice %arg7[%add3A_219, %dma_wait3A_223] : memref<88x128xi32, #tpu.memory_space<vmem>> -> memref<1x128xi32, #tpu.memory_space<vmem>>
      %dma_wait3A_225 = tpu.memref_squeeze %dma_wait3A_224 : memref<1x128xi32, #tpu.memory_space<vmem>> -> memref<128xi32, #tpu.memory_space<vmem>>
      %dma_wait3A_226 = arith.constant 0 : i32
      %dma_wait3A_227 = arith.constant 0 : i32
      %dma_wait3A_228 = tpu.memref_slice %arg4[%dma_wait3A_226, %dma_wait3A_227] : memref<10240x32xf32, #tpu.memory_space<hbm>> -> memref<10240x32xf32, #tpu.memory_space<hbm>>
      tpu.wait_indirect_dma semaphore(%arg14 : memref<!tpu.dma_semaphore, #tpu.memory_space<semaphore_mem>>) src(%dma_wait3A_228 : memref<10240x32xf32, #tpu.memory_space<hbm>>) dst(%dma_wait3A_222 : memref<128x32xf32, #tpu.memory_space<vmem>>)
      "tpu.region"() ({
        %run_scoped3A = tpu.sem_alloc : memref<!tpu.dma_semaphore, #tpu.memory_space<semaphore_mem>>
        %dma_start3A_360 = arith.constant 256 : i32
        %dma_start3A_361 = arith.constant 0 : i32
        %dma_start3A_362 = tpu.memref_slice %arg9[%dma_start3A_360, %dma_start3A_361] : memref<1024x32xf32, #tpu.memory_space<vmem>> -> memref<128x32xf32, #tpu.memory_space<vmem>>
        %dma_start3A_363 = arith.constant 0 : i32
        %dma_start3A_364 = tpu.memref_slice %arg8[%add3A_219, %dma_start3A_363] : memref<88x128xi32, #tpu.memory_space<vmem>> -> memref<1x128xi32, #tpu.memory_space<vmem>>
        %dma_start3A_365 = tpu.memref_squeeze %dma_start3A_364 : memref<1x128xi32, #tpu.memory_space<vmem>> -> memref<128xi32, #tpu.memory_space<vmem>>
        %dma_start3A_366 = arith.constant 0 : i32
        %dma_start3A_367 = arith.constant 0 : i32
        %dma_start3A_368 = tpu.memref_slice %arg11[%dma_start3A_366, %dma_start3A_367] : memref<10240x32xf32, #tpu.memory_space<vmem_shared>> -> memref<10240x32xf32, #tpu.memory_space<vmem_shared>>
        tpu.enqueue_indirect_dma source(%dma_start3A_362 : memref<128x32xf32, #tpu.memory_space<vmem>>) target(%dma_start3A_368 : memref<10240x32xf32, #tpu.memory_space<vmem_shared>>) offsets(%dma_start3A_365 : memref<128xi32, #tpu.memory_space<vmem>>) semaphore(%run_scoped3A : memref<!tpu.dma_semaphore, #tpu.memory_space<semaphore_mem>>) {add = true}
        %dma_wait3A_369 = arith.constant 256 : i32
        %dma_wait3A_370 = arith.constant 0 : i32
        %dma_wait3A_371 = tpu.memref_slice %arg9[%dma_wait3A_369, %dma_wait3A_370] : memref<1024x32xf32, #tpu.memory_space<vmem>> -> memref<128x32xf32, #tpu.memory_space<vmem>>
        %dma_wait3A_372 = arith.constant 0 : i32
        %dma_wait3A_373 = tpu.memref_slice %arg8[%add3A_219, %dma_wait3A_372] : memref<88x128xi32, #tpu.memory_space<vmem>> -> memref<1x128xi32, #tpu.memory_space<vmem>>
        %dma_wait3A_374 = tpu.memref_squeeze %dma_wait3A_373 : memref<1x128xi32, #tpu.memory_space<vmem>> -> memref<128xi32, #tpu.memory_space<vmem>>
        %dma_wait3A_375 = arith.constant 0 : i32
        %dma_wait3A_376 = arith.constant 0 : i32
        %dma_wait3A_377 = tpu.memref_slice %arg11[%dma_wait3A_375, %dma_wait3A_376] : memref<10240x32xf32, #tpu.memory_space<vmem_shared>> -> memref<10240x32xf32, #tpu.memory_space<vmem_shared>>
        tpu.wait_indirect_dma semaphore(%run_scoped3A : memref<!tpu.dma_semaphore, #tpu.memory_space<semaphore_mem>>) src(%dma_wait3A_371 : memref<128x32xf32, #tpu.memory_space<vmem>>) dst(%dma_wait3A_377 : memref<10240x32xf32, #tpu.memory_space<vmem_shared>>)
        tpu.yield
      }) : () -> ()
      %add3A_229 = arith.constant 8 : i32
      %add3A_230 = arith.addi %add3A_219, %add3A_229 : i32
      %dma_start3A_231 = arith.constant 256 : i32
      %dma_start3A_232 = arith.constant 0 : i32
      %dma_start3A_233 = tpu.memref_slice %arg9[%dma_start3A_231, %dma_start3A_232] : memref<1024x32xf32, #tpu.memory_space<vmem>> -> memref<128x32xf32, #tpu.memory_space<vmem>>
      %dma_start3A_234 = arith.constant 0 : i32
      %dma_start3A_235 = tpu.memref_slice %arg7[%add3A_230, %dma_start3A_234] : memref<88x128xi32, #tpu.memory_space<vmem>> -> memref<1x128xi32, #tpu.memory_space<vmem>>
      %dma_start3A_236 = tpu.memref_squeeze %dma_start3A_235 : memref<1x128xi32, #tpu.memory_space<vmem>> -> memref<128xi32, #tpu.memory_space<vmem>>
      %dma_start3A_237 = arith.constant 0 : i32
      %dma_start3A_238 = arith.constant 0 : i32
      %dma_start3A_239 = tpu.memref_slice %arg4[%dma_start3A_237, %dma_start3A_238] : memref<10240x32xf32, #tpu.memory_space<hbm>> -> memref<10240x32xf32, #tpu.memory_space<hbm>>
      tpu.enqueue_indirect_dma source(%dma_start3A_239 : memref<10240x32xf32, #tpu.memory_space<hbm>>) target(%dma_start3A_233 : memref<128x32xf32, #tpu.memory_space<vmem>>) offsets(%dma_start3A_236 : memref<128xi32, #tpu.memory_space<vmem>>) semaphore(%arg14 : memref<!tpu.dma_semaphore, #tpu.memory_space<semaphore_mem>>)
      %mul3A_240 = arith.constant 8 : i32
      %mul3A_241 = arith.muli %scan3A_167, %mul3A_240 : i32
      %add3A_242 = arith.constant 3 : i32
      %add3A_243 = arith.addi %mul3A_241, %add3A_242 : i32
      %dma_wait3A_244 = arith.constant 384 : i32
      %dma_wait3A_245 = arith.constant 0 : i32
      %dma_wait3A_246 = tpu.memref_slice %arg9[%dma_wait3A_244, %dma_wait3A_245] : memref<1024x32xf32, #tpu.memory_space<vmem>> -> memref<128x32xf32, #tpu.memory_space<vmem>>
      %dma_wait3A_247 = arith.constant 0 : i32
      %dma_wait3A_248 = tpu.memref_slice %arg7[%add3A_243, %dma_wait3A_247] : memref<88x128xi32, #tpu.memory_space<vmem>> -> memref<1x128xi32, #tpu.memory_space<vmem>>
      %dma_wait3A_249 = tpu.memref_squeeze %dma_wait3A_248 : memref<1x128xi32, #tpu.memory_space<vmem>> -> memref<128xi32, #tpu.memory_space<vmem>>
      %dma_wait3A_250 = arith.constant 0 : i32
      %dma_wait3A_251 = arith.constant 0 : i32
      %dma_wait3A_252 = tpu.memref_slice %arg4[%dma_wait3A_250, %dma_wait3A_251] : memref<10240x32xf32, #tpu.memory_space<hbm>> -> memref<10240x32xf32, #tpu.memory_space<hbm>>
      tpu.wait_indirect_dma semaphore(%arg15 : memref<!tpu.dma_semaphore, #tpu.memory_space<semaphore_mem>>) src(%dma_wait3A_252 : memref<10240x32xf32, #tpu.memory_space<hbm>>) dst(%dma_wait3A_246 : memref<128x32xf32, #tpu.memory_space<vmem>>)
      "tpu.region"() ({
        %run_scoped3A = tpu.sem_alloc : memref<!tpu.dma_semaphore, #tpu.memory_space<semaphore_mem>>
        %dma_start3A_360 = arith.constant 384 : i32
        %dma_start3A_361 = arith.constant 0 : i32
        %dma_start3A_362 = tpu.memref_slice %arg9[%dma_start3A_360, %dma_start3A_361] : memref<1024x32xf32, #tpu.memory_space<vmem>> -> memref<128x32xf32, #tpu.memory_space<vmem>>
        %dma_start3A_363 = arith.constant 0 : i32
        %dma_start3A_364 = tpu.memref_slice %arg8[%add3A_243, %dma_start3A_363] : memref<88x128xi32, #tpu.memory_space<vmem>> -> memref<1x128xi32, #tpu.memory_space<vmem>>
        %dma_start3A_365 = tpu.memref_squeeze %dma_start3A_364 : memref<1x128xi32, #tpu.memory_space<vmem>> -> memref<128xi32, #tpu.memory_space<vmem>>
        %dma_start3A_366 = arith.constant 0 : i32
        %dma_start3A_367 = arith.constant 0 : i32
        %dma_start3A_368 = tpu.memref_slice %arg11[%dma_start3A_366, %dma_start3A_367] : memref<10240x32xf32, #tpu.memory_space<vmem_shared>> -> memref<10240x32xf32, #tpu.memory_space<vmem_shared>>
        tpu.enqueue_indirect_dma source(%dma_start3A_362 : memref<128x32xf32, #tpu.memory_space<vmem>>) target(%dma_start3A_368 : memref<10240x32xf32, #tpu.memory_space<vmem_shared>>) offsets(%dma_start3A_365 : memref<128xi32, #tpu.memory_space<vmem>>) semaphore(%run_scoped3A : memref<!tpu.dma_semaphore, #tpu.memory_space<semaphore_mem>>) {add = true}
        %dma_wait3A_369 = arith.constant 384 : i32
        %dma_wait3A_370 = arith.constant 0 : i32
        %dma_wait3A_371 = tpu.memref_slice %arg9[%dma_wait3A_369, %dma_wait3A_370] : memref<1024x32xf32, #tpu.memory_space<vmem>> -> memref<128x32xf32, #tpu.memory_space<vmem>>
        %dma_wait3A_372 = arith.constant 0 : i32
        %dma_wait3A_373 = tpu.memref_slice %arg8[%add3A_243, %dma_wait3A_372] : memref<88x128xi32, #tpu.memory_space<vmem>> -> memref<1x128xi32, #tpu.memory_space<vmem>>
        %dma_wait3A_374 = tpu.memref_squeeze %dma_wait3A_373 : memref<1x128xi32, #tpu.memory_space<vmem>> -> memref<128xi32, #tpu.memory_space<vmem>>
        %dma_wait3A_375 = arith.constant 0 : i32
        %dma_wait3A_376 = arith.constant 0 : i32
        %dma_wait3A_377 = tpu.memref_slice %arg11[%dma_wait3A_375, %dma_wait3A_376] : memref<10240x32xf32, #tpu.memory_space<vmem_shared>> -> memref<10240x32xf32, #tpu.memory_space<vmem_shared>>
        tpu.wait_indirect_dma semaphore(%run_scoped3A : memref<!tpu.dma_semaphore, #tpu.memory_space<semaphore_mem>>) src(%dma_wait3A_371 : memref<128x32xf32, #tpu.memory_space<vmem>>) dst(%dma_wait3A_377 : memref<10240x32xf32, #tpu.memory_space<vmem_shared>>)
        tpu.yield
      }) : () -> ()
      %add3A_253 = arith.constant 8 : i32
      %add3A_254 = arith.addi %add3A_243, %add3A_253 : i32
      %dma_start3A_255 = arith.constant 384 : i32
      %dma_start3A_256 = arith.constant 0 : i32
      %dma_start3A_257 = tpu.memref_slice %arg9[%dma_start3A_255, %dma_start3A_256] : memref<1024x32xf32, #tpu.memory_space<vmem>> -> memref<128x32xf32, #tpu.memory_space<vmem>>
      %dma_start3A_258 = arith.constant 0 : i32
      %dma_start3A_259 = tpu.memref_slice %arg7[%add3A_254, %dma_start3A_258] : memref<88x128xi32, #tpu.memory_space<vmem>> -> memref<1x128xi32, #tpu.memory_space<vmem>>
      %dma_start3A_260 = tpu.memref_squeeze %dma_start3A_259 : memref<1x128xi32, #tpu.memory_space<vmem>> -> memref<128xi32, #tpu.memory_space<vmem>>
      %dma_start3A_261 = arith.constant 0 : i32
      %dma_start3A_262 = arith.constant 0 : i32
      %dma_start3A_263 = tpu.memref_slice %arg4[%dma_start3A_261, %dma_start3A_262] : memref<10240x32xf32, #tpu.memory_space<hbm>> -> memref<10240x32xf32, #tpu.memory_space<hbm>>
      tpu.enqueue_indirect_dma source(%dma_start3A_263 : memref<10240x32xf32, #tpu.memory_space<hbm>>) target(%dma_start3A_257 : memref<128x32xf32, #tpu.memory_space<vmem>>) offsets(%dma_start3A_260 : memref<128xi32, #tpu.memory_space<vmem>>) semaphore(%arg15 : memref<!tpu.dma_semaphore, #tpu.memory_space<semaphore_mem>>)
      %mul3A_264 = arith.constant 8 : i32
      %mul3A_265 = arith.muli %scan3A_167, %mul3A_264 : i32
      %add3A_266 = arith.constant 4 : i32
      %add3A_267 = arith.addi %mul3A_265, %add3A_266 : i32
      %dma_wait3A_268 = arith.constant 512 : i32
      %dma_wait3A_269 = arith.constant 0 : i32
      %dma_wait3A_270 = tpu.memref_slice %arg9[%dma_wait3A_268, %dma_wait3A_269] : memref<1024x32xf32, #tpu.memory_space<vmem>> -> memref<128x32xf32, #tpu.memory_space<vmem>>
      %dma_wait3A_271 = arith.constant 0 : i32
      %dma_wait3A_272 = tpu.memref_slice %arg7[%add3A_267, %dma_wait3A_271] : memref<88x128xi32, #tpu.memory_space<vmem>> -> memref<1x128xi32, #tpu.memory_space<vmem>>
      %dma_wait3A_273 = tpu.memref_squeeze %dma_wait3A_272 : memref<1x128xi32, #tpu.memory_space<vmem>> -> memref<128xi32, #tpu.memory_space<vmem>>
      %dma_wait3A_274 = arith.constant 0 : i32
      %dma_wait3A_275 = arith.constant 0 : i32
      %dma_wait3A_276 = tpu.memref_slice %arg4[%dma_wait3A_274, %dma_wait3A_275] : memref<10240x32xf32, #tpu.memory_space<hbm>> -> memref<10240x32xf32, #tpu.memory_space<hbm>>
      tpu.wait_indirect_dma semaphore(%arg16 : memref<!tpu.dma_semaphore, #tpu.memory_space<semaphore_mem>>) src(%dma_wait3A_276 : memref<10240x32xf32, #tpu.memory_space<hbm>>) dst(%dma_wait3A_270 : memref<128x32xf32, #tpu.memory_space<vmem>>)
      "tpu.region"() ({
        %run_scoped3A = tpu.sem_alloc : memref<!tpu.dma_semaphore, #tpu.memory_space<semaphore_mem>>
        %dma_start3A_360 = arith.constant 512 : i32
        %dma_start3A_361 = arith.constant 0 : i32
        %dma_start3A_362 = tpu.memref_slice %arg9[%dma_start3A_360, %dma_start3A_361] : memref<1024x32xf32, #tpu.memory_space<vmem>> -> memref<128x32xf32, #tpu.memory_space<vmem>>
        %dma_start3A_363 = arith.constant 0 : i32
        %dma_start3A_364 = tpu.memref_slice %arg8[%add3A_267, %dma_start3A_363] : memref<88x128xi32, #tpu.memory_space<vmem>> -> memref<1x128xi32, #tpu.memory_space<vmem>>
        %dma_start3A_365 = tpu.memref_squeeze %dma_start3A_364 : memref<1x128xi32, #tpu.memory_space<vmem>> -> memref<128xi32, #tpu.memory_space<vmem>>
        %dma_start3A_366 = arith.constant 0 : i32
        %dma_start3A_367 = arith.constant 0 : i32
        %dma_start3A_368 = tpu.memref_slice %arg11[%dma_start3A_366, %dma_start3A_367] : memref<10240x32xf32, #tpu.memory_space<vmem_shared>> -> memref<10240x32xf32, #tpu.memory_space<vmem_shared>>
        tpu.enqueue_indirect_dma source(%dma_start3A_362 : memref<128x32xf32, #tpu.memory_space<vmem>>) target(%dma_start3A_368 : memref<10240x32xf32, #tpu.memory_space<vmem_shared>>) offsets(%dma_start3A_365 : memref<128xi32, #tpu.memory_space<vmem>>) semaphore(%run_scoped3A : memref<!tpu.dma_semaphore, #tpu.memory_space<semaphore_mem>>) {add = true}
        %dma_wait3A_369 = arith.constant 512 : i32
        %dma_wait3A_370 = arith.constant 0 : i32
        %dma_wait3A_371 = tpu.memref_slice %arg9[%dma_wait3A_369, %dma_wait3A_370] : memref<1024x32xf32, #tpu.memory_space<vmem>> -> memref<128x32xf32, #tpu.memory_space<vmem>>
        %dma_wait3A_372 = arith.constant 0 : i32
        %dma_wait3A_373 = tpu.memref_slice %arg8[%add3A_267, %dma_wait3A_372] : memref<88x128xi32, #tpu.memory_space<vmem>> -> memref<1x128xi32, #tpu.memory_space<vmem>>
        %dma_wait3A_374 = tpu.memref_squeeze %dma_wait3A_373 : memref<1x128xi32, #tpu.memory_space<vmem>> -> memref<128xi32, #tpu.memory_space<vmem>>
        %dma_wait3A_375 = arith.constant 0 : i32
        %dma_wait3A_376 = arith.constant 0 : i32
        %dma_wait3A_377 = tpu.memref_slice %arg11[%dma_wait3A_375, %dma_wait3A_376] : memref<10240x32xf32, #tpu.memory_space<vmem_shared>> -> memref<10240x32xf32, #tpu.memory_space<vmem_shared>>
        tpu.wait_indirect_dma semaphore(%run_scoped3A : memref<!tpu.dma_semaphore, #tpu.memory_space<semaphore_mem>>) src(%dma_wait3A_371 : memref<128x32xf32, #tpu.memory_space<vmem>>) dst(%dma_wait3A_377 : memref<10240x32xf32, #tpu.memory_space<vmem_shared>>)
        tpu.yield
      }) : () -> ()
      %add3A_277 = arith.constant 8 : i32
      %add3A_278 = arith.addi %add3A_267, %add3A_277 : i32
      %dma_start3A_279 = arith.constant 512 : i32
      %dma_start3A_280 = arith.constant 0 : i32
      %dma_start3A_281 = tpu.memref_slice %arg9[%dma_start3A_279, %dma_start3A_280] : memref<1024x32xf32, #tpu.memory_space<vmem>> -> memref<128x32xf32, #tpu.memory_space<vmem>>
      %dma_start3A_282 = arith.constant 0 : i32
      %dma_start3A_283 = tpu.memref_slice %arg7[%add3A_278, %dma_start3A_282] : memref<88x128xi32, #tpu.memory_space<vmem>> -> memref<1x128xi32, #tpu.memory_space<vmem>>
      %dma_start3A_284 = tpu.memref_squeeze %dma_start3A_283 : memref<1x128xi32, #tpu.memory_space<vmem>> -> memref<128xi32, #tpu.memory_space<vmem>>
      %dma_start3A_285 = arith.constant 0 : i32
      %dma_start3A_286 = arith.constant 0 : i32
      %dma_start3A_287 = tpu.memref_slice %arg4[%dma_start3A_285, %dma_start3A_286] : memref<10240x32xf32, #tpu.memory_space<hbm>> -> memref<10240x32xf32, #tpu.memory_space<hbm>>
      tpu.enqueue_indirect_dma source(%dma_start3A_287 : memref<10240x32xf32, #tpu.memory_space<hbm>>) target(%dma_start3A_281 : memref<128x32xf32, #tpu.memory_space<vmem>>) offsets(%dma_start3A_284 : memref<128xi32, #tpu.memory_space<vmem>>) semaphore(%arg16 : memref<!tpu.dma_semaphore, #tpu.memory_space<semaphore_mem>>)
      %mul3A_288 = arith.constant 8 : i32
      %mul3A_289 = arith.muli %scan3A_167, %mul3A_288 : i32
      %add3A_290 = arith.constant 5 : i32
      %add3A_291 = arith.addi %mul3A_289, %add3A_290 : i32
      %dma_wait3A_292 = arith.constant 640 : i32
      %dma_wait3A_293 = arith.constant 0 : i32
      %dma_wait3A_294 = tpu.memref_slice %arg9[%dma_wait3A_292, %dma_wait3A_293] : memref<1024x32xf32, #tpu.memory_space<vmem>> -> memref<128x32xf32, #tpu.memory_space<vmem>>
      %dma_wait3A_295 = arith.constant 0 : i32
      %dma_wait3A_296 = tpu.memref_slice %arg7[%add3A_291, %dma_wait3A_295] : memref<88x128xi32, #tpu.memory_space<vmem>> -> memref<1x128xi32, #tpu.memory_space<vmem>>
      %dma_wait3A_297 = tpu.memref_squeeze %dma_wait3A_296 : memref<1x128xi32, #tpu.memory_space<vmem>> -> memref<128xi32, #tpu.memory_space<vmem>>
      %dma_wait3A_298 = arith.constant 0 : i32
      %dma_wait3A_299 = arith.constant 0 : i32
      %dma_wait3A_300 = tpu.memref_slice %arg4[%dma_wait3A_298, %dma_wait3A_299] : memref<10240x32xf32, #tpu.memory_space<hbm>> -> memref<10240x32xf32, #tpu.memory_space<hbm>>
      tpu.wait_indirect_dma semaphore(%arg17 : memref<!tpu.dma_semaphore, #tpu.memory_space<semaphore_mem>>) src(%dma_wait3A_300 : memref<10240x32xf32, #tpu.memory_space<hbm>>) dst(%dma_wait3A_294 : memref<128x32xf32, #tpu.memory_space<vmem>>)
      "tpu.region"() ({
        %run_scoped3A = tpu.sem_alloc : memref<!tpu.dma_semaphore, #tpu.memory_space<semaphore_mem>>
        %dma_start3A_360 = arith.constant 640 : i32
        %dma_start3A_361 = arith.constant 0 : i32
        %dma_start3A_362 = tpu.memref_slice %arg9[%dma_start3A_360, %dma_start3A_361] : memref<1024x32xf32, #tpu.memory_space<vmem>> -> memref<128x32xf32, #tpu.memory_space<vmem>>
        %dma_start3A_363 = arith.constant 0 : i32
        %dma_start3A_364 = tpu.memref_slice %arg8[%add3A_291, %dma_start3A_363] : memref<88x128xi32, #tpu.memory_space<vmem>> -> memref<1x128xi32, #tpu.memory_space<vmem>>
        %dma_start3A_365 = tpu.memref_squeeze %dma_start3A_364 : memref<1x128xi32, #tpu.memory_space<vmem>> -> memref<128xi32, #tpu.memory_space<vmem>>
        %dma_start3A_366 = arith.constant 0 : i32
        %dma_start3A_367 = arith.constant 0 : i32
        %dma_start3A_368 = tpu.memref_slice %arg11[%dma_start3A_366, %dma_start3A_367] : memref<10240x32xf32, #tpu.memory_space<vmem_shared>> -> memref<10240x32xf32, #tpu.memory_space<vmem_shared>>
        tpu.enqueue_indirect_dma source(%dma_start3A_362 : memref<128x32xf32, #tpu.memory_space<vmem>>) target(%dma_start3A_368 : memref<10240x32xf32, #tpu.memory_space<vmem_shared>>) offsets(%dma_start3A_365 : memref<128xi32, #tpu.memory_space<vmem>>) semaphore(%run_scoped3A : memref<!tpu.dma_semaphore, #tpu.memory_space<semaphore_mem>>) {add = true}
        %dma_wait3A_369 = arith.constant 640 : i32
        %dma_wait3A_370 = arith.constant 0 : i32
        %dma_wait3A_371 = tpu.memref_slice %arg9[%dma_wait3A_369, %dma_wait3A_370] : memref<1024x32xf32, #tpu.memory_space<vmem>> -> memref<128x32xf32, #tpu.memory_space<vmem>>
        %dma_wait3A_372 = arith.constant 0 : i32
        %dma_wait3A_373 = tpu.memref_slice %arg8[%add3A_291, %dma_wait3A_372] : memref<88x128xi32, #tpu.memory_space<vmem>> -> memref<1x128xi32, #tpu.memory_space<vmem>>
        %dma_wait3A_374 = tpu.memref_squeeze %dma_wait3A_373 : memref<1x128xi32, #tpu.memory_space<vmem>> -> memref<128xi32, #tpu.memory_space<vmem>>
        %dma_wait3A_375 = arith.constant 0 : i32
        %dma_wait3A_376 = arith.constant 0 : i32
        %dma_wait3A_377 = tpu.memref_slice %arg11[%dma_wait3A_375, %dma_wait3A_376] : memref<10240x32xf32, #tpu.memory_space<vmem_shared>> -> memref<10240x32xf32, #tpu.memory_space<vmem_shared>>
        tpu.wait_indirect_dma semaphore(%run_scoped3A : memref<!tpu.dma_semaphore, #tpu.memory_space<semaphore_mem>>) src(%dma_wait3A_371 : memref<128x32xf32, #tpu.memory_space<vmem>>) dst(%dma_wait3A_377 : memref<10240x32xf32, #tpu.memory_space<vmem_shared>>)
        tpu.yield
      }) : () -> ()
      %add3A_301 = arith.constant 8 : i32
      %add3A_302 = arith.addi %add3A_291, %add3A_301 : i32
      %dma_start3A_303 = arith.constant 640 : i32
      %dma_start3A_304 = arith.constant 0 : i32
      %dma_start3A_305 = tpu.memref_slice %arg9[%dma_start3A_303, %dma_start3A_304] : memref<1024x32xf32, #tpu.memory_space<vmem>> -> memref<128x32xf32, #tpu.memory_space<vmem>>
      %dma_start3A_306 = arith.constant 0 : i32
      %dma_start3A_307 = tpu.memref_slice %arg7[%add3A_302, %dma_start3A_306] : memref<88x128xi32, #tpu.memory_space<vmem>> -> memref<1x128xi32, #tpu.memory_space<vmem>>
      %dma_start3A_308 = tpu.memref_squeeze %dma_start3A_307 : memref<1x128xi32, #tpu.memory_space<vmem>> -> memref<128xi32, #tpu.memory_space<vmem>>
      %dma_start3A_309 = arith.constant 0 : i32
      %dma_start3A_310 = arith.constant 0 : i32
      %dma_start3A_311 = tpu.memref_slice %arg4[%dma_start3A_309, %dma_start3A_310] : memref<10240x32xf32, #tpu.memory_space<hbm>> -> memref<10240x32xf32, #tpu.memory_space<hbm>>
      tpu.enqueue_indirect_dma source(%dma_start3A_311 : memref<10240x32xf32, #tpu.memory_space<hbm>>) target(%dma_start3A_305 : memref<128x32xf32, #tpu.memory_space<vmem>>) offsets(%dma_start3A_308 : memref<128xi32, #tpu.memory_space<vmem>>) semaphore(%arg17 : memref<!tpu.dma_semaphore, #tpu.memory_space<semaphore_mem>>)
      %mul3A_312 = arith.constant 8 : i32
      %mul3A_313 = arith.muli %scan3A_167, %mul3A_312 : i32
      %add3A_314 = arith.constant 6 : i32
      %add3A_315 = arith.addi %mul3A_313, %add3A_314 : i32
      %dma_wait3A_316 = arith.constant 768 : i32
      %dma_wait3A_317 = arith.constant 0 : i32
      %dma_wait3A_318 = tpu.memref_slice %arg9[%dma_wait3A_316, %dma_wait3A_317] : memref<1024x32xf32, #tpu.memory_space<vmem>> -> memref<128x32xf32, #tpu.memory_space<vmem>>
      %dma_wait3A_319 = arith.constant 0 : i32
      %dma_wait3A_320 = tpu.memref_slice %arg7[%add3A_315, %dma_wait3A_319] : memref<88x128xi32, #tpu.memory_space<vmem>> -> memref<1x128xi32, #tpu.memory_space<vmem>>
      %dma_wait3A_321 = tpu.memref_squeeze %dma_wait3A_320 : memref<1x128xi32, #tpu.memory_space<vmem>> -> memref<128xi32, #tpu.memory_space<vmem>>
      %dma_wait3A_322 = arith.constant 0 : i32
      %dma_wait3A_323 = arith.constant 0 : i32
      %dma_wait3A_324 = tpu.memref_slice %arg4[%dma_wait3A_322, %dma_wait3A_323] : memref<10240x32xf32, #tpu.memory_space<hbm>> -> memref<10240x32xf32, #tpu.memory_space<hbm>>
      tpu.wait_indirect_dma semaphore(%arg18 : memref<!tpu.dma_semaphore, #tpu.memory_space<semaphore_mem>>) src(%dma_wait3A_324 : memref<10240x32xf32, #tpu.memory_space<hbm>>) dst(%dma_wait3A_318 : memref<128x32xf32, #tpu.memory_space<vmem>>)
      "tpu.region"() ({
        %run_scoped3A = tpu.sem_alloc : memref<!tpu.dma_semaphore, #tpu.memory_space<semaphore_mem>>
        %dma_start3A_360 = arith.constant 768 : i32
        %dma_start3A_361 = arith.constant 0 : i32
        %dma_start3A_362 = tpu.memref_slice %arg9[%dma_start3A_360, %dma_start3A_361] : memref<1024x32xf32, #tpu.memory_space<vmem>> -> memref<128x32xf32, #tpu.memory_space<vmem>>
        %dma_start3A_363 = arith.constant 0 : i32
        %dma_start3A_364 = tpu.memref_slice %arg8[%add3A_315, %dma_start3A_363] : memref<88x128xi32, #tpu.memory_space<vmem>> -> memref<1x128xi32, #tpu.memory_space<vmem>>
        %dma_start3A_365 = tpu.memref_squeeze %dma_start3A_364 : memref<1x128xi32, #tpu.memory_space<vmem>> -> memref<128xi32, #tpu.memory_space<vmem>>
        %dma_start3A_366 = arith.constant 0 : i32
        %dma_start3A_367 = arith.constant 0 : i32
        %dma_start3A_368 = tpu.memref_slice %arg11[%dma_start3A_366, %dma_start3A_367] : memref<10240x32xf32, #tpu.memory_space<vmem_shared>> -> memref<10240x32xf32, #tpu.memory_space<vmem_shared>>
        tpu.enqueue_indirect_dma source(%dma_start3A_362 : memref<128x32xf32, #tpu.memory_space<vmem>>) target(%dma_start3A_368 : memref<10240x32xf32, #tpu.memory_space<vmem_shared>>) offsets(%dma_start3A_365 : memref<128xi32, #tpu.memory_space<vmem>>) semaphore(%run_scoped3A : memref<!tpu.dma_semaphore, #tpu.memory_space<semaphore_mem>>) {add = true}
        %dma_wait3A_369 = arith.constant 768 : i32
        %dma_wait3A_370 = arith.constant 0 : i32
        %dma_wait3A_371 = tpu.memref_slice %arg9[%dma_wait3A_369, %dma_wait3A_370] : memref<1024x32xf32, #tpu.memory_space<vmem>> -> memref<128x32xf32, #tpu.memory_space<vmem>>
        %dma_wait3A_372 = arith.constant 0 : i32
        %dma_wait3A_373 = tpu.memref_slice %arg8[%add3A_315, %dma_wait3A_372] : memref<88x128xi32, #tpu.memory_space<vmem>> -> memref<1x128xi32, #tpu.memory_space<vmem>>
        %dma_wait3A_374 = tpu.memref_squeeze %dma_wait3A_373 : memref<1x128xi32, #tpu.memory_space<vmem>> -> memref<128xi32, #tpu.memory_space<vmem>>
        %dma_wait3A_375 = arith.constant 0 : i32
        %dma_wait3A_376 = arith.constant 0 : i32
        %dma_wait3A_377 = tpu.memref_slice %arg11[%dma_wait3A_375, %dma_wait3A_376] : memref<10240x32xf32, #tpu.memory_space<vmem_shared>> -> memref<10240x32xf32, #tpu.memory_space<vmem_shared>>
        tpu.wait_indirect_dma semaphore(%run_scoped3A : memref<!tpu.dma_semaphore, #tpu.memory_space<semaphore_mem>>) src(%dma_wait3A_371 : memref<128x32xf32, #tpu.memory_space<vmem>>) dst(%dma_wait3A_377 : memref<10240x32xf32, #tpu.memory_space<vmem_shared>>)
        tpu.yield
      }) : () -> ()
      %add3A_325 = arith.constant 8 : i32
      %add3A_326 = arith.addi %add3A_315, %add3A_325 : i32
      %dma_start3A_327 = arith.constant 768 : i32
      %dma_start3A_328 = arith.constant 0 : i32
      %dma_start3A_329 = tpu.memref_slice %arg9[%dma_start3A_327, %dma_start3A_328] : memref<1024x32xf32, #tpu.memory_space<vmem>> -> memref<128x32xf32, #tpu.memory_space<vmem>>
      %dma_start3A_330 = arith.constant 0 : i32
      %dma_start3A_331 = tpu.memref_slice %arg7[%add3A_326, %dma_start3A_330] : memref<88x128xi32, #tpu.memory_space<vmem>> -> memref<1x128xi32, #tpu.memory_space<vmem>>
      %dma_start3A_332 = tpu.memref_squeeze %dma_start3A_331 : memref<1x128xi32, #tpu.memory_space<vmem>> -> memref<128xi32, #tpu.memory_space<vmem>>
      %dma_start3A_333 = arith.constant 0 : i32
      %dma_start3A_334 = arith.constant 0 : i32
      %dma_start3A_335 = tpu.memref_slice %arg4[%dma_start3A_333, %dma_start3A_334] : memref<10240x32xf32, #tpu.memory_space<hbm>> -> memref<10240x32xf32, #tpu.memory_space<hbm>>
      tpu.enqueue_indirect_dma source(%dma_start3A_335 : memref<10240x32xf32, #tpu.memory_space<hbm>>) target(%dma_start3A_329 : memref<128x32xf32, #tpu.memory_space<vmem>>) offsets(%dma_start3A_332 : memref<128xi32, #tpu.memory_space<vmem>>) semaphore(%arg18 : memref<!tpu.dma_semaphore, #tpu.memory_space<semaphore_mem>>)
      %mul3A_336 = arith.constant 8 : i32
      %mul3A_337 = arith.muli %scan3A_167, %mul3A_336 : i32
      %add3A_338 = arith.constant 7 : i32
      %add3A_339 = arith.addi %mul3A_337, %add3A_338 : i32
      %dma_wait3A_340 = arith.constant 896 : i32
      %dma_wait3A_341 = arith.constant 0 : i32
      %dma_wait3A_342 = tpu.memref_slice %arg9[%dma_wait3A_340, %dma_wait3A_341] : memref<1024x32xf32, #tpu.memory_space<vmem>> -> memref<128x32xf32, #tpu.memory_space<vmem>>
      %dma_wait3A_343 = arith.constant 0 : i32
      %dma_wait3A_344 = tpu.memref_slice %arg7[%add3A_339, %dma_wait3A_343] : memref<88x128xi32, #tpu.memory_space<vmem>> -> memref<1x128xi32, #tpu.memory_space<vmem>>
      %dma_wait3A_345 = tpu.memref_squeeze %dma_wait3A_344 : memref<1x128xi32, #tpu.memory_space<vmem>> -> memref<128xi32, #tpu.memory_space<vmem>>
      %dma_wait3A_346 = arith.constant 0 : i32
      %dma_wait3A_347 = arith.constant 0 : i32
      %dma_wait3A_348 = tpu.memref_slice %arg4[%dma_wait3A_346, %dma_wait3A_347] : memref<10240x32xf32, #tpu.memory_space<hbm>> -> memref<10240x32xf32, #tpu.memory_space<hbm>>
      tpu.wait_indirect_dma semaphore(%arg19 : memref<!tpu.dma_semaphore, #tpu.memory_space<semaphore_mem>>) src(%dma_wait3A_348 : memref<10240x32xf32, #tpu.memory_space<hbm>>) dst(%dma_wait3A_342 : memref<128x32xf32, #tpu.memory_space<vmem>>)
      "tpu.region"() ({
        %run_scoped3A = tpu.sem_alloc : memref<!tpu.dma_semaphore, #tpu.memory_space<semaphore_mem>>
        %dma_start3A_360 = arith.constant 896 : i32
        %dma_start3A_361 = arith.constant 0 : i32
        %dma_start3A_362 = tpu.memref_slice %arg9[%dma_start3A_360, %dma_start3A_361] : memref<1024x32xf32, #tpu.memory_space<vmem>> -> memref<128x32xf32, #tpu.memory_space<vmem>>
        %dma_start3A_363 = arith.constant 0 : i32
        %dma_start3A_364 = tpu.memref_slice %arg8[%add3A_339, %dma_start3A_363] : memref<88x128xi32, #tpu.memory_space<vmem>> -> memref<1x128xi32, #tpu.memory_space<vmem>>
        %dma_start3A_365 = tpu.memref_squeeze %dma_start3A_364 : memref<1x128xi32, #tpu.memory_space<vmem>> -> memref<128xi32, #tpu.memory_space<vmem>>
        %dma_start3A_366 = arith.constant 0 : i32
        %dma_start3A_367 = arith.constant 0 : i32
        %dma_start3A_368 = tpu.memref_slice %arg11[%dma_start3A_366, %dma_start3A_367] : memref<10240x32xf32, #tpu.memory_space<vmem_shared>> -> memref<10240x32xf32, #tpu.memory_space<vmem_shared>>
        tpu.enqueue_indirect_dma source(%dma_start3A_362 : memref<128x32xf32, #tpu.memory_space<vmem>>) target(%dma_start3A_368 : memref<10240x32xf32, #tpu.memory_space<vmem_shared>>) offsets(%dma_start3A_365 : memref<128xi32, #tpu.memory_space<vmem>>) semaphore(%run_scoped3A : memref<!tpu.dma_semaphore, #tpu.memory_space<semaphore_mem>>) {add = true}
        %dma_wait3A_369 = arith.constant 896 : i32
        %dma_wait3A_370 = arith.constant 0 : i32
        %dma_wait3A_371 = tpu.memref_slice %arg9[%dma_wait3A_369, %dma_wait3A_370] : memref<1024x32xf32, #tpu.memory_space<vmem>> -> memref<128x32xf32, #tpu.memory_space<vmem>>
        %dma_wait3A_372 = arith.constant 0 : i32
        %dma_wait3A_373 = tpu.memref_slice %arg8[%add3A_339, %dma_wait3A_372] : memref<88x128xi32, #tpu.memory_space<vmem>> -> memref<1x128xi32, #tpu.memory_space<vmem>>
        %dma_wait3A_374 = tpu.memref_squeeze %dma_wait3A_373 : memref<1x128xi32, #tpu.memory_space<vmem>> -> memref<128xi32, #tpu.memory_space<vmem>>
        %dma_wait3A_375 = arith.constant 0 : i32
        %dma_wait3A_376 = arith.constant 0 : i32
        %dma_wait3A_377 = tpu.memref_slice %arg11[%dma_wait3A_375, %dma_wait3A_376] : memref<10240x32xf32, #tpu.memory_space<vmem_shared>> -> memref<10240x32xf32, #tpu.memory_space<vmem_shared>>
        tpu.wait_indirect_dma semaphore(%run_scoped3A : memref<!tpu.dma_semaphore, #tpu.memory_space<semaphore_mem>>) src(%dma_wait3A_371 : memref<128x32xf32, #tpu.memory_space<vmem>>) dst(%dma_wait3A_377 : memref<10240x32xf32, #tpu.memory_space<vmem_shared>>)
        tpu.yield
      }) : () -> ()
      %add3A_349 = arith.constant 8 : i32
      %add3A_350 = arith.addi %add3A_339, %add3A_349 : i32
      %dma_start3A_351 = arith.constant 896 : i32
      %dma_start3A_352 = arith.constant 0 : i32
      %dma_start3A_353 = tpu.memref_slice %arg9[%dma_start3A_351, %dma_start3A_352] : memref<1024x32xf32, #tpu.memory_space<vmem>> -> memref<128x32xf32, #tpu.memory_space<vmem>>
      %dma_start3A_354 = arith.constant 0 : i32
      %dma_start3A_355 = tpu.memref_slice %arg7[%add3A_350, %dma_start3A_354] : memref<88x128xi32, #tpu.memory_space<vmem>> -> memref<1x128xi32, #tpu.memory_space<vmem>>
      %dma_start3A_356 = tpu.memref_squeeze %dma_start3A_355 : memref<1x128xi32, #tpu.memory_space<vmem>> -> memref<128xi32, #tpu.memory_space<vmem>>
      %dma_start3A_357 = arith.constant 0 : i32
      %dma_start3A_358 = arith.constant 0 : i32
      %dma_start3A_359 = tpu.memref_slice %arg4[%dma_start3A_357, %dma_start3A_358] : memref<10240x32xf32, #tpu.memory_space<hbm>> -> memref<10240x32xf32, #tpu.memory_space<hbm>>
      tpu.enqueue_indirect_dma source(%dma_start3A_359 : memref<10240x32xf32, #tpu.memory_space<hbm>>) target(%dma_start3A_353 : memref<128x32xf32, #tpu.memory_space<vmem>>) offsets(%dma_start3A_356 : memref<128xi32, #tpu.memory_space<vmem>>) semaphore(%arg19 : memref<!tpu.dma_semaphore, #tpu.memory_space<semaphore_mem>>)
    }
    %scan3A_86 = arith.constant 10 : i32
    %dma_wait3A = arith.constant 0 : i32
    %dma_wait3A_87 = arith.constant 0 : i32
    %dma_wait3A_88 = arith.constant 0 : i32
    %dma_wait3A_89 = tpu.memref_slice %arg9[%dma_wait3A_87, %dma_wait3A_88] : memref<1024x32xf32, #tpu.memory_space<vmem>> -> memref<128x32xf32, #tpu.memory_space<vmem>>
    %dma_wait3A_90 = arith.constant 0 : i32
    %dma_wait3A_91 = tpu.memref_slice %arg7[%dma_wait3A, %dma_wait3A_90] : memref<88x128xi32, #tpu.memory_space<vmem>> -> memref<1x128xi32, #tpu.memory_space<vmem>>
    %dma_wait3A_92 = tpu.memref_squeeze %dma_wait3A_91 : memref<1x128xi32, #tpu.memory_space<vmem>> -> memref<128xi32, #tpu.memory_space<vmem>>
    %dma_wait3A_93 = arith.constant 0 : i32
    %dma_wait3A_94 = arith.constant 0 : i32
    %dma_wait3A_95 = tpu.memref_slice %arg4[%dma_wait3A_93, %dma_wait3A_94] : memref<10240x32xf32, #tpu.memory_space<hbm>> -> memref<10240x32xf32, #tpu.memory_space<hbm>>
    tpu.wait_indirect_dma semaphore(%arg12 : memref<!tpu.dma_semaphore, #tpu.memory_space<semaphore_mem>>) src(%dma_wait3A_95 : memref<10240x32xf32, #tpu.memory_space<hbm>>) dst(%dma_wait3A_89 : memref<128x32xf32, #tpu.memory_space<vmem>>)
    %dma_wait3A_96 = arith.constant 1 : i32
    %dma_wait3A_97 = arith.constant 128 : i32
    %dma_wait3A_98 = arith.constant 0 : i32
    %dma_wait3A_99 = tpu.memref_slice %arg9[%dma_wait3A_97, %dma_wait3A_98] : memref<1024x32xf32, #tpu.memory_space<vmem>> -> memref<128x32xf32, #tpu.memory_space<vmem>>
    %dma_wait3A_100 = arith.constant 0 : i32
    %dma_wait3A_101 = tpu.memref_slice %arg7[%dma_wait3A_96, %dma_wait3A_100] : memref<88x128xi32, #tpu.memory_space<vmem>> -> memref<1x128xi32, #tpu.memory_space<vmem>>
    %dma_wait3A_102 = tpu.memref_squeeze %dma_wait3A_101 : memref<1x128xi32, #tpu.memory_space<vmem>> -> memref<128xi32, #tpu.memory_space<vmem>>
    %dma_wait3A_103 = arith.constant 0 : i32
    %dma_wait3A_104 = arith.constant 0 : i32
    %dma_wait3A_105 = tpu.memref_slice %arg4[%dma_wait3A_103, %dma_wait3A_104] : memref<10240x32xf32, #tpu.memory_space<hbm>> -> memref<10240x32xf32, #tpu.memory_space<hbm>>
    tpu.wait_indirect_dma semaphore(%arg13 : memref<!tpu.dma_semaphore, #tpu.memory_space<semaphore_mem>>) src(%dma_wait3A_105 : memref<10240x32xf32, #tpu.memory_space<hbm>>) dst(%dma_wait3A_99 : memref<128x32xf32, #tpu.memory_space<vmem>>)
    %dma_wait3A_106 = arith.constant 2 : i32
    %dma_wait3A_107 = arith.constant 256 : i32
    %dma_wait3A_108 = arith.constant 0 : i32
    %dma_wait3A_109 = tpu.memref_slice %arg9[%dma_wait3A_107, %dma_wait3A_108] : memref<1024x32xf32, #tpu.memory_space<vmem>> -> memref<128x32xf32, #tpu.memory_space<vmem>>
    %dma_wait3A_110 = arith.constant 0 : i32
    %dma_wait3A_111 = tpu.memref_slice %arg7[%dma_wait3A_106, %dma_wait3A_110] : memref<88x128xi32, #tpu.memory_space<vmem>> -> memref<1x128xi32, #tpu.memory_space<vmem>>
    %dma_wait3A_112 = tpu.memref_squeeze %dma_wait3A_111 : memref<1x128xi32, #tpu.memory_space<vmem>> -> memref<128xi32, #tpu.memory_space<vmem>>
    %dma_wait3A_113 = arith.constant 0 : i32
    %dma_wait3A_114 = arith.constant 0 : i32
    %dma_wait3A_115 = tpu.memref_slice %arg4[%dma_wait3A_113, %dma_wait3A_114] : memref<10240x32xf32, #tpu.memory_space<hbm>> -> memref<10240x32xf32, #tpu.memory_space<hbm>>
    tpu.wait_indirect_dma semaphore(%arg14 : memref<!tpu.dma_semaphore, #tpu.memory_space<semaphore_mem>>) src(%dma_wait3A_115 : memref<10240x32xf32, #tpu.memory_space<hbm>>) dst(%dma_wait3A_109 : memref<128x32xf32, #tpu.memory_space<vmem>>)
    %dma_wait3A_116 = arith.constant 3 : i32
    %dma_wait3A_117 = arith.constant 384 : i32
    %dma_wait3A_118 = arith.constant 0 : i32
    %dma_wait3A_119 = tpu.memref_slice %arg9[%dma_wait3A_117, %dma_wait3A_118] : memref<1024x32xf32, #tpu.memory_space<vmem>> -> memref<128x32xf32, #tpu.memory_space<vmem>>
    %dma_wait3A_120 = arith.constant 0 : i32
    %dma_wait3A_121 = tpu.memref_slice %arg7[%dma_wait3A_116, %dma_wait3A_120] : memref<88x128xi32, #tpu.memory_space<vmem>> -> memref<1x128xi32, #tpu.memory_space<vmem>>
    %dma_wait3A_122 = tpu.memref_squeeze %dma_wait3A_121 : memref<1x128xi32, #tpu.memory_space<vmem>> -> memref<128xi32, #tpu.memory_space<vmem>>
    %dma_wait3A_123 = arith.constant 0 : i32
    %dma_wait3A_124 = arith.constant 0 : i32
    %dma_wait3A_125 = tpu.memref_slice %arg4[%dma_wait3A_123, %dma_wait3A_124] : memref<10240x32xf32, #tpu.memory_space<hbm>> -> memref<10240x32xf32, #tpu.memory_space<hbm>>
    tpu.wait_indirect_dma semaphore(%arg15 : memref<!tpu.dma_semaphore, #tpu.memory_space<semaphore_mem>>) src(%dma_wait3A_125 : memref<10240x32xf32, #tpu.memory_space<hbm>>) dst(%dma_wait3A_119 : memref<128x32xf32, #tpu.memory_space<vmem>>)
    %dma_wait3A_126 = arith.constant 4 : i32
    %dma_wait3A_127 = arith.constant 512 : i32
    %dma_wait3A_128 = arith.constant 0 : i32
    %dma_wait3A_129 = tpu.memref_slice %arg9[%dma_wait3A_127, %dma_wait3A_128] : memref<1024x32xf32, #tpu.memory_space<vmem>> -> memref<128x32xf32, #tpu.memory_space<vmem>>
    %dma_wait3A_130 = arith.constant 0 : i32
    %dma_wait3A_131 = tpu.memref_slice %arg7[%dma_wait3A_126, %dma_wait3A_130] : memref<88x128xi32, #tpu.memory_space<vmem>> -> memref<1x128xi32, #tpu.memory_space<vmem>>
    %dma_wait3A_132 = tpu.memref_squeeze %dma_wait3A_131 : memref<1x128xi32, #tpu.memory_space<vmem>> -> memref<128xi32, #tpu.memory_space<vmem>>
    %dma_wait3A_133 = arith.constant 0 : i32
    %dma_wait3A_134 = arith.constant 0 : i32
    %dma_wait3A_135 = tpu.memref_slice %arg4[%dma_wait3A_133, %dma_wait3A_134] : memref<10240x32xf32, #tpu.memory_space<hbm>> -> memref<10240x32xf32, #tpu.memory_space<hbm>>
    tpu.wait_indirect_dma semaphore(%arg16 : memref<!tpu.dma_semaphore, #tpu.memory_space<semaphore_mem>>) src(%dma_wait3A_135 : memref<10240x32xf32, #tpu.memory_space<hbm>>) dst(%dma_wait3A_129 : memref<128x32xf32, #tpu.memory_space<vmem>>)
    %dma_wait3A_136 = arith.constant 5 : i32
    %dma_wait3A_137 = arith.constant 640 : i32
    %dma_wait3A_138 = arith.constant 0 : i32
    %dma_wait3A_139 = tpu.memref_slice %arg9[%dma_wait3A_137, %dma_wait3A_138] : memref<1024x32xf32, #tpu.memory_space<vmem>> -> memref<128x32xf32, #tpu.memory_space<vmem>>
    %dma_wait3A_140 = arith.constant 0 : i32
    %dma_wait3A_141 = tpu.memref_slice %arg7[%dma_wait3A_136, %dma_wait3A_140] : memref<88x128xi32, #tpu.memory_space<vmem>> -> memref<1x128xi32, #tpu.memory_space<vmem>>
    %dma_wait3A_142 = tpu.memref_squeeze %dma_wait3A_141 : memref<1x128xi32, #tpu.memory_space<vmem>> -> memref<128xi32, #tpu.memory_space<vmem>>
    %dma_wait3A_143 = arith.constant 0 : i32
    %dma_wait3A_144 = arith.constant 0 : i32
    %dma_wait3A_145 = tpu.memref_slice %arg4[%dma_wait3A_143, %dma_wait3A_144] : memref<10240x32xf32, #tpu.memory_space<hbm>> -> memref<10240x32xf32, #tpu.memory_space<hbm>>
    tpu.wait_indirect_dma semaphore(%arg17 : memref<!tpu.dma_semaphore, #tpu.memory_space<semaphore_mem>>) src(%dma_wait3A_145 : memref<10240x32xf32, #tpu.memory_space<hbm>>) dst(%dma_wait3A_139 : memref<128x32xf32, #tpu.memory_space<vmem>>)
    %dma_wait3A_146 = arith.constant 6 : i32
    %dma_wait3A_147 = arith.constant 768 : i32
    %dma_wait3A_148 = arith.constant 0 : i32
    %dma_wait3A_149 = tpu.memref_slice %arg9[%dma_wait3A_147, %dma_wait3A_148] : memref<1024x32xf32, #tpu.memory_space<vmem>> -> memref<128x32xf32, #tpu.memory_space<vmem>>
    %dma_wait3A_150 = arith.constant 0 : i32
    %dma_wait3A_151 = tpu.memref_slice %arg7[%dma_wait3A_146, %dma_wait3A_150] : memref<88x128xi32, #tpu.memory_space<vmem>> -> memref<1x128xi32, #tpu.memory_space<vmem>>
    %dma_wait3A_152 = tpu.memref_squeeze %dma_wait3A_151 : memref<1x128xi32, #tpu.memory_space<vmem>> -> memref<128xi32, #tpu.memory_space<vmem>>
    %dma_wait3A_153 = arith.constant 0 : i32
    %dma_wait3A_154 = arith.constant 0 : i32
    %dma_wait3A_155 = tpu.memref_slice %arg4[%dma_wait3A_153, %dma_wait3A_154] : memref<10240x32xf32, #tpu.memory_space<hbm>> -> memref<10240x32xf32, #tpu.memory_space<hbm>>
    tpu.wait_indirect_dma semaphore(%arg18 : memref<!tpu.dma_semaphore, #tpu.memory_space<semaphore_mem>>) src(%dma_wait3A_155 : memref<10240x32xf32, #tpu.memory_space<hbm>>) dst(%dma_wait3A_149 : memref<128x32xf32, #tpu.memory_space<vmem>>)
    %dma_wait3A_156 = arith.constant 7 : i32
    %dma_wait3A_157 = arith.constant 896 : i32
    %dma_wait3A_158 = arith.constant 0 : i32
    %dma_wait3A_159 = tpu.memref_slice %arg9[%dma_wait3A_157, %dma_wait3A_158] : memref<1024x32xf32, #tpu.memory_space<vmem>> -> memref<128x32xf32, #tpu.memory_space<vmem>>
    %dma_wait3A_160 = arith.constant 0 : i32
    %dma_wait3A_161 = tpu.memref_slice %arg7[%dma_wait3A_156, %dma_wait3A_160] : memref<88x128xi32, #tpu.memory_space<vmem>> -> memref<1x128xi32, #tpu.memory_space<vmem>>
    %dma_wait3A_162 = tpu.memref_squeeze %dma_wait3A_161 : memref<1x128xi32, #tpu.memory_space<vmem>> -> memref<128xi32, #tpu.memory_space<vmem>>
    %dma_wait3A_163 = arith.constant 0 : i32
    %dma_wait3A_164 = arith.constant 0 : i32
    %dma_wait3A_165 = tpu.memref_slice %arg4[%dma_wait3A_163, %dma_wait3A_164] : memref<10240x32xf32, #tpu.memory_space<hbm>> -> memref<10240x32xf32, #tpu.memory_space<hbm>>
    tpu.wait_indirect_dma semaphore(%arg19 : memref<!tpu.dma_semaphore, #tpu.memory_space<semaphore_mem>>) src(%dma_wait3A_165 : memref<10240x32xf32, #tpu.memory_space<hbm>>) dst(%dma_wait3A_159 : memref<128x32xf32, #tpu.memory_space<vmem>>)
    %barrier3A_166 = arith.constant 0 : index
    tpu.barrier barrier_id(%barrier3A_166)
    "tpu.region"() ({
      %run_scoped3A = tpu.sem_alloc : memref<!tpu.dma_semaphore, #tpu.memory_space<semaphore_mem>>
      %dma_start3A_167 = arith.constant 0 : i32
      %dma_start3A_168 = tpu.memref_slice %arg11[%mul3A_2, %dma_start3A_167] : memref<10240x32xf32, #tpu.memory_space<vmem_shared>> -> memref<640x32xf32, #tpu.memory_space<vmem_shared>>
      %dma_start3A_169 = arith.constant 0 : i32
      %dma_start3A_170 = tpu.memref_slice %arg11[%mul3A_2, %dma_start3A_169] : memref<10240x32xf32, #tpu.memory_space<vmem_shared>> -> memref<640x32xf32, #tpu.memory_space<vmem_shared>>
      tpu.enqueue_dma source(%dma_start3A_170 : memref<640x32xf32, #tpu.memory_space<vmem_shared>>) target(%arg10 : memref<640x32xf32, #tpu.memory_space<vmem>>) target_semaphore(%run_scoped3A : memref<!tpu.dma_semaphore, #tpu.memory_space<semaphore_mem>>)
      %dma_wait3A_171 = arith.constant 0 : i32
      %dma_wait3A_172 = tpu.memref_slice %arg11[%mul3A_2, %dma_wait3A_171] : memref<10240x32xf32, #tpu.memory_space<vmem_shared>> -> memref<640x32xf32, #tpu.memory_space<vmem_shared>>
      %dma_wait3A_173 = arith.constant 0 : i32
      %dma_wait3A_174 = tpu.memref_slice %arg11[%mul3A_2, %dma_wait3A_173] : memref<10240x32xf32, #tpu.memory_space<vmem_shared>> -> memref<640x32xf32, #tpu.memory_space<vmem_shared>>
      tpu.wait_dma2 semaphore(%run_scoped3A : memref<!tpu.dma_semaphore, #tpu.memory_space<semaphore_mem>>) src(%dma_wait3A_174 : memref<640x32xf32, #tpu.memory_space<vmem_shared>>) dst(%arg10 : memref<640x32xf32, #tpu.memory_space<vmem>>)
      tpu.yield
    }) : () -> ()
    "tpu.region"() ({
      %run_scoped3A = tpu.sem_alloc : memref<!tpu.dma_semaphore, #tpu.memory_space<semaphore_mem>>
      %dma_start3A_167 = arith.constant 0 : i32
      %dma_start3A_168 = tpu.memref_slice %arg6[%arg0, %mul3A_2, %dma_start3A_167] : memref<2x10240x32xf32, #tpu.memory_space<hbm>> -> memref<1x640x32xf32, #tpu.memory_space<hbm>>
      %dma_start3A_169 = tpu.memref_squeeze %dma_start3A_168 : memref<1x640x32xf32, #tpu.memory_space<hbm>> -> memref<640x32xf32, #tpu.memory_space<hbm>>
      %dma_start3A_170 = arith.constant 0 : i32
      %dma_start3A_171 = tpu.memref_slice %arg6[%arg0, %mul3A_2, %dma_start3A_170] : memref<2x10240x32xf32, #tpu.memory_space<hbm>> -> memref<1x640x32xf32, #tpu.memory_space<hbm>>
      %dma_start3A_172 = tpu.memref_squeeze %dma_start3A_171 : memref<1x640x32xf32, #tpu.memory_space<hbm>> -> memref<640x32xf32, #tpu.memory_space<hbm>>
      tpu.enqueue_dma source(%arg10 : memref<640x32xf32, #tpu.memory_space<vmem>>) target(%dma_start3A_172 : memref<640x32xf32, #tpu.memory_space<hbm>>) target_semaphore(%run_scoped3A : memref<!tpu.dma_semaphore, #tpu.memory_space<semaphore_mem>>)
      %dma_wait3A_173 = arith.constant 0 : i32
      %dma_wait3A_174 = tpu.memref_slice %arg6[%arg0, %mul3A_2, %dma_wait3A_173] : memref<2x10240x32xf32, #tpu.memory_space<hbm>> -> memref<1x640x32xf32, #tpu.memory_space<hbm>>
      %dma_wait3A_175 = tpu.memref_squeeze %dma_wait3A_174 : memref<1x640x32xf32, #tpu.memory_space<hbm>> -> memref<640x32xf32, #tpu.memory_space<hbm>>
      %dma_wait3A_176 = arith.constant 0 : i32
      %dma_wait3A_177 = tpu.memref_slice %arg6[%arg0, %mul3A_2, %dma_wait3A_176] : memref<2x10240x32xf32, #tpu.memory_space<hbm>> -> memref<1x640x32xf32, #tpu.memory_space<hbm>>
      %dma_wait3A_178 = tpu.memref_squeeze %dma_wait3A_177 : memref<1x640x32xf32, #tpu.memory_space<hbm>> -> memref<640x32xf32, #tpu.memory_space<hbm>>
      tpu.wait_dma2 semaphore(%run_scoped3A : memref<!tpu.dma_semaphore, #tpu.memory_space<semaphore_mem>>) src(%arg10 : memref<640x32xf32, #tpu.memory_space<vmem>>) dst(%dma_wait3A_178 : memref<640x32xf32, #tpu.memory_space<hbm>>)
      tpu.yield
    }) : () -> ()
    return
  }
}

module attributes {stable_mosaic.version = 14 : i64} {
  func.func @body(%arg0: memref<10240x128xf32, #tpu.memory_space<vmem>>, %arg1: memref<128x32xf32, #tpu.memory_space<vmem>>, %arg2: memref<2x10240xf32, #tpu.memory_space<vmem>>, %arg3: memref<10240x32xf32, #tpu.memory_space<vmem>>) attributes {dimension_semantics = [], scalar_prefetch = 0 : i64, scratch_operands = 0 : i64, tpu.core_type = #tpu.core_type<tc>} {
    %get3A = arith.constant 0 : index
    %get3A_0 = arith.constant 0 : index
    %get3A_1 = vector.load %arg2[%get3A, %get3A_0] : memref<2x10240xf32, #tpu.memory_space<vmem>>, vector<1x10240xf32>
    %get3A_2 = vector.shape_cast %get3A_1 : vector<1x10240xf32> to vector<10240xf32>
    %get3A_3 = arith.constant 1 : index
    %get3A_4 = arith.constant 0 : index
    %get3A_5 = vector.load %arg2[%get3A_3, %get3A_4] : memref<2x10240xf32, #tpu.memory_space<vmem>>, vector<1x10240xf32>
    %get3A_6 = vector.shape_cast %get3A_5 : vector<1x10240xf32> to vector<10240xf32>
    %add3A = arith.addf %get3A_2, %get3A_6 : vector<10240xf32>
    %add3A_7 = arith.constant 1.000000e+00 : f32
    %add3A_8 = vector.broadcast %add3A_7 : f32 to vector<10240xf32>
    %add3A_9 = arith.addf %add3A, %add3A_8 : vector<10240xf32>
    %rsqrt3A = math.rsqrt %add3A_9 : vector<10240xf32>
    %broadcast_in_dim3A = vector.shape_cast %rsqrt3A : vector<10240xf32> to vector<10240x1xf32>
    %get3A_10 = arith.constant 0 : index
    %get3A_11 = arith.constant 0 : index
    %get3A_12 = vector.load %arg0[%get3A_10, %get3A_11] : memref<10240x128xf32, #tpu.memory_space<vmem>>, vector<10240x128xf32>
    %get3A_13 = arith.constant 0 : index
    %get3A_14 = arith.constant 0 : index
    %get3A_15 = vector.load %arg1[%get3A_13, %get3A_14] : memref<128x32xf32, #tpu.memory_space<vmem>>, vector<128x32xf32>
    %dot_general3A = arith.constant dense<0.000000e+00> : vector<10240x32xf32>
    %dot_general3A_16 = tpu.matmul %get3A_12, %get3A_15, %dot_general3A {dimension_numbers = #tpu.dot_dimension_numbers<[1], [0], [0], [1], [0, 0, 1, 1], [], []>, transpose_lhs_hint = false} : vector<10240x128xf32>, vector<128x32xf32>, vector<10240x32xf32> -> vector<10240x32xf32>
    %mul3A = vector.broadcast %broadcast_in_dim3A : vector<10240x1xf32> to vector<10240x32xf32>
    %mul3A_17 = arith.mulf %dot_general3A_16, %mul3A : vector<10240x32xf32>
    %swap3A = arith.constant 0 : index
    %swap3A_18 = arith.constant 0 : index
    %swap3A_19 = vector.load %arg3[%swap3A, %swap3A_18] : memref<10240x32xf32, #tpu.memory_space<vmem>>, vector<10240x32xf32>
    tpu.vector_store %arg3[%swap3A, %swap3A_18], %mul3A_17 {strides = array<i32>} : memref<10240x32xf32, #tpu.memory_space<vmem>>, vector<10240x32xf32>,
    return
  }
}

module attributes {stable_mosaic.version = 14 : i64} {
  func.func @body(%arg0: memref<2x10240x32xf32, #tpu.memory_space<vmem>>, %arg1: memref<10240x32xf32, #tpu.memory_space<vmem>>, %arg2: memref<2x10240xf32, #tpu.memory_space<vmem>>, %arg3: memref<1x32xf32, #tpu.memory_space<vmem>>, %arg4: memref<32x16xf32, #tpu.memory_space<vmem>>, %arg5: memref<10240x16xf32, #tpu.memory_space<vmem>>) attributes {dimension_semantics = [], scalar_prefetch = 0 : i64, scratch_operands = 0 : i64, tpu.core_type = #tpu.core_type<tc>} {
    %get3A = arith.constant 0 : index
    %get3A_0 = arith.constant 0 : index
    %get3A_1 = arith.constant 0 : index
    %get3A_2 = vector.load %arg0[%get3A, %get3A_0, %get3A_1] : memref<2x10240x32xf32, #tpu.memory_space<vmem>>, vector<1x10240x32xf32>
    %get3A_3 = vector.shape_cast %get3A_2 : vector<1x10240x32xf32> to vector<10240x32xf32>
    %get3A_4 = arith.constant 1 : index
    %get3A_5 = arith.constant 0 : index
    %get3A_6 = arith.constant 0 : index
    %get3A_7 = vector.load %arg0[%get3A_4, %get3A_5, %get3A_6] : memref<2x10240x32xf32, #tpu.memory_space<vmem>>, vector<1x10240x32xf32>
    %get3A_8 = vector.shape_cast %get3A_7 : vector<1x10240x32xf32> to vector<10240x32xf32>
    %add3A = arith.addf %get3A_3, %get3A_8 : vector<10240x32xf32>
    %get3A_9 = arith.constant 0 : index
    %get3A_10 = arith.constant 0 : index
    %get3A_11 = vector.load %arg2[%get3A_9, %get3A_10] : memref<2x10240xf32, #tpu.memory_space<vmem>>, vector<1x10240xf32>
    %get3A_12 = vector.shape_cast %get3A_11 : vector<1x10240xf32> to vector<10240xf32>
    %get3A_13 = arith.constant 1 : index
    %get3A_14 = arith.constant 0 : index
    %get3A_15 = vector.load %arg2[%get3A_13, %get3A_14] : memref<2x10240xf32, #tpu.memory_space<vmem>>, vector<1x10240xf32>
    %get3A_16 = vector.shape_cast %get3A_15 : vector<1x10240xf32> to vector<10240xf32>
    %add3A_17 = arith.addf %get3A_12, %get3A_16 : vector<10240xf32>
    %add3A_18 = arith.constant 1.000000e+00 : f32
    %add3A_19 = vector.broadcast %add3A_18 : f32 to vector<10240xf32>
    %add3A_20 = arith.addf %add3A_17, %add3A_19 : vector<10240xf32>
    %rsqrt3A = math.rsqrt %add3A_20 : vector<10240xf32>
    %broadcast_in_dim3A = vector.shape_cast %rsqrt3A : vector<10240xf32> to vector<10240x1xf32>
    %get3A_21 = arith.constant 0 : index
    %get3A_22 = arith.constant 0 : index
    %get3A_23 = vector.load %arg1[%get3A_21, %get3A_22] : memref<10240x32xf32, #tpu.memory_space<vmem>>, vector<10240x32xf32>
    %add3A_24 = arith.addf %add3A, %get3A_23 : vector<10240x32xf32>
    %mul3A = vector.broadcast %broadcast_in_dim3A : vector<10240x1xf32> to vector<10240x32xf32>
    %mul3A_25 = arith.mulf %mul3A, %add3A_24 : vector<10240x32xf32>
    %get3A_26 = arith.constant 0 : index
    %get3A_27 = arith.constant 0 : index
    %get3A_28 = vector.load %arg3[%get3A_26, %get3A_27] : memref<1x32xf32, #tpu.memory_space<vmem>>, vector<1x32xf32>
    %add3A_29 = vector.broadcast %get3A_28 : vector<1x32xf32> to vector<10240x32xf32>
    %add3A_30 = arith.addf %mul3A_25, %add3A_29 : vector<10240x32xf32>
    %max3A = arith.constant 0.000000e+00 : f32
    %max3A_31 = vector.broadcast %max3A : f32 to vector<10240x32xf32>
    %max3A_32 = arith.maximumf %add3A_30, %max3A_31 : vector<10240x32xf32>
    %get3A_33 = arith.constant 0 : index
    %get3A_34 = arith.constant 0 : index
    %get3A_35 = vector.load %arg4[%get3A_33, %get3A_34] : memref<32x16xf32, #tpu.memory_space<vmem>>, vector<32x16xf32>
    %dot_general3A = arith.constant dense<0.000000e+00> : vector<10240x16xf32>
    %dot_general3A_36 = tpu.matmul %max3A_32, %get3A_35, %dot_general3A {dimension_numbers = #tpu.dot_dimension_numbers<[1], [0], [0], [1], [0, 0, 1, 1], [], []>, transpose_lhs_hint = false} : vector<10240x32xf32>, vector<32x16xf32>, vector<10240x16xf32> -> vector<10240x16xf32>
    %iota3A = tpu.iota {dimensions = array<i32: 0>} : vector<10240x1xi32>
    %lt3A = arith.constant 10000 : i32
    %lt3A_37 = vector.broadcast %lt3A : i32 to vector<10240x1xi32>
    %lt3A_38 = arith.cmpi slt, %iota3A, %lt3A_37 : vector<10240x1xi32>
    %mul3A_39 = vector.broadcast %broadcast_in_dim3A : vector<10240x1xf32> to vector<10240x16xf32>
    %mul3A_40 = arith.mulf %dot_general3A_36, %mul3A_39 : vector<10240x16xf32>
    %jit3A = arith.constant 0.000000e+00 : f32
    %broadcast_in_dim3A_41 = vector.shape_cast %lt3A_38 : vector<10240x1xi1> to vector<10240x1xi1>
    %broadcast_in_dim3A_42 = vector.broadcast %broadcast_in_dim3A_41 : vector<10240x1xi1> to vector<10240x16xi1>
    %broadcast_in_dim3A_43 = vector.broadcast %jit3A : f32 to vector<10240x16xf32>
    %select_n3A = arith.select %broadcast_in_dim3A_42, %mul3A_40, %broadcast_in_dim3A_43 : vector<10240x16xi1>, vector<10240x16xf32>
    %swap3A = arith.constant 0 : index
    %swap3A_44 = arith.constant 0 : index
    %swap3A_45 = vector.load %arg5[%swap3A, %swap3A_44] : memref<10240x16xf32, #tpu.memory_space<vmem>>, vector<10240x16xf32>
    tpu.vector_store %arg5[%swap3A, %swap3A_44], %select_n3A {strides = array<i32>} : memref<10240x16xf32, #tpu.memory_space<vmem>>, vector<10240x16xf32>,
    return
  }
}

module attributes {stable_mosaic.version = 14 : i64} {
  func.func @body(%arg0: memref<2x10240x16xf32, #tpu.memory_space<vmem>>, %arg1: memref<10240x16xf32, #tpu.memory_space<vmem>>, %arg2: memref<2x10240xf32, #tpu.memory_space<vmem>>, %arg3: memref<1x16xf32, #tpu.memory_space<vmem>>, %arg4: memref<10240x32xf32, #tpu.memory_space<vmem>>, %arg5: memref<16x1xf32, #tpu.memory_space<vmem>>, %arg6: memref<1x1xf32, #tpu.memory_space<vmem>>, %arg7: memref<32x1xf32, #tpu.memory_space<vmem>>) attributes {dimension_semantics = [], scalar_prefetch = 0 : i64, scratch_operands = 0 : i64, tpu.core_type = #tpu.core_type<tc>} {
    %get3A = arith.constant 0 : index
    %get3A_0 = arith.constant 0 : index
    %get3A_1 = arith.constant 0 : index
    %get3A_2 = vector.load %arg0[%get3A, %get3A_0, %get3A_1] : memref<2x10240x16xf32, #tpu.memory_space<vmem>>, vector<1x10240x16xf32>
    %get3A_3 = vector.shape_cast %get3A_2 : vector<1x10240x16xf32> to vector<10240x16xf32>
    %get3A_4 = arith.constant 1 : index
    %get3A_5 = arith.constant 0 : index
    %get3A_6 = arith.constant 0 : index
    %get3A_7 = vector.load %arg0[%get3A_4, %get3A_5, %get3A_6] : memref<2x10240x16xf32, #tpu.memory_space<vmem>>, vector<1x10240x16xf32>
    %get3A_8 = vector.shape_cast %get3A_7 : vector<1x10240x16xf32> to vector<10240x16xf32>
    %add3A = arith.addf %get3A_3, %get3A_8 : vector<10240x16xf32>
    %get3A_9 = arith.constant 0 : index
    %get3A_10 = arith.constant 0 : index
    %get3A_11 = vector.load %arg2[%get3A_9, %get3A_10] : memref<2x10240xf32, #tpu.memory_space<vmem>>, vector<1x10240xf32>
    %get3A_12 = vector.shape_cast %get3A_11 : vector<1x10240xf32> to vector<10240xf32>
    %get3A_13 = arith.constant 1 : index
    %get3A_14 = arith.constant 0 : index
    %get3A_15 = vector.load %arg2[%get3A_13, %get3A_14] : memref<2x10240xf32, #tpu.memory_space<vmem>>, vector<1x10240xf32>
    %get3A_16 = vector.shape_cast %get3A_15 : vector<1x10240xf32> to vector<10240xf32>
    %add3A_17 = arith.addf %get3A_12, %get3A_16 : vector<10240xf32>
    %add3A_18 = arith.constant 1.000000e+00 : f32
    %add3A_19 = vector.broadcast %add3A_18 : f32 to vector<10240xf32>
    %add3A_20 = arith.addf %add3A_17, %add3A_19 : vector<10240xf32>
    %rsqrt3A = math.rsqrt %add3A_20 : vector<10240xf32>
    %broadcast_in_dim3A = vector.shape_cast %rsqrt3A : vector<10240xf32> to vector<10240x1xf32>
    %get3A_21 = arith.constant 0 : index
    %get3A_22 = arith.constant 0 : index
    %get3A_23 = vector.load %arg1[%get3A_21, %get3A_22] : memref<10240x16xf32, #tpu.memory_space<vmem>>, vector<10240x16xf32>
    %add3A_24 = arith.addf %add3A, %get3A_23 : vector<10240x16xf32>
    %mul3A = vector.broadcast %broadcast_in_dim3A : vector<10240x1xf32> to vector<10240x16xf32>
    %mul3A_25 = arith.mulf %mul3A, %add3A_24 : vector<10240x16xf32>
    %get3A_26 = arith.constant 0 : index
    %get3A_27 = arith.constant 0 : index
    %get3A_28 = vector.load %arg3[%get3A_26, %get3A_27] : memref<1x16xf32, #tpu.memory_space<vmem>>, vector<1x16xf32>
    %add3A_29 = vector.broadcast %get3A_28 : vector<1x16xf32> to vector<10240x16xf32>
    %add3A_30 = arith.addf %mul3A_25, %add3A_29 : vector<10240x16xf32>
    %max3A = arith.constant 0.000000e+00 : f32
    %max3A_31 = vector.broadcast %max3A : f32 to vector<10240x16xf32>
    %max3A_32 = arith.maximumf %add3A_30, %max3A_31 : vector<10240x16xf32>
    %get3A_33 = arith.constant 0 : index
    %get3A_34 = arith.constant 0 : index
    %get3A_35 = vector.load %arg4[%get3A_33, %get3A_34] : memref<10240x32xf32, #tpu.memory_space<vmem>>, vector<10240x32xf32>
    %dot_general3A = arith.constant dense<0.000000e+00> : vector<32x16xf32>
    %dot_general3A_36 = tpu.matmul %get3A_35, %max3A_32, %dot_general3A {dimension_numbers = #tpu.dot_dimension_numbers<[0], [0], [1], [1], [0, 1, 1, 1], [], []>, transpose_lhs_hint = false} : vector<10240x32xf32>, vector<10240x16xf32>, vector<32x16xf32> -> vector<32x16xf32>
    %reduce_sum3A = arith.constant dense<0.000000e+00> : vector<32xf32>
    %reduce_sum3A_37 = vector.multi_reduction <add>, %get3A_35, %reduce_sum3A [0] : vector<10240x32xf32> to vector<32xf32>
    %broadcast_in_dim3A_38 = vector.shape_cast %reduce_sum3A_37 : vector<32xf32> to vector<1x32xf32>
    %max3A_39 = arith.constant 1.000000e+00 : f32
    %max3A_40 = vector.broadcast %max3A_39 : f32 to vector<1x32xf32>
    %max3A_41 = arith.maximumf %broadcast_in_dim3A_38, %max3A_40 : vector<1x32xf32>
    %transpose3A = tpu.transpose %max3A_41, [1, 0] : vector<1x32xf32> -> vector<32x1xf32>
    %div3A = vector.broadcast %transpose3A : vector<32x1xf32> to vector<32x16xf32>
    %div3A_42 = arith.divf %dot_general3A_36, %div3A : vector<32x16xf32>
    %get3A_43 = arith.constant 0 : index
    %get3A_44 = arith.constant 0 : index
    %get3A_45 = vector.load %arg5[%get3A_43, %get3A_44] : memref<16x1xf32, #tpu.memory_space<vmem>>, vector<16x1xf32>
    %dot_general3A_46 = arith.constant dense<0.000000e+00> : vector<32x1xf32>
    %dot_general3A_47 = tpu.matmul %div3A_42, %get3A_45, %dot_general3A_46 {dimension_numbers = #tpu.dot_dimension_numbers<[1], [0], [0], [1], [0, 0, 1, 1], [], []>, transpose_lhs_hint = false} : vector<32x16xf32>, vector<16x1xf32>, vector<32x1xf32> -> vector<32x1xf32>
    %get3A_48 = arith.constant 0 : index
    %get3A_49 = arith.constant 0 : index
    %get3A_50 = vector.load %arg6[%get3A_48, %get3A_49] : memref<1x1xf32, #tpu.memory_space<vmem>>, vector<1x1xf32>
    %add3A_51 = vector.broadcast %get3A_50 : vector<1x1xf32> to vector<32x1xf32>
    %add3A_52 = arith.addf %dot_general3A_47, %add3A_51 : vector<32x1xf32>
    %swap3A = arith.constant 0 : index
    %swap3A_53 = arith.constant 0 : index
    %swap3A_54 = vector.load %arg7[%swap3A, %swap3A_53] : memref<32x1xf32, #tpu.memory_space<vmem>>, vector<32x1xf32>
    tpu.vector_store %arg7[%swap3A, %swap3A_53], %add3A_52 {strides = array<i32>} : memref<32x1xf32, #tpu.memory_space<vmem>>, vector<32x1xf32>,
    return
  }
}

</mosaic_0001>

<sc_bundles>
// kernel: kernel.11.cloned.1.call-start
scs
__scs_entry_jumppad:
0x0: {  	(pc) =	sbr.rel $0x88, $3  }
0x1: {  	(tag) =	ssettag $0x0;
	lr =	simm.s32 $0x1  }
0x2: {  	[smem:$0x3F98] =	sst lr;
	_ =	strace $0xD0000000  }
0x3: {  	_ = 	snop  }
0x4: {  	_ = 	snop  }
0x5: {  	_ = 	snop  }
0x6: {  	_ = 	snop  }
0x7: {  	_ = 	snop  }
__scs_overlays_trampoline_lowered:
0x8: {  	[smem:$0x3FA7] =	sst s0  }
0x9: {  	[smem:$0x3FA8] =	sst s1  }
0xa: {  	[smem:$0x3FA9] =	sst s2  }
0xb: {  	[smem:$0x3FAA] =	sst s3  }
0xc: {  	[smem:$0x3FAB] =	sst s4  }
0xd: {  	[smem:$0x3FAC] =	sst s5  }
0xe: {  	[smem:$0x3FAD] =	sst s6  }
0xf: {  	[smem:$0x3FAE] =	sst s7  }
0x10: {  	[smem:$0x3FAF] =	sst s8  }
0x11: {  	[smem:$0x3FB0] =	sst s9;
	s0 =	simm.s32 @!p0 $0x0  }
0x12: {  	s1 =	sld [smem:$0x3F96];
	s0 =	simm.s32 @p0 $0x1  }
0x13: {  	[smem:$0x3FB1] =	sst s0;
	s0 =	simm.s32 @!p1 $0x0  }
0x14: {  	s2 =	sld [smem:$0x3F95];
	s0 =	simm.s32 @p1 $0x1  }
0x15: {  	[smem:$0x3FB2] =	sst s0;
	s0 =	simm.s32 @!p2 $0x0  }
0x16: {  	s3 =	sld [smem:$0x3FDB];
	s0 =	simm.s32 @p2 $0x1  }
0x17: {  	s4 =	simm.s32 $0x1BF5;
	[smem:$0x3FB4] =	sst s0  }
0x18: {  	s0 =	sld [smem:$0x3F97];
	_ =	swait.ge [sflag:s4], $0x0  }
0x19: {  	s7 =	sld [smem:$0x3F98]  }
0x1a: {  	s8 =	sadd.s32 $0xFFFFE003, lr  }
0x1b: {  	s9 =	sadd.s32 $0xFFFFFEF7, lr;
	s5 =	simm.s32 $0xFFFFFFFF;
	p2 =	slt.u32 s8, $0xFFFFF086  }
0x1c: {  	p1 =	slt.u32 s9, $0xF7A;
	s5 =	simm.s32 @!p2 $0x0  }
0x1d: {  	s5 =	simm.s32 @p1 $0x1;
	p0 =	seq.s32 s7, s2  }
0x1e: {  	s7 =	smul.u32 @!p0 $0xF7A, s2;
	p2 =	seq.s32 @!p0 s5, $0x0  }
0x1f: {  	s9 =	smul.u32 $0xF7A, s1;
	s8 =	simm.s32 @!p0 $0x1BF5;
	p2 =	por !p2, p0  }
0x20: {  	[sflag:s8] =	ssyncset.s32 @!p0 $0xFFFFF086;
	s6 =	sadd.s32 @!p0 s3, s7;
	s7 =	simm.s32 @!p0 $0x108  }
0x21: {  	s3 =	sadd.s32 s3, s9;
	s6 =	sadd.s32 @!p0 $0x88, s6;
	s7 =	simm.s32 @p2 $0x1082  }
0x22: {  	[simem:s7], [sflag:s8] =	dma.local @!p0 [hbm:s6], $0xF7A  }
0x23: {  	s9 =	sor.u32 $0xD0000000, s2;
	s6 =	simm.s32 $0x108;
	_ =	swait.ge @!p0 [sflag:s8], $0x0  }
0x24: {  	s3 =	sadd.s32 $0x88, s3;
	s6 =	simm.s32 @!p1 $0x1082;
	[sflag:s4] =	ssyncset.s32 $0xFFFFF086  }
0x25: {  	[simem:s6], [sflag:s4] =	dma.local [hbm:s3], $0xF7A  }
0x26: {  	[smem:$0x3F98] =	sst s1;
	(tag) =	ssettag s2;
	_ =	strace s9  }
0x27: {  	s1 =	sld [smem:$0x3FA8]  }
0x28: {  	s2 =	sld [smem:$0x3FA9]  }
0x29: {  	s4 =	sld [smem:$0x3FAB]  }
0x2a: {  	p0 =	seq.s32 s5, $0x0;
	s5 =	sld [smem:$0x3FAC]  }
0x2b: {  	s6 =	sld [smem:$0x3FAD]  }
0x2c: {  	s7 =	sld [smem:$0x3FAE]  }
0x2d: {  	s3 =	simm.s32 $0x108;
	s8 =	sld [smem:$0x3FAF]  }
0x2e: {  	s3 =	simm.s32 @!p0 $0x1082;
	s9 =	sld [smem:$0x3FB0]  }
0x2f: {  	lr =	sadd.s32 s0, s3;
	s0 =	sld [smem:$0x3FA7]  }
0x30: {  	s3 =	sld [smem:$0x3FAA]  }
0x31: {  	[smem:$0x3FB3] =	sst s10  }
0x32: {  	s10 =	sld [smem:$0x3FB1];
	_ =	sdelay $0x3  }
0x33: {  	p0 =	seq.s32 s10, $0x1;
	s10 =	sld [smem:$0x3FB3];
	_ =	sdelay $0x3  }
0x34: {  	[smem:$0x3FB3] =	sst s10  }
0x35: {  	s10 =	sld [smem:$0x3FB2];
	_ =	sdelay $0x3  }
0x36: {  	p1 =	seq.s32 s10, $0x1;
	s10 =	sld [smem:$0x3FB3];
	_ =	sdelay $0x3  }
0x37: {  	[smem:$0x3FB3] =	sst s10  }
0x38: {  	s10 =	sld [smem:$0x3FB4]  }
0x39: {  	_ = 	snop;
	(pc) =	sbr.ind lr, $3  }
0x3a: {  	_ = 	snop  }
0x3b: {  	_ = 	snop  }
0x3c: {  	p2 =	seq.s32 s10, $0x1;
	s10 =	sld [smem:$0x3FB3]  }
0x3d: {  	_ =	shalt  }
0x3e: {  	_ =	shalt  }
0x3f: {  	_ =	shalt  }
0x40: {  	_ =	shalt  }
0x41: {  	_ =	shalt  }
0x42: {  	_ =	shalt  }
0x43: {  	_ =	shalt  }
0x44: {  	_ =	shalt  }
0x45: {  	_ =	shalt  }
0x46: {  	_ =	shalt  }
0x47: {  	_ =	shalt  }
0x48: {  	_ =	shalt  }
0x49: {  	_ =	shalt  }
0x4a: {  	_ =	shalt  }
0x4b: {  	_ =	shalt  }
0x4c: {  	_ =	shalt  }
0x4d: {  	_ =	shalt  }
0x4e: {  	_ =	shalt  }
0x4f: {  	_ =	shalt  }
0x50: {  	_ =	shalt  }
0x51: {  	_ =	shalt  }
0x52: {  	_ =	shalt  }
0x53: {  	_ =	shalt  }
0x54: {  	_ =	shalt  }
0x55: {  	_ =	shalt  }
0x56: {  	_ =	shalt  }
0x57: {  	_ =	shalt  }
0x58: {  	_ =	shalt  }
0x59: {  	_ =	shalt  }
0x5a: {  	_ =	shalt  }
0x5b: {  	_ =	shalt  }
0x5c: {  	_ =	shalt  }
0x5d: {  	_ =	shalt  }
0x5e: {  	_ =	shalt  }
0x5f: {  	_ =	shalt  }
0x60: {  	_ =	shalt  }
0x61: {  	_ =	shalt  }
0x62: {  	_ =	shalt  }
0x63: {  	_ =	shalt  }
0x64: {  	_ =	shalt  }
0x65: {  	_ =	shalt  }
0x66: {  	_ =	shalt  }
0x67: {  	_ =	shalt  }
0x68: {  	_ =	shalt  }
0x69: {  	_ =	shalt  }
0x6a: {  	_ =	shalt  }
0x6b: {  	_ =	shalt  }
0x6c: {  	_ =	shalt  }
0x6d: {  	_ =	shalt  }
0x6e: {  	_ =	shalt  }
0x6f: {  	_ =	shalt  }
0x70: {  	_ =	shalt  }
0x71: {  	_ =	shalt  }
0x72: {  	_ =	shalt  }
0x73: {  	_ =	shalt  }
0x74: {  	_ =	shalt  }
0x75: {  	_ =	shalt  }
0x76: {  	_ =	shalt  }
0x77: {  	_ =	shalt  }
0x78: {  	_ =	shalt  }
0x79: {  	_ =	shalt  }
0x7a: {  	_ =	shalt  }
0x7b: {  	_ =	shalt  }
0x7c: {  	_ =	shalt  }
0x7d: {  	_ =	shalt  }
0x7e: {  	_ =	shalt  }
0x7f: {  	_ =	shalt  }
0x80: {  	_ =	shalt  }
0x81: {  	_ =	shalt  }
0x82: {  	_ =	shalt  }
0x83: {  	_ =	shalt  }
0x84: {  	_ =	shalt  }
0x85: {  	_ =	shalt  }
0x86: {  	_ =	shalt  }
0x87: {  	_ =	shalt  }
.Lfunc_end0:
.L_simem_size_0:
called_computation.1_lowered:
.L_overlay_start_0:
0x88: {  	s2 =	sld [smem:$0x3FD9]  }
0x89: {  	s3 =	sld [smem:$0x3FFE];
	_ =	sdelay $0x1  }
0x8a: {  	s1 =	srdreg.scid  }
0x8b: {  	s0 =	sand.u32 $0x1, s1  }
0x8c: {  	s16 =	sshll.u32 s0, $0xA;
	s2 =	sadd.s32 s3, s2  }
0x8d: {  	s2 =	sadd.s32 s2, s16  }
0x8e: {  	[smem:$0x3FBF] =	sst s2  }
0x8f: {  	_ = 	snop  }
0x90: {  	(tm) =	ssettm $0x1  }
0x91: {  	s17 =	sld [smem:$0x3FFB];
	_ =	sdelay $0x3  }
0x92: {  	_ =	strace s17  }
0x93: {  	s2 =	sld [smem:$0x3FFC];
	_ =	sdelay $0x3  }
0x94: {  	_ =	strace s2  }
0x95: {  	s2 =	sld [smem:$0x3FFD];
	_ =	sdelay $0x3  }
0x96: {  	_ =	strace s2  }
0x97: {  	_ =	strace $0x8FFFFFFF  }
0x98: {  	s18 =	sld [smem:$0x3FDB];
	_ =	sdelay $0x1  }
0x99: {  	s19 =	simm.s32 $_scs_section_size  }
0x9a: {  	s4 =	simm.s32 $_size__tile_overlayer_lowered;
	s5 =	simm.s32 $_tile_overlayer_lowered  }
0x9b: {  	s22 =	simm.s32 $0x1BFF;
	s21 =	sshll.u32 s5, $0x1;
	s2 =	sadd.s32 s19, s18  }
0x9c: {  	s6 =	simm.s32 $0x0;
	s20 =	sshll.u32 s4, $0x1;
	s4 =	sadd.s32 s21, s2  }
0x9d: {  	[timem:s6], [sflag:s22] =	dma.local [hbm:s4], s20  }
0x9e: {  	_ =	swait.ge [sflag:s22], s20  }
0x9f: {  	s3 =	ssub.s32 $0x0, s20;
	[sflag:s22] =	ssyncset.done $0x0  }
0xa0: {  	[sflag:s22] =	ssyncadd.s32 s3;
	_ =	sdelay $0x1  }
0xa1: {  	s23 =	simm.s32 $0x1B8B  }
0xa2: {  	_ =	swait.ge [sflag:s23], $0x1  }
0xa3: {  	[sflag:s23] =	ssyncset.done $0x0  }
0xa4: {  	s25 =	simm.s32 $0x1B8E;
	s24 =	sld [smem:$0x3FFE];
	[sflag:s23] =	ssyncadd.s32 $0xFFFFFFFF  }
0xa5: {  	s26 =	simm.s32 $execute0_lowered;
	[smem:$0x3FD2] =	sst s25  }
0xa6: {  	s4 =	sshll.u32 s26, $0x1;
	_ =	strace $0x80000049;
	[dreg:$0x1] =	wrdreg $0xFFFFFFFF  }
0xa7: {  	s28 =	simm.s32 $_size_execute0_lowered;
	s2 =	sadd.s32 s2, s4;
	[dreg:$0x0] =	wrdreg $0x0  }
0xa8: {  	s4 =	sshll.u32 s28, $0x1;
	[dreg:$0x2] =	wrdreg s2  }
0xa9: {  	[dreg:$0x3] =	wrdreg s4  }
0xaa: {  	[dreg:$0x4] =	wrdreg $0xC0  }
0xab: {  	_ =	task [dreg:s6], $0x5FFFF  }
0xac: {  	[dreg:$0x1] =	wrdreg $0xFFFFFFFF  }
0xad: {  	[dreg:$0x0] =	wrdreg $0x60  }
0xae: {  	[dreg:$0x2] =	wrdreg s24  }
0xaf: {  	[dreg:$0x3] =	wrdreg $0x128000  }
0xb0: {  	[dreg:$0x4] =	wrdreg $0x9  }
0xb1: {  	_ =	task.clear_ibuf [dreg:s6], $0x5FFFF;
	_ =	strace $0x90000049  }
0xb2: {  	s29 =	simm.s32 $0x9;
	_ =	strace $0x8000004B  }
0xb3: {  	_ =	swait.ge [sflag:s29], $0x1  }
0xb4: {  	[sflag:s29] =	ssyncadd.s32 $0xFFFFFFFF  }
0xb5: {  	_ =	strace $0x9000004B  }
0xb6: {  	_ =	sfence  }
0xb7: {  	s30 =	sld [smem:$0x0];
	_ =	sdelay $0x2  }
0xb8: {  	s31 =	sshll.u32 s1, $0xD;
	s1 =	sshrl.u32 s1, $0x2  }
0xb9: {  	s3 =	sand.u32 $0x4000, s31;
	s1 =	sadd.s32 s1, s30  }
0xba: {  	s0 =	sor.u32 s3, s0;
	s1 =	sshll.u32 s1, $0x11  }
0xbb: {  	s0 =	sor.u32 s1, s0  }
0xbc: {  	s0 =	sadd.s32 $0x8F2B, s0  }
0xbd: {  	[sflag:s0] =	ssyncadd.remote.s32 $0x1  }
0xbe: {  	_ =	sfence.sel $0xFFFF  }
0xbf: {  	[dreg:$0x0] =	wrdreg $0xFFFFFFFF;
	(pc) =	sbr.abs _section_cstart, $3  }
0xc0: {  	[dreg:$0x1] =	wrdreg $0xFFFFFFFF  }
0xc1: {  	_ =	task.clear_ibuf [dreg:s6], $0x2FFFF;
	_ =	strace $0x9FFFFFFF  }
0xc2: {  	(tm) =	ssettm $0x7FFFFFFF  }
0xc3: {  	_ =	shalt  }
tec
execute0_lowered:
.L_overlay_start_1:
0x0: {  	(tag) =	ssettag $0x1  }
0x1: {  	s0 =	srdreg.scid  }
0x2: {  	s3 =	stileid.u32;
	s6 =	rddreg [dreg:$0x0]  }
0x3: {  	s2 =	rddreg [dreg:$0x1];
	s11 =	simm.s32 $0xD800;
	s12 =	simm.s32 $0x9  }
0x4: {  	s14 =	simm.s32 $0x80;
	s15 =	simm.s32 $0x5800;
	s16 =	simm.s32 $0x6800  }
0x5: {  	s18 =	simm.s32 $0x7800;
	s20 =	simm.s32 $0x8800;
	s22 =	simm.s32 $0x9800  }
0x6: {  	s24 =	simm.s32 $0xA800;
	s29 =	simm.s32 $0xC800;
	s30 =	simm.s32 $0x1  }
0x7: {  	s31 =	simm.s32 $0x2;
	s13 =	simm.s32 $0x5;
	s17 =	simm.s32 $0x6  }
0x8: {  	s19 =	simm.s32 $0x7;
	s21 =	simm.s32 $0x8;
	s23 =	simm.s32 $0x0  }
0x9: {  	s0 =	sand.u32 $0x1, s0;
	s1 =	sshll.u32 s3, $0x1;
	s7 =	smul.u32 $0x5000, s3  }
0xa: {  	s3 =	simm.s32 $0x0;
	s26 =	sadd.s32 $0xCC00, s6;
	s1 =	sor.u32 s0, s1  }
0xb: {  	s4 =	smul.u32 $0x50000, s0;
	[smem:$0x7FF] =	sst s3;
	s0 =	ssub.s32 $0x2, s0  }
0xc: {  	s1 =	smul.u32 $0x580, s1;
	_ =	strace $0x8000004A;
	[dreg:$0x3] =	wrdreg s26  }
0xd: {  	s28 =	sshrl.u32 s0, $0x1;
	s26 =	simm.s32 $0xB800;
	s5 =	sadd.s32 s7, s4  }
0xe: {  	s4 =	sadd.s32 $0x18800, s6;
	s0 =	ssub.s32 s0, s28;
	s1 =	sadd.s32 s1, s6  }
0xf: {  	s8 =	sshrl.u32 s5, $0x3;
	s10 =	smax.u32 s0, $0x1;
	s0 =	simm.s32 $0x4  }
0x10: {  	s9 =	sadd.s32 s8, s6;
	s6 =	sadd.s32 s7, s2;
	s7 =	sadd.s32 $0xD800, s1  }
0x11: {  	s8 =	sadd.s32 $0x1C00, s1;
	s1 =	simm.s32 $0x3;
	s9 =	sadd.s32 $0x22800, s9  }
.LBB2_1:
0x12: {  	s5 =	rddreg [dreg:$0x3]  }
0x13: {  	[tilespmem:s11], [sflag:$0x9] =	stream.linear.gather [hbm4b:s5+s3], $0x5000, $0x38;
	[tilespmem:$0x17800] =	vst v63  }
0x14: {  	_ =	swait.ge [sflag:s12], $0x5000  }
0x15: {  	[sflag:s12] =	ssyncset.done $0x0  }
0x16: {  	[sflag:s12] =	ssyncadd.s32 $0xFFFFB000  }
0x17: {  	[spmem:s6] =	stream.linear.scatter [tilespmem:s11], [sflag:$0x9], $0x5000, $0x38;
	[tilespmem:$0x17800] =	vst v63  }
0x18: {  	_ =	swait.ge [sflag:s12], $0x5000  }
0x19: {  	[sflag:s12] =	ssyncset.done $0x0  }
0x1a: {  	[sflag:s12] =	ssyncadd.s32 $0xFFFFB000  }
0x1b: {  	[tilespmem:s3], [sflag:$0x9] =	stream.linear.gather [hbm4b:s7+s3], $0x2C00, $0x38;
	[tilespmem:$0x17800] =	vst v63  }
0x1c: {  	_ =	swait.ge [sflag:s12], $0x2C00  }
0x1d: {  	[sflag:s12] =	ssyncset.done $0x0  }
0x1e: {  	s25 =	simm.s32 $0x2C00;
	[sflag:s12] =	ssyncadd.s32 $0xFFFFD400  }
0x1f: {  	[tilespmem:s25], [sflag:$0x9] =	stream.linear.gather [hbm4b:s8+s3], $0x2C00, $0x38;
	[tilespmem:$0x17800] =	vst v63  }
0x20: {  	_ =	swait.ge [sflag:s12], $0x2C00  }
0x21: {  	[sflag:s12] =	ssyncset.done $0x0  }
0x22: {  	[sflag:s12] =	ssyncadd.s32 $0xFFFFD400  }
0x23: {  	[bflag:$0x0] =	sbarrier.arrive $0xFFFF  }
0x24: {  	[tilespmem:s15], [sflag:$0x1] =	stream.indirect.gather [hbm4b:s4+s14], $0x20, s3, s14, $0xb8;
	[tilespmem:$0x17800] =	vst v63  }
0x25: {  	_ = 	snop  }
0x26: {  	[tilespmem:s16], [sflag:$0x2] =	stream.indirect.gather [hbm4b:s4+s14], $0x20, s14, s14, $0xb8;
	[tilespmem:$0x17800] =	vst v63  }
0x27: {  	s25 =	simm.s32 $0x100  }
0x28: {  	[tilespmem:s18], [sflag:$0x3] =	stream.indirect.gather [hbm4b:s4+s14], $0x20, s25, s14, $0xb8;
	[tilespmem:$0x17800] =	vst v63  }
0x29: {  	s25 =	simm.s32 $0x180  }
0x2a: {  	[tilespmem:s20], [sflag:$0x4] =	stream.indirect.gather [hbm4b:s4+s14], $0x20, s25, s14, $0xb8;
	[tilespmem:$0x17800] =	vst v63  }
0x2b: {  	s25 =	simm.s32 $0x200  }
0x2c: {  	[tilespmem:s22], [sflag:$0x5] =	stream.indirect.gather [hbm4b:s4+s14], $0x20, s25, s14, $0xb8;
	[tilespmem:$0x17800] =	vst v63  }
0x2d: {  	s25 =	simm.s32 $0x280  }
0x2e: {  	[tilespmem:s24], [sflag:$0x6] =	stream.indirect.gather [hbm4b:s4+s14], $0x20, s25, s14, $0xb8;
	[tilespmem:$0x17800] =	vst v63  }
0x2f: {  	s25 =	simm.s32 $0x300  }
0x30: {  	[tilespmem:s26], [sflag:$0x7] =	stream.indirect.gather [hbm4b:s4+s14], $0x20, s25, s14, $0xb8;
	[tilespmem:$0x17800] =	vst v63  }
0x31: {  	s25 =	simm.s32 $0x380  }
0x32: {  	[tilespmem:s29], [sflag:$0x8] =	stream.indirect.gather [hbm4b:s4+s14], $0x20, s25, s14, $0xb8;
	[tilespmem:$0x17800] =	vst v63  }
0x33: {  	_ =	swait.ge [sflag:s30], $0x1000  }
0x34: {  	[sflag:s30] =	ssyncset.done $0x0  }
0x35: {  	s25 =	simm.s32 $0x2C00;
	[sflag:s30] =	ssyncadd.s32 $0xFFFFF000  }
0x36: {  	[spmem:s2] =	stream.indirect.scatter.add.f32 [tilespmem:s15], [sflag:$0x9], $0x20, s25, s14, $0xb8;
	[tilespmem:$0x17800] =	vst v63  }
0x37: {  	_ =	swait.ge [sflag:s12], $0x1000  }
0x38: {  	[sflag:s12] =	ssyncset.done $0x0  }
0x39: {  	s5 =	simm.s32 $0x400;
	[sflag:s12] =	ssyncadd.s32 $0xFFFFF000  }
0x3a: {  	[tilespmem:s15], [sflag:$0x1] =	stream.indirect.gather [hbm4b:s4+s14], $0x20, s5, s14, $0xb8;
	[tilespmem:$0x17800] =	vst v63  }
0x3b: {  	_ =	swait.ge [sflag:s31], $0x1000  }
0x3c: {  	[sflag:s31] =	ssyncset.done $0x0  }
0x3d: {  	s5 =	simm.s32 $0x2C80;
	[sflag:s31] =	ssyncadd.s32 $0xFFFFF000  }
0x3e: {  	[spmem:s2] =	stream.indirect.scatter.add.f32 [tilespmem:s16], [sflag:$0x9], $0x20, s5, s14, $0xb8;
	[tilespmem:$0x17800] =	vst v63  }
0x3f: {  	_ =	swait.ge [sflag:s12], $0x1000  }
0x40: {  	[sflag:s12] =	ssyncset.done $0x0  }
0x41: {  	s5 =	simm.s32 $0x480;
	[sflag:s12] =	ssyncadd.s32 $0xFFFFF000  }
0x42: {  	[tilespmem:s16], [sflag:$0x2] =	stream.indirect.gather [hbm4b:s4+s14], $0x20, s5, s14, $0xb8;
	[tilespmem:$0x17800] =	vst v63  }
0x43: {  	_ =	swait.ge [sflag:s1], $0x1000  }
0x44: {  	[sflag:s1] =	ssyncset.done $0x0  }
0x45: {  	s5 =	simm.s32 $0x2D00;
	[sflag:s1] =	ssyncadd.s32 $0xFFFFF000  }
0x46: {  	[spmem:s2] =	stream.indirect.scatter.add.f32 [tilespmem:s18], [sflag:$0x9], $0x20, s5, s14, $0xb8;
	[tilespmem:$0x17800] =	vst v63  }
0x47: {  	_ =	swait.ge [sflag:s12], $0x1000  }
0x48: {  	[sflag:s12] =	ssyncset.done $0x0  }
0x49: {  	s5 =	simm.s32 $0x500;
	[sflag:s12] =	ssyncadd.s32 $0xFFFFF000  }
0x4a: {  	[tilespmem:s18], [sflag:$0x3] =	stream.indirect.gather [hbm4b:s4+s14], $0x20, s5, s14, $0xb8;
	[tilespmem:$0x17800] =	vst v63  }
0x4b: {  	_ =	swait.ge [sflag:s0], $0x1000  }
0x4c: {  	[sflag:s0] =	ssyncset.done $0x0  }
0x4d: {  	s5 =	simm.s32 $0x2D80;
	[sflag:s0] =	ssyncadd.s32 $0xFFFFF000  }
0x4e: {  	[spmem:s2] =	stream.indirect.scatter.add.f32 [tilespmem:s20], [sflag:$0x9], $0x20, s5, s14, $0xb8;
	[tilespmem:$0x17800] =	vst v63  }
0x4f: {  	_ =	swait.ge [sflag:s12], $0x1000  }
0x50: {  	[sflag:s12] =	ssyncset.done $0x0  }
0x51: {  	s5 =	simm.s32 $0x580;
	[sflag:s12] =	ssyncadd.s32 $0xFFFFF000  }
0x52: {  	[tilespmem:s20], [sflag:$0x4] =	stream.indirect.gather [hbm4b:s4+s14], $0x20, s5, s14, $0xb8;
	[tilespmem:$0x17800] =	vst v63  }
0x53: {  	_ =	swait.ge [sflag:s13], $0x1000  }
0x54: {  	[sflag:s13] =	ssyncset.done $0x0  }
0x55: {  	s5 =	simm.s32 $0x2E00;
	[sflag:s13] =	ssyncadd.s32 $0xFFFFF000  }
0x56: {  	[spmem:s2] =	stream.indirect.scatter.add.f32 [tilespmem:s22], [sflag:$0x9], $0x20, s5, s14, $0xb8;
	[tilespmem:$0x17800] =	vst v63  }
0x57: {  	_ =	swait.ge [sflag:s12], $0x1000  }
0x58: {  	[sflag:s12] =	ssyncset.done $0x0  }
0x59: {  	s5 =	simm.s32 $0x600;
	[sflag:s12] =	ssyncadd.s32 $0xFFFFF000  }
0x5a: {  	[tilespmem:s22], [sflag:$0x5] =	stream.indirect.gather [hbm4b:s4+s14], $0x20, s5, s14, $0xb8;
	[tilespmem:$0x17800] =	vst v63  }
0x5b: {  	_ =	swait.ge [sflag:s17], $0x1000  }
0x5c: {  	[sflag:s17] =	ssyncset.done $0x0  }
0x5d: {  	s5 =	simm.s32 $0x2E80;
	[sflag:s17] =	ssyncadd.s32 $0xFFFFF000  }
0x5e: {  	[spmem:s2] =	stream.indirect.scatter.add.f32 [tilespmem:s24], [sflag:$0x9], $0x20, s5, s14, $0xb8;
	[tilespmem:$0x17800] =	vst v63  }
0x5f: {  	_ =	swait.ge [sflag:s12], $0x1000  }
0x60: {  	[sflag:s12] =	ssyncset.done $0x0  }
0x61: {  	s5 =	simm.s32 $0x680;
	[sflag:s12] =	ssyncadd.s32 $0xFFFFF000  }
0x62: {  	[tilespmem:s24], [sflag:$0x6] =	stream.indirect.gather [hbm4b:s4+s14], $0x20, s5, s14, $0xb8;
	[tilespmem:$0x17800] =	vst v63  }
0x63: {  	_ =	swait.ge [sflag:s19], $0x1000  }
0x64: {  	[sflag:s19] =	ssyncset.done $0x0  }
0x65: {  	s5 =	simm.s32 $0x2F00;
	[sflag:s19] =	ssyncadd.s32 $0xFFFFF000  }
0x66: {  	[spmem:s2] =	stream.indirect.scatter.add.f32 [tilespmem:s26], [sflag:$0x9], $0x20, s5, s14, $0xb8;
	[tilespmem:$0x17800] =	vst v63  }
0x67: {  	_ =	swait.ge [sflag:s12], $0x1000  }
0x68: {  	[sflag:s12] =	ssyncset.done $0x0  }
0x69: {  	s5 =	simm.s32 $0x700;
	[sflag:s12] =	ssyncadd.s32 $0xFFFFF000  }
0x6a: {  	[tilespmem:s26], [sflag:$0x7] =	stream.indirect.gather [hbm4b:s4+s14], $0x20, s5, s14, $0xb8;
	[tilespmem:$0x17800] =	vst v63  }
0x6b: {  	_ =	swait.ge [sflag:s21], $0x1000  }
0x6c: {  	[sflag:s21] =	ssyncset.done $0x0  }
0x6d: {  	s5 =	simm.s32 $0x2F80;
	[sflag:s21] =	ssyncadd.s32 $0xFFFFF000  }
0x6e: {  	[spmem:s2] =	stream.indirect.scatter.add.f32 [tilespmem:s29], [sflag:$0x9], $0x20, s5, s14, $0xb8;
	[tilespmem:$0x17800] =	vst v63  }
0x6f: {  	_ =	swait.ge [sflag:s12], $0x1000  }
0x70: {  	[sflag:s12] =	ssyncset.done $0x0  }
0x71: {  	s28 =	simm.s32 $0x780;
	s25 =	simm.s32 $0x1000;
	[sflag:s12] =	ssyncadd.s32 $0xFFFFF000  }
.LBB2_2:
0x72: {  	[tilespmem:s29], [sflag:$0x8] =	stream.indirect.gather [hbm4b:s4+s14], $0x20, s28, s14, $0xb8;
	[tilespmem:$0x17800] =	vst v63  }
0x73: {  	s28 =	smov.u32 s25  }
0x74: {  	p0 =	sne.s32 s25, $0x9000;
	s25 =	sadd.s32 $0x1000, s25;
	_ =	swait.ge [sflag:s30], $0x1000  }
0x75: {  	s28 =	sshra.s32 s28, $0x2;
	[sflag:s30] =	ssyncset.done $0x0  }
0x76: {  	s5 =	sadd.s32 $0x2C00, s28;
	[sflag:s30] =	ssyncadd.s32 $0xFFFFF000  }
0x77: {  	[spmem:s2] =	stream.indirect.scatter.add.f32 [tilespmem:s15], [sflag:$0x9], $0x20, s5, s14, $0xb8;
	[tilespmem:$0x17800] =	vst v63  }
0x78: {  	_ =	swait.ge [sflag:s12], $0x1000  }
0x79: {  	[sflag:s12] =	ssyncset.done $0x0  }
0x7a: {  	s5 =	sadd.s32 $0x400, s28;
	[sflag:s12] =	ssyncadd.s32 $0xFFFFF000  }
0x7b: {  	[tilespmem:s15], [sflag:$0x1] =	stream.indirect.gather [hbm4b:s4+s14], $0x20, s5, s14, $0xb8;
	[tilespmem:$0x17800] =	vst v63  }
0x7c: {  	_ =	swait.ge [sflag:s31], $0x1000  }
0x7d: {  	[sflag:s31] =	ssyncset.done $0x0  }
0x7e: {  	s5 =	sadd.s32 $0x2C80, s28;
	[sflag:s31] =	ssyncadd.s32 $0xFFFFF000  }
0x7f: {  	[spmem:s2] =	stream.indirect.scatter.add.f32 [tilespmem:s16], [sflag:$0x9], $0x20, s5, s14, $0xb8;
	[tilespmem:$0x17800] =	vst v63  }
0x80: {  	_ =	swait.ge [sflag:s12], $0x1000  }
0x81: {  	[sflag:s12] =	ssyncset.done $0x0  }
0x82: {  	s5 =	sadd.s32 $0x480, s28;
	[sflag:s12] =	ssyncadd.s32 $0xFFFFF000  }
0x83: {  	[tilespmem:s16], [sflag:$0x2] =	stream.indirect.gather [hbm4b:s4+s14], $0x20, s5, s14, $0xb8;
	[tilespmem:$0x17800] =	vst v63  }
0x84: {  	_ =	swait.ge [sflag:s1], $0x1000  }
0x85: {  	[sflag:s1] =	ssyncset.done $0x0  }
0x86: {  	s5 =	sadd.s32 $0x2D00, s28;
	[sflag:s1] =	ssyncadd.s32 $0xFFFFF000  }
0x87: {  	[spmem:s2] =	stream.indirect.scatter.add.f32 [tilespmem:s18], [sflag:$0x9], $0x20, s5, s14, $0xb8;
	[tilespmem:$0x17800] =	vst v63  }
0x88: {  	_ =	swait.ge [sflag:s12], $0x1000  }
0x89: {  	[sflag:s12] =	ssyncset.done $0x0  }
0x8a: {  	s5 =	sadd.s32 $0x500, s28;
	[sflag:s12] =	ssyncadd.s32 $0xFFFFF000  }
0x8b: {  	[tilespmem:s18], [sflag:$0x3] =	stream.indirect.gather [hbm4b:s4+s14], $0x20, s5, s14, $0xb8;
	[tilespmem:$0x17800] =	vst v63  }
0x8c: {  	_ =	swait.ge [sflag:s0], $0x1000  }
0x8d: {  	[sflag:s0] =	ssyncset.done $0x0  }
0x8e: {  	s5 =	sadd.s32 $0x2D80, s28;
	[sflag:s0] =	ssyncadd.s32 $0xFFFFF000  }
0x8f: {  	[spmem:s2] =	stream.indirect.scatter.add.f32 [tilespmem:s20], [sflag:$0x9], $0x20, s5, s14, $0xb8;
	[tilespmem:$0x17800] =	vst v63  }
0x90: {  	_ =	swait.ge [sflag:s12], $0x1000  }
0x91: {  	[sflag:s12] =	ssyncset.done $0x0  }
0x92: {  	s5 =	sadd.s32 $0x580, s28;
	[sflag:s12] =	ssyncadd.s32 $0xFFFFF000  }
0x93: {  	[tilespmem:s20], [sflag:$0x4] =	stream.indirect.gather [hbm4b:s4+s14], $0x20, s5, s14, $0xb8;
	[tilespmem:$0x17800] =	vst v63  }
0x94: {  	_ =	swait.ge [sflag:s13], $0x1000  }
0x95: {  	[sflag:s13] =	ssyncset.done $0x0  }
0x96: {  	s5 =	sadd.s32 $0x2E00, s28;
	[sflag:s13] =	ssyncadd.s32 $0xFFFFF000  }
0x97: {  	[spmem:s2] =	stream.indirect.scatter.add.f32 [tilespmem:s22], [sflag:$0x9], $0x20, s5, s14, $0xb8;
	[tilespmem:$0x17800] =	vst v63  }
0x98: {  	_ =	swait.ge [sflag:s12], $0x1000  }
0x99: {  	[sflag:s12] =	ssyncset.done $0x0  }
0x9a: {  	s5 =	sadd.s32 $0x600, s28;
	[sflag:s12] =	ssyncadd.s32 $0xFFFFF000  }
0x9b: {  	[tilespmem:s22], [sflag:$0x5] =	stream.indirect.gather [hbm4b:s4+s14], $0x20, s5, s14, $0xb8;
	[tilespmem:$0x17800] =	vst v63  }
0x9c: {  	_ =	swait.ge [sflag:s17], $0x1000  }
0x9d: {  	[sflag:s17] =	ssyncset.done $0x0  }
0x9e: {  	s5 =	sadd.s32 $0x2E80, s28;
	[sflag:s17] =	ssyncadd.s32 $0xFFFFF000  }
0x9f: {  	[spmem:s2] =	stream.indirect.scatter.add.f32 [tilespmem:s24], [sflag:$0x9], $0x20, s5, s14, $0xb8;
	[tilespmem:$0x17800] =	vst v63  }
0xa0: {  	_ =	swait.ge [sflag:s12], $0x1000  }
0xa1: {  	[sflag:s12] =	ssyncset.done $0x0  }
0xa2: {  	s5 =	sadd.s32 $0x680, s28;
	[sflag:s12] =	ssyncadd.s32 $0xFFFFF000  }
0xa3: {  	[tilespmem:s24], [sflag:$0x6] =	stream.indirect.gather [hbm4b:s4+s14], $0x20, s5, s14, $0xb8;
	[tilespmem:$0x17800] =	vst v63  }
0xa4: {  	_ =	swait.ge [sflag:s19], $0x1000  }
0xa5: {  	[sflag:s19] =	ssyncset.done $0x0  }
0xa6: {  	s5 =	sadd.s32 $0x2F00, s28;
	[sflag:s19] =	ssyncadd.s32 $0xFFFFF000  }
0xa7: {  	[spmem:s2] =	stream.indirect.scatter.add.f32 [tilespmem:s26], [sflag:$0x9], $0x20, s5, s14, $0xb8;
	[tilespmem:$0x17800] =	vst v63  }
0xa8: {  	_ =	swait.ge [sflag:s12], $0x1000  }
0xa9: {  	[sflag:s12] =	ssyncset.done $0x0  }
0xaa: {  	s5 =	sadd.s32 $0x700, s28;
	[sflag:s12] =	ssyncadd.s32 $0xFFFFF000  }
0xab: {  	[tilespmem:s26], [sflag:$0x7] =	stream.indirect.gather [hbm4b:s4+s14], $0x20, s5, s14, $0xb8;
	[tilespmem:$0x17800] =	vst v63  }
0xac: {  	_ =	swait.ge [sflag:s21], $0x1000  }
0xad: {  	[sflag:s21] =	ssyncset.done $0x0  }
.Ltmp0:
0xae: {  	s5 =	sadd.s32 $0x2F80, s28;
	[sflag:s21] =	ssyncadd.s32 $0xFFFFF000;
	(pc) =	sbr.rel @p0 .LBB2_2-.Ltmp0, $4  }
0xaf: {  	[spmem:s2] =	stream.indirect.scatter.add.f32 [tilespmem:s29], [sflag:$0x9], $0x20, s5, s14, $0xb8;
	[tilespmem:$0x17800] =	vst v63  }
0xb0: {  	_ =	swait.ge [sflag:s12], $0x1000  }
0xb1: {  	[sflag:s12] =	ssyncset.done $0x0  }
0xb2: {  	s28 =	sadd.s32 $0x780, s28;
	[sflag:s12] =	ssyncadd.s32 $0xFFFFF000  }
0xb3: {  	[tilespmem:s29], [sflag:$0x8] =	stream.indirect.gather [hbm4b:s4+s14], $0x20, s28, s14, $0xb8;
	[tilespmem:$0x17800] =	vst v63  }
0xb4: {  	_ =	swait.ge [sflag:s30], $0x1000  }
0xb5: {  	[sflag:s30] =	ssyncset.done $0x0  }
0xb6: {  	[sflag:s30] =	ssyncadd.s32 $0xFFFFF000  }
0xb7: {  	_ =	swait.ge [sflag:s31], $0x1000  }
0xb8: {  	[sflag:s31] =	ssyncset.done $0x0  }
0xb9: {  	[sflag:s31] =	ssyncadd.s32 $0xFFFFF000  }
0xba: {  	_ =	swait.ge [sflag:s1], $0x1000  }
0xbb: {  	[sflag:s1] =	ssyncset.done $0x0  }
0xbc: {  	[sflag:s1] =	ssyncadd.s32 $0xFFFFF000  }
0xbd: {  	_ =	swait.ge [sflag:s0], $0x1000  }
0xbe: {  	[sflag:s0] =	ssyncset.done $0x0  }
0xbf: {  	[sflag:s0] =	ssyncadd.s32 $0xFFFFF000  }
0xc0: {  	_ =	swait.ge [sflag:s13], $0x1000  }
0xc1: {  	[sflag:s13] =	ssyncset.done $0x0  }
0xc2: {  	[sflag:s13] =	ssyncadd.s32 $0xFFFFF000  }
0xc3: {  	_ =	swait.ge [sflag:s17], $0x1000  }
0xc4: {  	[sflag:s17] =	ssyncset.done $0x0  }
0xc5: {  	[sflag:s17] =	ssyncadd.s32 $0xFFFFF000  }
0xc6: {  	_ =	swait.ge [sflag:s19], $0x1000  }
0xc7: {  	[sflag:s19] =	ssyncset.done $0x0  }
0xc8: {  	[sflag:s19] =	ssyncadd.s32 $0xFFFFF000  }
0xc9: {  	_ =	swait.ge [sflag:s21], $0x1000  }
0xca: {  	[sflag:s21] =	ssyncset.done $0x0  }
0xcb: {  	[sflag:s21] =	ssyncadd.s32 $0xFFFFF000  }
0xcc: {  	[bflag:$0x0] =	sbarrier.arrive $0xFFFF  }
0xcd: {  	[tilespmem:s11], [sflag:$0x9] =	stream.linear.gather [spmem:s6], $0x5000, $0x38;
	[tilespmem:$0x17800] =	vst v63  }
0xce: {  	s23 =	sadd.s32 $0x1, s23;
	_ =	swait.ge [sflag:s12], $0x5000  }
0xcf: {  	p0 =	sne.s32 s23, s10;
	[sflag:s12] =	ssyncset.done $0x0  }
.Ltmp1:
0xd0: {  	[sflag:s12] =	ssyncadd.s32 $0xFFFFB000;
	(pc) =	sbr.rel @p0 .LBB2_1-.Ltmp1, $4  }
0xd1: {  	[hbm4b:s9+s3] =	stream.linear.scatter [tilespmem:s11], [sflag:$0x9], $0x5000, $0x38;
	[tilespmem:$0x17800] =	vst v63  }
0xd2: {  	_ =	swait.ge [sflag:s12], $0x5000  }
0xd3: {  	[sflag:s12] =	ssyncset.done $0x0  }
0xd4: {  	[sflag:s12] =	ssyncadd.s32 $0xFFFFB000  }
0xd5: {  	_ =	sfence.sel $0x180000  }
0xd6: {  	[bflag:$0x0] =	sbarrier.arrive $0xFFFF  }
0xd7: {  	_ =	strace $0x9000004A  }
0xd8: {  	s0 =	stileid.u32;
	[bflag:$0x2] =	sbarrier.arrive $0xFFFF  }
0xd9: {  	p0 =	sne.s32 s0, $0x0;
	s0 =	rddreg [dreg:$0x2]  }
0xda: {  	s0 =	sadd.s32 @!p0 $0x100000, s0  }
0xdb: {  	[sflag:s0] =	ssyncadd.tile.s32 @!p0 $0x1;
	_ =	shalt  }
.Lfunc_end2:
_tile_overlayer_lowered:
.L_overlay_start_2:
0xdc: {  	(tag) =	ssettag $0x2  }
0xdd: {  	s0 =	rddreg [dreg:$0x0];
	s2 =	stileid.u32  }
0xde: {  	s1 =	rddreg [dreg:$0x1];
	p0 =	sne.s32 s2, $0x0  }
0xdf: {  	s3 =	rddreg [dreg:$0x2];
	[bflag:$0x3] =	sbarrier.arrive $0xFFFF;
	s2 =	simm.s32 @!p0 $0x1C09  }
0xe0: {  	[timem:s3], [sflag:s2] =	dma.local @!p0 [hbm:s0], s1  }
0xe1: {  	s0 =	simm.s32 @!p0 $0x9  }
0xe2: {  	_ =	swait.ge @!p0 [sflag:s0], s1  }
0xe3: {  	s1 =	ssub.s32 @!p0 $0x0, s1;
	[sflag:s0] =	ssyncset.done @!p0 $0x0  }
0xe4: {  	[sflag:s0] =	ssyncadd.s32 @!p0 s1  }
0xe5: {  	[bflag:$0x3] =	sbarrier.arrive $0xFFFF  }
0xe6: {  	_ =	shalt  }

// kernel: kernel.14.cloned.1.call-start
scs
__scs_entry_jumppad:
0x0: {  	(pc) =	sbr.rel $0x88, $3  }
0x1: {  	(tag) =	ssettag $0x0;
	lr =	simm.s32 $0x1  }
0x2: {  	[smem:$0x3F98] =	sst lr;
	_ =	strace $0xD0000000  }
0x3: {  	_ = 	snop  }
0x4: {  	_ = 	snop  }
0x5: {  	_ = 	snop  }
0x6: {  	_ = 	snop  }
0x7: {  	_ = 	snop  }
__scs_overlays_trampoline_lowered:
0x8: {  	[smem:$0x3FA7] =	sst s0  }
0x9: {  	[smem:$0x3FA8] =	sst s1  }
0xa: {  	[smem:$0x3FA9] =	sst s2  }
0xb: {  	[smem:$0x3FAA] =	sst s3  }
0xc: {  	[smem:$0x3FAB] =	sst s4  }
0xd: {  	[smem:$0x3FAC] =	sst s5  }
0xe: {  	[smem:$0x3FAD] =	sst s6  }
0xf: {  	[smem:$0x3FAE] =	sst s7  }
0x10: {  	[smem:$0x3FAF] =	sst s8  }
0x11: {  	[smem:$0x3FB0] =	sst s9;
	s0 =	simm.s32 @!p0 $0x0  }
0x12: {  	s1 =	sld [smem:$0x3F96];
	s0 =	simm.s32 @p0 $0x1  }
0x13: {  	[smem:$0x3FB1] =	sst s0;
	s0 =	simm.s32 @!p1 $0x0  }
0x14: {  	s2 =	sld [smem:$0x3F95];
	s0 =	simm.s32 @p1 $0x1  }
0x15: {  	[smem:$0x3FB2] =	sst s0;
	s0 =	simm.s32 @!p2 $0x0  }
0x16: {  	s3 =	sld [smem:$0x3FDB];
	s0 =	simm.s32 @p2 $0x1  }
0x17: {  	s4 =	simm.s32 $0x1BF5;
	[smem:$0x3FB4] =	sst s0  }
0x18: {  	s0 =	sld [smem:$0x3F97];
	_ =	swait.ge [sflag:s4], $0x0  }
0x19: {  	s7 =	sld [smem:$0x3F98]  }
0x1a: {  	s8 =	sadd.s32 $0xFFFFE003, lr  }
0x1b: {  	s9 =	sadd.s32 $0xFFFFFEF7, lr;
	s5 =	simm.s32 $0xFFFFFFFF;
	p2 =	slt.u32 s8, $0xFFFFF086  }
0x1c: {  	p1 =	slt.u32 s9, $0xF7A;
	s5 =	simm.s32 @!p2 $0x0  }
0x1d: {  	s5 =	simm.s32 @p1 $0x1;
	p0 =	seq.s32 s7, s2  }
0x1e: {  	s7 =	smul.u32 @!p0 $0xF7A, s2;
	p2 =	seq.s32 @!p0 s5, $0x0  }
0x1f: {  	s9 =	smul.u32 $0xF7A, s1;
	s8 =	simm.s32 @!p0 $0x1BF5;
	p2 =	por !p2, p0  }
0x20: {  	[sflag:s8] =	ssyncset.s32 @!p0 $0xFFFFF086;
	s6 =	sadd.s32 @!p0 s3, s7;
	s7 =	simm.s32 @!p0 $0x108  }
0x21: {  	s3 =	sadd.s32 s3, s9;
	s6 =	sadd.s32 @!p0 $0x88, s6;
	s7 =	simm.s32 @p2 $0x1082  }
0x22: {  	[simem:s7], [sflag:s8] =	dma.local @!p0 [hbm:s6], $0xF7A  }
0x23: {  	s9 =	sor.u32 $0xD0000000, s2;
	s6 =	simm.s32 $0x108;
	_ =	swait.ge @!p0 [sflag:s8], $0x0  }
0x24: {  	s3 =	sadd.s32 $0x88, s3;
	s6 =	simm.s32 @!p1 $0x1082;
	[sflag:s4] =	ssyncset.s32 $0xFFFFF086  }
0x25: {  	[simem:s6], [sflag:s4] =	dma.local [hbm:s3], $0xF7A  }
0x26: {  	[smem:$0x3F98] =	sst s1;
	(tag) =	ssettag s2;
	_ =	strace s9  }
0x27: {  	s1 =	sld [smem:$0x3FA8]  }
0x28: {  	s2 =	sld [smem:$0x3FA9]  }
0x29: {  	s4 =	sld [smem:$0x3FAB]  }
0x2a: {  	p0 =	seq.s32 s5, $0x0;
	s5 =	sld [smem:$0x3FAC]  }
0x2b: {  	s6 =	sld [smem:$0x3FAD]  }
0x2c: {  	s7 =	sld [smem:$0x3FAE]  }
0x2d: {  	s3 =	simm.s32 $0x108;
	s8 =	sld [smem:$0x3FAF]  }
0x2e: {  	s3 =	simm.s32 @!p0 $0x1082;
	s9 =	sld [smem:$0x3FB0]  }
0x2f: {  	lr =	sadd.s32 s0, s3;
	s0 =	sld [smem:$0x3FA7]  }
0x30: {  	s3 =	sld [smem:$0x3FAA]  }
0x31: {  	[smem:$0x3FB3] =	sst s10  }
0x32: {  	s10 =	sld [smem:$0x3FB1];
	_ =	sdelay $0x3  }
0x33: {  	p0 =	seq.s32 s10, $0x1;
	s10 =	sld [smem:$0x3FB3];
	_ =	sdelay $0x3  }
0x34: {  	[smem:$0x3FB3] =	sst s10  }
0x35: {  	s10 =	sld [smem:$0x3FB2];
	_ =	sdelay $0x3  }
0x36: {  	p1 =	seq.s32 s10, $0x1;
	s10 =	sld [smem:$0x3FB3];
	_ =	sdelay $0x3  }
0x37: {  	[smem:$0x3FB3] =	sst s10  }
0x38: {  	s10 =	sld [smem:$0x3FB4]  }
0x39: {  	_ = 	snop;
	(pc) =	sbr.ind lr, $3  }
0x3a: {  	_ = 	snop  }
0x3b: {  	_ = 	snop  }
0x3c: {  	p2 =	seq.s32 s10, $0x1;
	s10 =	sld [smem:$0x3FB3]  }
0x3d: {  	_ =	shalt  }
0x3e: {  	_ =	shalt  }
0x3f: {  	_ =	shalt  }
0x40: {  	_ =	shalt  }
0x41: {  	_ =	shalt  }
0x42: {  	_ =	shalt  }
0x43: {  	_ =	shalt  }
0x44: {  	_ =	shalt  }
0x45: {  	_ =	shalt  }
0x46: {  	_ =	shalt  }
0x47: {  	_ =	shalt  }
0x48: {  	_ =	shalt  }
0x49: {  	_ =	shalt  }
0x4a: {  	_ =	shalt  }
0x4b: {  	_ =	shalt  }
0x4c: {  	_ =	shalt  }
0x4d: {  	_ =	shalt  }
0x4e: {  	_ =	shalt  }
0x4f: {  	_ =	shalt  }
0x50: {  	_ =	shalt  }
0x51: {  	_ =	shalt  }
0x52: {  	_ =	shalt  }
0x53: {  	_ =	shalt  }
0x54: {  	_ =	shalt  }
0x55: {  	_ =	shalt  }
0x56: {  	_ =	shalt  }
0x57: {  	_ =	shalt  }
0x58: {  	_ =	shalt  }
0x59: {  	_ =	shalt  }
0x5a: {  	_ =	shalt  }
0x5b: {  	_ =	shalt  }
0x5c: {  	_ =	shalt  }
0x5d: {  	_ =	shalt  }
0x5e: {  	_ =	shalt  }
0x5f: {  	_ =	shalt  }
0x60: {  	_ =	shalt  }
0x61: {  	_ =	shalt  }
0x62: {  	_ =	shalt  }
0x63: {  	_ =	shalt  }
0x64: {  	_ =	shalt  }
0x65: {  	_ =	shalt  }
0x66: {  	_ =	shalt  }
0x67: {  	_ =	shalt  }
0x68: {  	_ =	shalt  }
0x69: {  	_ =	shalt  }
0x6a: {  	_ =	shalt  }
0x6b: {  	_ =	shalt  }
0x6c: {  	_ =	shalt  }
0x6d: {  	_ =	shalt  }
0x6e: {  	_ =	shalt  }
0x6f: {  	_ =	shalt  }
0x70: {  	_ =	shalt  }
0x71: {  	_ =	shalt  }
0x72: {  	_ =	shalt  }
0x73: {  	_ =	shalt  }
0x74: {  	_ =	shalt  }
0x75: {  	_ =	shalt  }
0x76: {  	_ =	shalt  }
0x77: {  	_ =	shalt  }
0x78: {  	_ =	shalt  }
0x79: {  	_ =	shalt  }
0x7a: {  	_ =	shalt  }
0x7b: {  	_ =	shalt  }
0x7c: {  	_ =	shalt  }
0x7d: {  	_ =	shalt  }
0x7e: {  	_ =	shalt  }
0x7f: {  	_ =	shalt  }
0x80: {  	_ =	shalt  }
0x81: {  	_ =	shalt  }
0x82: {  	_ =	shalt  }
0x83: {  	_ =	shalt  }
0x84: {  	_ =	shalt  }
0x85: {  	_ =	shalt  }
0x86: {  	_ =	shalt  }
0x87: {  	_ =	shalt  }
.Lfunc_end0:
.L_simem_size_0:
called_computation.2_lowered:
.L_overlay_start_0:
0x88: {  	s2 =	sld [smem:$0x3FD9]  }
0x89: {  	s3 =	sld [smem:$0x3FFE];
	_ =	sdelay $0x1  }
0x8a: {  	s1 =	srdreg.scid  }
0x8b: {  	s0 =	sand.u32 $0x1, s1  }
0x8c: {  	s16 =	sshll.u32 s0, $0xA;
	s2 =	sadd.s32 s3, s2  }
0x8d: {  	s2 =	sadd.s32 s2, s16  }
0x8e: {  	[smem:$0x3FBF] =	sst s2  }
0x8f: {  	_ = 	snop  }
0x90: {  	(tm) =	ssettm $0x1  }
0x91: {  	s17 =	sld [smem:$0x3FFB];
	_ =	sdelay $0x3  }
0x92: {  	_ =	strace s17  }
0x93: {  	s2 =	sld [smem:$0x3FFC];
	_ =	sdelay $0x3  }
0x94: {  	_ =	strace s2  }
0x95: {  	s2 =	sld [smem:$0x3FFD];
	_ =	sdelay $0x3  }
0x96: {  	_ =	strace s2  }
0x97: {  	_ =	strace $0x8FFFFFFF  }
0x98: {  	s18 =	sld [smem:$0x3FDB];
	_ =	sdelay $0x1  }
0x99: {  	s19 =	simm.s32 $_scs_section_size  }
0x9a: {  	s4 =	simm.s32 $_size__tile_overlayer_lowered;
	s5 =	simm.s32 $_tile_overlayer_lowered  }
0x9b: {  	s22 =	simm.s32 $0x1BFF;
	s21 =	sshll.u32 s5, $0x1;
	s2 =	sadd.s32 s19, s18  }
0x9c: {  	s6 =	simm.s32 $0x0;
	s20 =	sshll.u32 s4, $0x1;
	s4 =	sadd.s32 s21, s2  }
0x9d: {  	[timem:s6], [sflag:s22] =	dma.local [hbm:s4], s20  }
0x9e: {  	_ =	swait.ge [sflag:s22], s20  }
0x9f: {  	s3 =	ssub.s32 $0x0, s20;
	[sflag:s22] =	ssyncset.done $0x0  }
0xa0: {  	[sflag:s22] =	ssyncadd.s32 s3;
	_ =	sdelay $0x1  }
0xa1: {  	s23 =	simm.s32 $0x1B8B  }
0xa2: {  	_ =	swait.ge [sflag:s23], $0x1  }
0xa3: {  	[sflag:s23] =	ssyncset.done $0x0  }
0xa4: {  	s25 =	simm.s32 $0x1B8E;
	s24 =	sld [smem:$0x3FFE];
	[sflag:s23] =	ssyncadd.s32 $0xFFFFFFFF  }
0xa5: {  	s26 =	simm.s32 $execute0_lowered;
	[smem:$0x3FD2] =	sst s25  }
0xa6: {  	s4 =	sshll.u32 s26, $0x1;
	_ =	strace $0x8000004C;
	[dreg:$0x1] =	wrdreg $0xFFFFFFFF  }
0xa7: {  	s28 =	simm.s32 $_size_execute0_lowered;
	s2 =	sadd.s32 s2, s4;
	[dreg:$0x0] =	wrdreg $0x0  }
0xa8: {  	s4 =	sshll.u32 s28, $0x1;
	[dreg:$0x2] =	wrdreg s2  }
0xa9: {  	[dreg:$0x3] =	wrdreg s4  }
0xaa: {  	[dreg:$0x4] =	wrdreg $0xC0  }
0xab: {  	_ =	task [dreg:s6], $0x5FFFF  }
0xac: {  	[dreg:$0x1] =	wrdreg $0xFFFFFFFF  }
0xad: {  	[dreg:$0x0] =	wrdreg $0x60  }
0xae: {  	[dreg:$0x2] =	wrdreg s24  }
0xaf: {  	[dreg:$0x3] =	wrdreg $0xC0000  }
0xb0: {  	[dreg:$0x4] =	wrdreg $0x9  }
0xb1: {  	_ =	task.clear_ibuf [dreg:s6], $0x5FFFF;
	_ =	strace $0x9000004C  }
0xb2: {  	s29 =	simm.s32 $0x9;
	_ =	strace $0x8000004E  }
0xb3: {  	_ =	swait.ge [sflag:s29], $0x1  }
0xb4: {  	[sflag:s29] =	ssyncadd.s32 $0xFFFFFFFF  }
0xb5: {  	_ =	strace $0x9000004E  }
0xb6: {  	_ =	sfence  }
0xb7: {  	s30 =	sld [smem:$0x0];
	_ =	sdelay $0x2  }
0xb8: {  	s31 =	sshll.u32 s1, $0xD;
	s1 =	sshrl.u32 s1, $0x2  }
0xb9: {  	s3 =	sand.u32 $0x4000, s31;
	s1 =	sadd.s32 s1, s30  }
0xba: {  	s0 =	sor.u32 s3, s0;
	s1 =	sshll.u32 s1, $0x11  }
0xbb: {  	s0 =	sor.u32 s1, s0  }
0xbc: {  	s0 =	sadd.s32 $0x8F2B, s0  }
0xbd: {  	[sflag:s0] =	ssyncadd.remote.s32 $0x1  }
0xbe: {  	_ =	sfence.sel $0xFFFF  }
0xbf: {  	[dreg:$0x0] =	wrdreg $0xFFFFFFFF;
	(pc) =	sbr.abs _section_cstart, $3  }
0xc0: {  	[dreg:$0x1] =	wrdreg $0xFFFFFFFF  }
0xc1: {  	_ =	task.clear_ibuf [dreg:s6], $0x2FFFF;
	_ =	strace $0x9FFFFFFF  }
0xc2: {  	(tm) =	ssettm $0x7FFFFFFF  }
0xc3: {  	_ =	shalt  }
tec
execute0_lowered:
.L_overlay_start_1:
0x0: {  	(tag) =	ssettag $0x1  }
0x1: {  	s0 =	srdreg.scid  }
0x2: {  	s3 =	stileid.u32;
	s6 =	rddreg [dreg:$0x0]  }
0x3: {  	s2 =	rddreg [dreg:$0x1];
	s11 =	simm.s32 $0x9800;
	s12 =	simm.s32 $0x9  }
0x4: {  	s14 =	simm.s32 $0x80;
	s15 =	simm.s32 $0x5800;
	s16 =	simm.s32 $0x6000  }
0x5: {  	s18 =	simm.s32 $0x6800;
	s20 =	simm.s32 $0x7000;
	s22 =	simm.s32 $0x7800  }
0x6: {  	s24 =	simm.s32 $0x8000;
	s29 =	simm.s32 $0x9000;
	s30 =	simm.s32 $0x1  }
0x7: {  	s31 =	simm.s32 $0x2;
	s13 =	simm.s32 $0x5;
	s17 =	simm.s32 $0x6  }
0x8: {  	s19 =	simm.s32 $0x7;
	s21 =	simm.s32 $0x8;
	s23 =	simm.s32 $0x0  }
0x9: {  	s0 =	sand.u32 $0x1, s0;
	s1 =	sshll.u32 s3, $0x1;
	s7 =	smul.u32 $0x2800, s3  }
0xa: {  	s3 =	simm.s32 $0x0;
	s26 =	sadd.s32 $0xCC00, s6;
	s1 =	sor.u32 s0, s1  }
0xb: {  	s4 =	smul.u32 $0x28000, s0;
	[smem:$0x7FF] =	sst s3;
	s0 =	ssub.s32 $0x2, s0  }
0xc: {  	s1 =	smul.u32 $0x580, s1;
	_ =	strace $0x8000004D;
	[dreg:$0x3] =	wrdreg s26  }
0xd: {  	s28 =	sshrl.u32 s0, $0x1;
	s26 =	simm.s32 $0x8800;
	s5 =	sadd.s32 s7, s4  }
0xe: {  	s4 =	sadd.s32 $0x18800, s6;
	s0 =	ssub.s32 s0, s28;
	s1 =	sadd.s32 s1, s6  }
0xf: {  	s8 =	sshrl.u32 s5, $0x3;
	s10 =	smax.u32 s0, $0x1;
	s0 =	simm.s32 $0x4  }
0x10: {  	s9 =	sadd.s32 s8, s6;
	s6 =	sadd.s32 s7, s2;
	s7 =	sadd.s32 $0xD800, s1  }
0x11: {  	s8 =	sadd.s32 $0x1C00, s1;
	s1 =	simm.s32 $0x3;
	s9 =	sadd.s32 $0x1D800, s9  }
.LBB2_1:
0x12: {  	s5 =	rddreg [dreg:$0x3]  }
0x13: {  	[tilespmem:s11], [sflag:$0x9] =	stream.linear.gather [hbm4b:s5+s3], $0x2800, $0x38;
	[tilespmem:$0xE800] =	vst v63  }
0x14: {  	_ =	swait.ge [sflag:s12], $0x2800  }
0x15: {  	[sflag:s12] =	ssyncset.done $0x0  }
0x16: {  	[sflag:s12] =	ssyncadd.s32 $0xFFFFD800  }
0x17: {  	[spmem:s6] =	stream.linear.scatter [tilespmem:s11], [sflag:$0x9], $0x2800, $0x38;
	[tilespmem:$0xE800] =	vst v63  }
0x18: {  	_ =	swait.ge [sflag:s12], $0x2800  }
0x19: {  	[sflag:s12] =	ssyncset.done $0x0  }
0x1a: {  	[sflag:s12] =	ssyncadd.s32 $0xFFFFD800  }
0x1b: {  	[tilespmem:s3], [sflag:$0x9] =	stream.linear.gather [hbm4b:s7+s3], $0x2C00, $0x38;
	[tilespmem:$0xE800] =	vst v63  }
0x1c: {  	_ =	swait.ge [sflag:s12], $0x2C00  }
0x1d: {  	[sflag:s12] =	ssyncset.done $0x0  }
0x1e: {  	s25 =	simm.s32 $0x2C00;
	[sflag:s12] =	ssyncadd.s32 $0xFFFFD400  }
0x1f: {  	[tilespmem:s25], [sflag:$0x9] =	stream.linear.gather [hbm4b:s8+s3], $0x2C00, $0x38;
	[tilespmem:$0xE800] =	vst v63  }
0x20: {  	_ =	swait.ge [sflag:s12], $0x2C00  }
0x21: {  	[sflag:s12] =	ssyncset.done $0x0  }
0x22: {  	[sflag:s12] =	ssyncadd.s32 $0xFFFFD400  }
0x23: {  	[bflag:$0x0] =	sbarrier.arrive $0xFFFF  }
0x24: {  	[tilespmem:s15], [sflag:$0x1] =	stream.indirect.gather [hbm4b:s4+s14], $0x10, s3, s14, $0xb8;
	[tilespmem:$0xE800] =	vst v63  }
0x25: {  	_ = 	snop  }
0x26: {  	[tilespmem:s16], [sflag:$0x2] =	stream.indirect.gather [hbm4b:s4+s14], $0x10, s14, s14, $0xb8;
	[tilespmem:$0xE800] =	vst v63  }
0x27: {  	s25 =	simm.s32 $0x100  }
0x28: {  	[tilespmem:s18], [sflag:$0x3] =	stream.indirect.gather [hbm4b:s4+s14], $0x10, s25, s14, $0xb8;
	[tilespmem:$0xE800] =	vst v63  }
0x29: {  	s25 =	simm.s32 $0x180  }
0x2a: {  	[tilespmem:s20], [sflag:$0x4] =	stream.indirect.gather [hbm4b:s4+s14], $0x10, s25, s14, $0xb8;
	[tilespmem:$0xE800] =	vst v63  }
0x2b: {  	s25 =	simm.s32 $0x200  }
0x2c: {  	[tilespmem:s22], [sflag:$0x5] =	stream.indirect.gather [hbm4b:s4+s14], $0x10, s25, s14, $0xb8;
	[tilespmem:$0xE800] =	vst v63  }
0x2d: {  	s25 =	simm.s32 $0x280  }
0x2e: {  	[tilespmem:s24], [sflag:$0x6] =	stream.indirect.gather [hbm4b:s4+s14], $0x10, s25, s14, $0xb8;
	[tilespmem:$0xE800] =	vst v63  }
0x2f: {  	s25 =	simm.s32 $0x300  }
0x30: {  	[tilespmem:s26], [sflag:$0x7] =	stream.indirect.gather [hbm4b:s4+s14], $0x10, s25, s14, $0xb8;
	[tilespmem:$0xE800] =	vst v63  }
0x31: {  	s25 =	simm.s32 $0x380  }
0x32: {  	[tilespmem:s29], [sflag:$0x8] =	stream.indirect.gather [hbm4b:s4+s14], $0x10, s25, s14, $0xb8;
	[tilespmem:$0xE800] =	vst v63  }
0x33: {  	_ =	swait.ge [sflag:s30], $0x800  }
0x34: {  	[sflag:s30] =	ssyncset.done $0x0  }
0x35: {  	s25 =	simm.s32 $0x2C00;
	[sflag:s30] =	ssyncadd.s32 $0xFFFFF800  }
0x36: {  	[spmem:s2] =	stream.indirect.scatter.add.f32 [tilespmem:s15], [sflag:$0x9], $0x10, s25, s14, $0xb8;
	[tilespmem:$0xE800] =	vst v63  }
0x37: {  	_ =	swait.ge [sflag:s12], $0x800  }
0x38: {  	[sflag:s12] =	ssyncset.done $0x0  }
0x39: {  	s5 =	simm.s32 $0x400;
	[sflag:s12] =	ssyncadd.s32 $0xFFFFF800  }
0x3a: {  	[tilespmem:s15], [sflag:$0x1] =	stream.indirect.gather [hbm4b:s4+s14], $0x10, s5, s14, $0xb8;
	[tilespmem:$0xE800] =	vst v63  }
0x3b: {  	_ =	swait.ge [sflag:s31], $0x800  }
0x3c: {  	[sflag:s31] =	ssyncset.done $0x0  }
0x3d: {  	s5 =	simm.s32 $0x2C80;
	[sflag:s31] =	ssyncadd.s32 $0xFFFFF800  }
0x3e: {  	[spmem:s2] =	stream.indirect.scatter.add.f32 [tilespmem:s16], [sflag:$0x9], $0x10, s5, s14, $0xb8;
	[tilespmem:$0xE800] =	vst v63  }
0x3f: {  	_ =	swait.ge [sflag:s12], $0x800  }
0x40: {  	[sflag:s12] =	ssyncset.done $0x0  }
0x41: {  	s5 =	simm.s32 $0x480;
	[sflag:s12] =	ssyncadd.s32 $0xFFFFF800  }
0x42: {  	[tilespmem:s16], [sflag:$0x2] =	stream.indirect.gather [hbm4b:s4+s14], $0x10, s5, s14, $0xb8;
	[tilespmem:$0xE800] =	vst v63  }
0x43: {  	_ =	swait.ge [sflag:s1], $0x800  }
0x44: {  	[sflag:s1] =	ssyncset.done $0x0  }
0x45: {  	s5 =	simm.s32 $0x2D00;
	[sflag:s1] =	ssyncadd.s32 $0xFFFFF800  }
0x46: {  	[spmem:s2] =	stream.indirect.scatter.add.f32 [tilespmem:s18], [sflag:$0x9], $0x10, s5, s14, $0xb8;
	[tilespmem:$0xE800] =	vst v63  }
0x47: {  	_ =	swait.ge [sflag:s12], $0x800  }
0x48: {  	[sflag:s12] =	ssyncset.done $0x0  }
0x49: {  	s5 =	simm.s32 $0x500;
	[sflag:s12] =	ssyncadd.s32 $0xFFFFF800  }
0x4a: {  	[tilespmem:s18], [sflag:$0x3] =	stream.indirect.gather [hbm4b:s4+s14], $0x10, s5, s14, $0xb8;
	[tilespmem:$0xE800] =	vst v63  }
0x4b: {  	_ =	swait.ge [sflag:s0], $0x800  }
0x4c: {  	[sflag:s0] =	ssyncset.done $0x0  }
0x4d: {  	s5 =	simm.s32 $0x2D80;
	[sflag:s0] =	ssyncadd.s32 $0xFFFFF800  }
0x4e: {  	[spmem:s2] =	stream.indirect.scatter.add.f32 [tilespmem:s20], [sflag:$0x9], $0x10, s5, s14, $0xb8;
	[tilespmem:$0xE800] =	vst v63  }
0x4f: {  	_ =	swait.ge [sflag:s12], $0x800  }
0x50: {  	[sflag:s12] =	ssyncset.done $0x0  }
0x51: {  	s5 =	simm.s32 $0x580;
	[sflag:s12] =	ssyncadd.s32 $0xFFFFF800  }
0x52: {  	[tilespmem:s20], [sflag:$0x4] =	stream.indirect.gather [hbm4b:s4+s14], $0x10, s5, s14, $0xb8;
	[tilespmem:$0xE800] =	vst v63  }
0x53: {  	_ =	swait.ge [sflag:s13], $0x800  }
0x54: {  	[sflag:s13] =	ssyncset.done $0x0  }
0x55: {  	s5 =	simm.s32 $0x2E00;
	[sflag:s13] =	ssyncadd.s32 $0xFFFFF800  }
0x56: {  	[spmem:s2] =	stream.indirect.scatter.add.f32 [tilespmem:s22], [sflag:$0x9], $0x10, s5, s14, $0xb8;
	[tilespmem:$0xE800] =	vst v63  }
0x57: {  	_ =	swait.ge [sflag:s12], $0x800  }
0x58: {  	[sflag:s12] =	ssyncset.done $0x0  }
0x59: {  	s5 =	simm.s32 $0x600;
	[sflag:s12] =	ssyncadd.s32 $0xFFFFF800  }
0x5a: {  	[tilespmem:s22], [sflag:$0x5] =	stream.indirect.gather [hbm4b:s4+s14], $0x10, s5, s14, $0xb8;
	[tilespmem:$0xE800] =	vst v63  }
0x5b: {  	_ =	swait.ge [sflag:s17], $0x800  }
0x5c: {  	[sflag:s17] =	ssyncset.done $0x0  }
0x5d: {  	s5 =	simm.s32 $0x2E80;
	[sflag:s17] =	ssyncadd.s32 $0xFFFFF800  }
0x5e: {  	[spmem:s2] =	stream.indirect.scatter.add.f32 [tilespmem:s24], [sflag:$0x9], $0x10, s5, s14, $0xb8;
	[tilespmem:$0xE800] =	vst v63  }
0x5f: {  	_ =	swait.ge [sflag:s12], $0x800  }
0x60: {  	[sflag:s12] =	ssyncset.done $0x0  }
0x61: {  	s5 =	simm.s32 $0x680;
	[sflag:s12] =	ssyncadd.s32 $0xFFFFF800  }
0x62: {  	[tilespmem:s24], [sflag:$0x6] =	stream.indirect.gather [hbm4b:s4+s14], $0x10, s5, s14, $0xb8;
	[tilespmem:$0xE800] =	vst v63  }
0x63: {  	_ =	swait.ge [sflag:s19], $0x800  }
0x64: {  	[sflag:s19] =	ssyncset.done $0x0  }
0x65: {  	s5 =	simm.s32 $0x2F00;
	[sflag:s19] =	ssyncadd.s32 $0xFFFFF800  }
0x66: {  	[spmem:s2] =	stream.indirect.scatter.add.f32 [tilespmem:s26], [sflag:$0x9], $0x10, s5, s14, $0xb8;
	[tilespmem:$0xE800] =	vst v63  }
0x67: {  	_ =	swait.ge [sflag:s12], $0x800  }
0x68: {  	[sflag:s12] =	ssyncset.done $0x0  }
0x69: {  	s5 =	simm.s32 $0x700;
	[sflag:s12] =	ssyncadd.s32 $0xFFFFF800  }
0x6a: {  	[tilespmem:s26], [sflag:$0x7] =	stream.indirect.gather [hbm4b:s4+s14], $0x10, s5, s14, $0xb8;
	[tilespmem:$0xE800] =	vst v63  }
0x6b: {  	_ =	swait.ge [sflag:s21], $0x800  }
0x6c: {  	[sflag:s21] =	ssyncset.done $0x0  }
0x6d: {  	s5 =	simm.s32 $0x2F80;
	[sflag:s21] =	ssyncadd.s32 $0xFFFFF800  }
0x6e: {  	[spmem:s2] =	stream.indirect.scatter.add.f32 [tilespmem:s29], [sflag:$0x9], $0x10, s5, s14, $0xb8;
	[tilespmem:$0xE800] =	vst v63  }
0x6f: {  	_ =	swait.ge [sflag:s12], $0x800  }
0x70: {  	[sflag:s12] =	ssyncset.done $0x0  }
0x71: {  	s28 =	simm.s32 $0x780;
	s25 =	simm.s32 $0x1000;
	[sflag:s12] =	ssyncadd.s32 $0xFFFFF800  }
.LBB2_2:
0x72: {  	[tilespmem:s29], [sflag:$0x8] =	stream.indirect.gather [hbm4b:s4+s14], $0x10, s28, s14, $0xb8;
	[tilespmem:$0xE800] =	vst v63  }
0x73: {  	s28 =	smov.u32 s25  }
0x74: {  	p0 =	sne.s32 s25, $0x9000;
	s25 =	sadd.s32 $0x1000, s25;
	_ =	swait.ge [sflag:s30], $0x800  }
0x75: {  	s28 =	sshra.s32 s28, $0x2;
	[sflag:s30] =	ssyncset.done $0x0  }
0x76: {  	s5 =	sadd.s32 $0x2C00, s28;
	[sflag:s30] =	ssyncadd.s32 $0xFFFFF800  }
0x77: {  	[spmem:s2] =	stream.indirect.scatter.add.f32 [tilespmem:s15], [sflag:$0x9], $0x10, s5, s14, $0xb8;
	[tilespmem:$0xE800] =	vst v63  }
0x78: {  	_ =	swait.ge [sflag:s12], $0x800  }
0x79: {  	[sflag:s12] =	ssyncset.done $0x0  }
0x7a: {  	s5 =	sadd.s32 $0x400, s28;
	[sflag:s12] =	ssyncadd.s32 $0xFFFFF800  }
0x7b: {  	[tilespmem:s15], [sflag:$0x1] =	stream.indirect.gather [hbm4b:s4+s14], $0x10, s5, s14, $0xb8;
	[tilespmem:$0xE800] =	vst v63  }
0x7c: {  	_ =	swait.ge [sflag:s31], $0x800  }
0x7d: {  	[sflag:s31] =	ssyncset.done $0x0  }
0x7e: {  	s5 =	sadd.s32 $0x2C80, s28;
	[sflag:s31] =	ssyncadd.s32 $0xFFFFF800  }
0x7f: {  	[spmem:s2] =	stream.indirect.scatter.add.f32 [tilespmem:s16], [sflag:$0x9], $0x10, s5, s14, $0xb8;
	[tilespmem:$0xE800] =	vst v63  }
0x80: {  	_ =	swait.ge [sflag:s12], $0x800  }
0x81: {  	[sflag:s12] =	ssyncset.done $0x0  }
0x82: {  	s5 =	sadd.s32 $0x480, s28;
	[sflag:s12] =	ssyncadd.s32 $0xFFFFF800  }
0x83: {  	[tilespmem:s16], [sflag:$0x2] =	stream.indirect.gather [hbm4b:s4+s14], $0x10, s5, s14, $0xb8;
	[tilespmem:$0xE800] =	vst v63  }
0x84: {  	_ =	swait.ge [sflag:s1], $0x800  }
0x85: {  	[sflag:s1] =	ssyncset.done $0x0  }
0x86: {  	s5 =	sadd.s32 $0x2D00, s28;
	[sflag:s1] =	ssyncadd.s32 $0xFFFFF800  }
0x87: {  	[spmem:s2] =	stream.indirect.scatter.add.f32 [tilespmem:s18], [sflag:$0x9], $0x10, s5, s14, $0xb8;
	[tilespmem:$0xE800] =	vst v63  }
0x88: {  	_ =	swait.ge [sflag:s12], $0x800  }
0x89: {  	[sflag:s12] =	ssyncset.done $0x0  }
0x8a: {  	s5 =	sadd.s32 $0x500, s28;
	[sflag:s12] =	ssyncadd.s32 $0xFFFFF800  }
0x8b: {  	[tilespmem:s18], [sflag:$0x3] =	stream.indirect.gather [hbm4b:s4+s14], $0x10, s5, s14, $0xb8;
	[tilespmem:$0xE800] =	vst v63  }
0x8c: {  	_ =	swait.ge [sflag:s0], $0x800  }
0x8d: {  	[sflag:s0] =	ssyncset.done $0x0  }
0x8e: {  	s5 =	sadd.s32 $0x2D80, s28;
	[sflag:s0] =	ssyncadd.s32 $0xFFFFF800  }
0x8f: {  	[spmem:s2] =	stream.indirect.scatter.add.f32 [tilespmem:s20], [sflag:$0x9], $0x10, s5, s14, $0xb8;
	[tilespmem:$0xE800] =	vst v63  }
0x90: {  	_ =	swait.ge [sflag:s12], $0x800  }
0x91: {  	[sflag:s12] =	ssyncset.done $0x0  }
0x92: {  	s5 =	sadd.s32 $0x580, s28;
	[sflag:s12] =	ssyncadd.s32 $0xFFFFF800  }
0x93: {  	[tilespmem:s20], [sflag:$0x4] =	stream.indirect.gather [hbm4b:s4+s14], $0x10, s5, s14, $0xb8;
	[tilespmem:$0xE800] =	vst v63  }
0x94: {  	_ =	swait.ge [sflag:s13], $0x800  }
0x95: {  	[sflag:s13] =	ssyncset.done $0x0  }
0x96: {  	s5 =	sadd.s32 $0x2E00, s28;
	[sflag:s13] =	ssyncadd.s32 $0xFFFFF800  }
0x97: {  	[spmem:s2] =	stream.indirect.scatter.add.f32 [tilespmem:s22], [sflag:$0x9], $0x10, s5, s14, $0xb8;
	[tilespmem:$0xE800] =	vst v63  }
0x98: {  	_ =	swait.ge [sflag:s12], $0x800  }
0x99: {  	[sflag:s12] =	ssyncset.done $0x0  }
0x9a: {  	s5 =	sadd.s32 $0x600, s28;
	[sflag:s12] =	ssyncadd.s32 $0xFFFFF800  }
0x9b: {  	[tilespmem:s22], [sflag:$0x5] =	stream.indirect.gather [hbm4b:s4+s14], $0x10, s5, s14, $0xb8;
	[tilespmem:$0xE800] =	vst v63  }
0x9c: {  	_ =	swait.ge [sflag:s17], $0x800  }
0x9d: {  	[sflag:s17] =	ssyncset.done $0x0  }
0x9e: {  	s5 =	sadd.s32 $0x2E80, s28;
	[sflag:s17] =	ssyncadd.s32 $0xFFFFF800  }
0x9f: {  	[spmem:s2] =	stream.indirect.scatter.add.f32 [tilespmem:s24], [sflag:$0x9], $0x10, s5, s14, $0xb8;
	[tilespmem:$0xE800] =	vst v63  }
0xa0: {  	_ =	swait.ge [sflag:s12], $0x800  }
0xa1: {  	[sflag:s12] =	ssyncset.done $0x0  }
0xa2: {  	s5 =	sadd.s32 $0x680, s28;
	[sflag:s12] =	ssyncadd.s32 $0xFFFFF800  }
0xa3: {  	[tilespmem:s24], [sflag:$0x6] =	stream.indirect.gather [hbm4b:s4+s14], $0x10, s5, s14, $0xb8;
	[tilespmem:$0xE800] =	vst v63  }
0xa4: {  	_ =	swait.ge [sflag:s19], $0x800  }
0xa5: {  	[sflag:s19] =	ssyncset.done $0x0  }
0xa6: {  	s5 =	sadd.s32 $0x2F00, s28;
	[sflag:s19] =	ssyncadd.s32 $0xFFFFF800  }
0xa7: {  	[spmem:s2] =	stream.indirect.scatter.add.f32 [tilespmem:s26], [sflag:$0x9], $0x10, s5, s14, $0xb8;
	[tilespmem:$0xE800] =	vst v63  }
0xa8: {  	_ =	swait.ge [sflag:s12], $0x800  }
0xa9: {  	[sflag:s12] =	ssyncset.done $0x0  }
0xaa: {  	s5 =	sadd.s32 $0x700, s28;
	[sflag:s12] =	ssyncadd.s32 $0xFFFFF800  }
0xab: {  	[tilespmem:s26], [sflag:$0x7] =	stream.indirect.gather [hbm4b:s4+s14], $0x10, s5, s14, $0xb8;
	[tilespmem:$0xE800] =	vst v63  }
0xac: {  	_ =	swait.ge [sflag:s21], $0x800  }
0xad: {  	[sflag:s21] =	ssyncset.done $0x0  }
.Ltmp0:
0xae: {  	s5 =	sadd.s32 $0x2F80, s28;
	[sflag:s21] =	ssyncadd.s32 $0xFFFFF800;
	(pc) =	sbr.rel @p0 .LBB2_2-.Ltmp0, $4  }
0xaf: {  	[spmem:s2] =	stream.indirect.scatter.add.f32 [tilespmem:s29], [sflag:$0x9], $0x10, s5, s14, $0xb8;
	[tilespmem:$0xE800] =	vst v63  }
0xb0: {  	_ =	swait.ge [sflag:s12], $0x800  }
0xb1: {  	[sflag:s12] =	ssyncset.done $0x0  }
0xb2: {  	s28 =	sadd.s32 $0x780, s28;
	[sflag:s12] =	ssyncadd.s32 $0xFFFFF800  }
0xb3: {  	[tilespmem:s29], [sflag:$0x8] =	stream.indirect.gather [hbm4b:s4+s14], $0x10, s28, s14, $0xb8;
	[tilespmem:$0xE800] =	vst v63  }
0xb4: {  	_ =	swait.ge [sflag:s30], $0x800  }
0xb5: {  	[sflag:s30] =	ssyncset.done $0x0  }
0xb6: {  	[sflag:s30] =	ssyncadd.s32 $0xFFFFF800  }
0xb7: {  	_ =	swait.ge [sflag:s31], $0x800  }
0xb8: {  	[sflag:s31] =	ssyncset.done $0x0  }
0xb9: {  	[sflag:s31] =	ssyncadd.s32 $0xFFFFF800  }
0xba: {  	_ =	swait.ge [sflag:s1], $0x800  }
0xbb: {  	[sflag:s1] =	ssyncset.done $0x0  }
0xbc: {  	[sflag:s1] =	ssyncadd.s32 $0xFFFFF800  }
0xbd: {  	_ =	swait.ge [sflag:s0], $0x800  }
0xbe: {  	[sflag:s0] =	ssyncset.done $0x0  }
0xbf: {  	[sflag:s0] =	ssyncadd.s32 $0xFFFFF800  }
0xc0: {  	_ =	swait.ge [sflag:s13], $0x800  }
0xc1: {  	[sflag:s13] =	ssyncset.done $0x0  }
0xc2: {  	[sflag:s13] =	ssyncadd.s32 $0xFFFFF800  }
0xc3: {  	_ =	swait.ge [sflag:s17], $0x800  }
0xc4: {  	[sflag:s17] =	ssyncset.done $0x0  }
0xc5: {  	[sflag:s17] =	ssyncadd.s32 $0xFFFFF800  }
0xc6: {  	_ =	swait.ge [sflag:s19], $0x800  }
0xc7: {  	[sflag:s19] =	ssyncset.done $0x0  }
0xc8: {  	[sflag:s19] =	ssyncadd.s32 $0xFFFFF800  }
0xc9: {  	_ =	swait.ge [sflag:s21], $0x800  }
0xca: {  	[sflag:s21] =	ssyncset.done $0x0  }
0xcb: {  	[sflag:s21] =	ssyncadd.s32 $0xFFFFF800  }
0xcc: {  	[bflag:$0x0] =	sbarrier.arrive $0xFFFF  }
0xcd: {  	[tilespmem:s11], [sflag:$0x9] =	stream.linear.gather [spmem:s6], $0x2800, $0x38;
	[tilespmem:$0xE800] =	vst v63  }
0xce: {  	s23 =	sadd.s32 $0x1, s23;
	_ =	swait.ge [sflag:s12], $0x2800  }
0xcf: {  	p0 =	sne.s32 s23, s10;
	[sflag:s12] =	ssyncset.done $0x0  }
.Ltmp1:
0xd0: {  	[sflag:s12] =	ssyncadd.s32 $0xFFFFD800;
	(pc) =	sbr.rel @p0 .LBB2_1-.Ltmp1, $4  }
0xd1: {  	[hbm4b:s9+s3] =	stream.linear.scatter [tilespmem:s11], [sflag:$0x9], $0x2800, $0x38;
	[tilespmem:$0xE800] =	vst v63  }
0xd2: {  	_ =	swait.ge [sflag:s12], $0x2800  }
0xd3: {  	[sflag:s12] =	ssyncset.done $0x0  }
0xd4: {  	[sflag:s12] =	ssyncadd.s32 $0xFFFFD800  }
0xd5: {  	_ =	sfence.sel $0x180000  }
0xd6: {  	[bflag:$0x0] =	sbarrier.arrive $0xFFFF  }
0xd7: {  	_ =	strace $0x9000004D  }
0xd8: {  	s0 =	stileid.u32;
	[bflag:$0x2] =	sbarrier.arrive $0xFFFF  }
0xd9: {  	p0 =	sne.s32 s0, $0x0;
	s0 =	rddreg [dreg:$0x2]  }
0xda: {  	s0 =	sadd.s32 @!p0 $0x100000, s0  }
0xdb: {  	[sflag:s0] =	ssyncadd.tile.s32 @!p0 $0x1;
	_ =	shalt  }
.Lfunc_end2:
_tile_overlayer_lowered:
.L_overlay_start_2:
0xdc: {  	(tag) =	ssettag $0x2  }
0xdd: {  	s0 =	rddreg [dreg:$0x0];
	s2 =	stileid.u32  }
0xde: {  	s1 =	rddreg [dreg:$0x1];
	p0 =	sne.s32 s2, $0x0  }
0xdf: {  	s3 =	rddreg [dreg:$0x2];
	[bflag:$0x3] =	sbarrier.arrive $0xFFFF;
	s2 =	simm.s32 @!p0 $0x1C09  }
0xe0: {  	[timem:s3], [sflag:s2] =	dma.local @!p0 [hbm:s0], s1  }
0xe1: {  	s0 =	simm.s32 @!p0 $0x9  }
0xe2: {  	_ =	swait.ge @!p0 [sflag:s0], s1  }
0xe3: {  	s1 =	ssub.s32 @!p0 $0x0, s1;
	[sflag:s0] =	ssyncset.done @!p0 $0x0  }
0xe4: {  	[sflag:s0] =	ssyncadd.s32 @!p0 s1  }
0xe5: {  	[bflag:$0x3] =	sbarrier.arrive $0xFFFF  }
0xe6: {  	_ =	shalt  }

// kernel: kernel.8.cloned.1.call-start
scs
__scs_entry_jumppad:
0x0: {  	(pc) =	sbr.rel $0x88, $3  }
0x1: {  	(tag) =	ssettag $0x0;
	lr =	simm.s32 $0x1  }
0x2: {  	[smem:$0x3F98] =	sst lr;
	_ =	strace $0xD0000000  }
0x3: {  	_ = 	snop  }
0x4: {  	_ = 	snop  }
0x5: {  	_ = 	snop  }
0x6: {  	_ = 	snop  }
0x7: {  	_ = 	snop  }
__scs_overlays_trampoline_lowered:
0x8: {  	[smem:$0x3FA7] =	sst s0  }
0x9: {  	[smem:$0x3FA8] =	sst s1  }
0xa: {  	[smem:$0x3FA9] =	sst s2  }
0xb: {  	[smem:$0x3FAA] =	sst s3  }
0xc: {  	[smem:$0x3FAB] =	sst s4  }
0xd: {  	[smem:$0x3FAC] =	sst s5  }
0xe: {  	[smem:$0x3FAD] =	sst s6  }
0xf: {  	[smem:$0x3FAE] =	sst s7  }
0x10: {  	[smem:$0x3FAF] =	sst s8  }
0x11: {  	[smem:$0x3FB0] =	sst s9;
	s0 =	simm.s32 @!p0 $0x0  }
0x12: {  	s1 =	sld [smem:$0x3F96];
	s0 =	simm.s32 @p0 $0x1  }
0x13: {  	[smem:$0x3FB1] =	sst s0;
	s0 =	simm.s32 @!p1 $0x0  }
0x14: {  	s2 =	sld [smem:$0x3F95];
	s0 =	simm.s32 @p1 $0x1  }
0x15: {  	[smem:$0x3FB2] =	sst s0;
	s0 =	simm.s32 @!p2 $0x0  }
0x16: {  	s3 =	sld [smem:$0x3FDB];
	s0 =	simm.s32 @p2 $0x1  }
0x17: {  	s4 =	simm.s32 $0x1BF5;
	[smem:$0x3FB4] =	sst s0  }
0x18: {  	s0 =	sld [smem:$0x3F97];
	_ =	swait.ge [sflag:s4], $0x0  }
0x19: {  	s7 =	sld [smem:$0x3F98]  }
0x1a: {  	s8 =	sadd.s32 $0xFFFFE003, lr  }
0x1b: {  	s9 =	sadd.s32 $0xFFFFFEF7, lr;
	s5 =	simm.s32 $0xFFFFFFFF;
	p2 =	slt.u32 s8, $0xFFFFF086  }
0x1c: {  	p1 =	slt.u32 s9, $0xF7A;
	s5 =	simm.s32 @!p2 $0x0  }
0x1d: {  	s5 =	simm.s32 @p1 $0x1;
	p0 =	seq.s32 s7, s2  }
0x1e: {  	s7 =	smul.u32 @!p0 $0xF7A, s2;
	p2 =	seq.s32 @!p0 s5, $0x0  }
0x1f: {  	s9 =	smul.u32 $0xF7A, s1;
	s8 =	simm.s32 @!p0 $0x1BF5;
	p2 =	por !p2, p0  }
0x20: {  	[sflag:s8] =	ssyncset.s32 @!p0 $0xFFFFF086;
	s6 =	sadd.s32 @!p0 s3, s7;
	s7 =	simm.s32 @!p0 $0x108  }
0x21: {  	s3 =	sadd.s32 s3, s9;
	s6 =	sadd.s32 @!p0 $0x88, s6;
	s7 =	simm.s32 @p2 $0x1082  }
0x22: {  	[simem:s7], [sflag:s8] =	dma.local @!p0 [hbm:s6], $0xF7A  }
0x23: {  	s9 =	sor.u32 $0xD0000000, s2;
	s6 =	simm.s32 $0x108;
	_ =	swait.ge @!p0 [sflag:s8], $0x0  }
0x24: {  	s3 =	sadd.s32 $0x88, s3;
	s6 =	simm.s32 @!p1 $0x1082;
	[sflag:s4] =	ssyncset.s32 $0xFFFFF086  }
0x25: {  	[simem:s6], [sflag:s4] =	dma.local [hbm:s3], $0xF7A  }
0x26: {  	[smem:$0x3F98] =	sst s1;
	(tag) =	ssettag s2;
	_ =	strace s9  }
0x27: {  	s1 =	sld [smem:$0x3FA8]  }
0x28: {  	s2 =	sld [smem:$0x3FA9]  }
0x29: {  	s4 =	sld [smem:$0x3FAB]  }
0x2a: {  	p0 =	seq.s32 s5, $0x0;
	s5 =	sld [smem:$0x3FAC]  }
0x2b: {  	s6 =	sld [smem:$0x3FAD]  }
0x2c: {  	s7 =	sld [smem:$0x3FAE]  }
0x2d: {  	s3 =	simm.s32 $0x108;
	s8 =	sld [smem:$0x3FAF]  }
0x2e: {  	s3 =	simm.s32 @!p0 $0x1082;
	s9 =	sld [smem:$0x3FB0]  }
0x2f: {  	lr =	sadd.s32 s0, s3;
	s0 =	sld [smem:$0x3FA7]  }
0x30: {  	s3 =	sld [smem:$0x3FAA]  }
0x31: {  	[smem:$0x3FB3] =	sst s10  }
0x32: {  	s10 =	sld [smem:$0x3FB1];
	_ =	sdelay $0x3  }
0x33: {  	p0 =	seq.s32 s10, $0x1;
	s10 =	sld [smem:$0x3FB3];
	_ =	sdelay $0x3  }
0x34: {  	[smem:$0x3FB3] =	sst s10  }
0x35: {  	s10 =	sld [smem:$0x3FB2];
	_ =	sdelay $0x3  }
0x36: {  	p1 =	seq.s32 s10, $0x1;
	s10 =	sld [smem:$0x3FB3];
	_ =	sdelay $0x3  }
0x37: {  	[smem:$0x3FB3] =	sst s10  }
0x38: {  	s10 =	sld [smem:$0x3FB4]  }
0x39: {  	_ = 	snop;
	(pc) =	sbr.ind lr, $3  }
0x3a: {  	_ = 	snop  }
0x3b: {  	_ = 	snop  }
0x3c: {  	p2 =	seq.s32 s10, $0x1;
	s10 =	sld [smem:$0x3FB3]  }
0x3d: {  	_ =	shalt  }
0x3e: {  	_ =	shalt  }
0x3f: {  	_ =	shalt  }
0x40: {  	_ =	shalt  }
0x41: {  	_ =	shalt  }
0x42: {  	_ =	shalt  }
0x43: {  	_ =	shalt  }
0x44: {  	_ =	shalt  }
0x45: {  	_ =	shalt  }
0x46: {  	_ =	shalt  }
0x47: {  	_ =	shalt  }
0x48: {  	_ =	shalt  }
0x49: {  	_ =	shalt  }
0x4a: {  	_ =	shalt  }
0x4b: {  	_ =	shalt  }
0x4c: {  	_ =	shalt  }
0x4d: {  	_ =	shalt  }
0x4e: {  	_ =	shalt  }
0x4f: {  	_ =	shalt  }
0x50: {  	_ =	shalt  }
0x51: {  	_ =	shalt  }
0x52: {  	_ =	shalt  }
0x53: {  	_ =	shalt  }
0x54: {  	_ =	shalt  }
0x55: {  	_ =	shalt  }
0x56: {  	_ =	shalt  }
0x57: {  	_ =	shalt  }
0x58: {  	_ =	shalt  }
0x59: {  	_ =	shalt  }
0x5a: {  	_ =	shalt  }
0x5b: {  	_ =	shalt  }
0x5c: {  	_ =	shalt  }
0x5d: {  	_ =	shalt  }
0x5e: {  	_ =	shalt  }
0x5f: {  	_ =	shalt  }
0x60: {  	_ =	shalt  }
0x61: {  	_ =	shalt  }
0x62: {  	_ =	shalt  }
0x63: {  	_ =	shalt  }
0x64: {  	_ =	shalt  }
0x65: {  	_ =	shalt  }
0x66: {  	_ =	shalt  }
0x67: {  	_ =	shalt  }
0x68: {  	_ =	shalt  }
0x69: {  	_ =	shalt  }
0x6a: {  	_ =	shalt  }
0x6b: {  	_ =	shalt  }
0x6c: {  	_ =	shalt  }
0x6d: {  	_ =	shalt  }
0x6e: {  	_ =	shalt  }
0x6f: {  	_ =	shalt  }
0x70: {  	_ =	shalt  }
0x71: {  	_ =	shalt  }
0x72: {  	_ =	shalt  }
0x73: {  	_ =	shalt  }
0x74: {  	_ =	shalt  }
0x75: {  	_ =	shalt  }
0x76: {  	_ =	shalt  }
0x77: {  	_ =	shalt  }
0x78: {  	_ =	shalt  }
0x79: {  	_ =	shalt  }
0x7a: {  	_ =	shalt  }
0x7b: {  	_ =	shalt  }
0x7c: {  	_ =	shalt  }
0x7d: {  	_ =	shalt  }
0x7e: {  	_ =	shalt  }
0x7f: {  	_ =	shalt  }
0x80: {  	_ =	shalt  }
0x81: {  	_ =	shalt  }
0x82: {  	_ =	shalt  }
0x83: {  	_ =	shalt  }
0x84: {  	_ =	shalt  }
0x85: {  	_ =	shalt  }
0x86: {  	_ =	shalt  }
0x87: {  	_ =	shalt  }
.Lfunc_end0:
.L_simem_size_0:
called_computation_lowered:
.L_overlay_start_0:
0x88: {  	s2 =	sld [smem:$0x3FD9]  }
0x89: {  	s3 =	sld [smem:$0x3FFE];
	_ =	sdelay $0x1  }
0x8a: {  	s1 =	srdreg.scid  }
0x8b: {  	s0 =	sand.u32 $0x1, s1  }
0x8c: {  	s17 =	sshll.u32 s0, $0xA;
	s2 =	sadd.s32 s3, s2  }
0x8d: {  	s2 =	sadd.s32 s2, s17  }
0x8e: {  	[smem:$0x3FBF] =	sst s2  }
0x8f: {  	_ = 	snop  }
0x90: {  	s2 =	sld [smem:$0x3FD0];
	(tm) =	ssettm $0x1  }
0x91: {  	s18 =	sld [smem:$0x3FFB];
	_ =	sdelay $0x3  }
0x92: {  	_ =	strace s18  }
0x93: {  	s3 =	sld [smem:$0x3FFC];
	_ =	sdelay $0x3  }
0x94: {  	_ =	strace s3  }
0x95: {  	s3 =	sld [smem:$0x3FFD];
	_ =	sdelay $0x3  }
0x96: {  	_ =	strace s3  }
0x97: {  	_ =	strace $0x8FFFFFFF  }
0x98: {  	s19 =	sld [smem:$0x3FDB];
	_ =	sdelay $0x1  }
0x99: {  	s4 =	simm.s32 $_scs_section_size  }
0x9a: {  	s5 =	simm.s32 $_size__tile_overlayer_lowered;
	s6 =	simm.s32 $_tile_overlayer_lowered  }
0x9b: {  	s22 =	simm.s32 $0x1BFF;
	s21 =	sshll.u32 s6, $0x1;
	s3 =	sadd.s32 s4, s19  }
0x9c: {  	s7 =	simm.s32 $0x0;
	s20 =	sshll.u32 s5, $0x1;
	s5 =	sadd.s32 s21, s3  }
0x9d: {  	[timem:s7], [sflag:s22] =	dma.local [hbm:s5], s20  }
0x9e: {  	_ =	swait.ge [sflag:s22], s20  }
0x9f: {  	s4 =	ssub.s32 $0x0, s20;
	[sflag:s22] =	ssyncset.done $0x0  }
0xa0: {  	[sflag:s22] =	ssyncadd.s32 s4;
	_ =	sdelay $0x1  }
0xa1: {  	s23 =	simm.s32 $0x1B8B  }
0xa2: {  	_ =	swait.ge [sflag:s23], $0x1  }
0xa3: {  	[sflag:s23] =	ssyncset.done $0x0  }
0xa4: {  	s25 =	simm.s32 $0x1B8E;
	s24 =	sld [smem:$0x3FFE];
	[sflag:s23] =	ssyncadd.s32 $0xFFFFFFFF  }
0xa5: {  	s26 =	simm.s32 $execute0_lowered;
	[smem:$0x3FD2] =	sst s25  }
0xa6: {  	s5 =	sshll.u32 s26, $0x1;
	_ =	strace $0x80000046;
	[dreg:$0x1] =	wrdreg $0xFFFFFFFF  }
0xa7: {  	s28 =	simm.s32 $_size_execute0_lowered;
	s3 =	sadd.s32 s3, s5;
	[dreg:$0x0] =	wrdreg $0x0  }
0xa8: {  	s5 =	sshll.u32 s28, $0x1;
	[dreg:$0x2] =	wrdreg s3  }
0xa9: {  	[dreg:$0x3] =	wrdreg s5  }
0xaa: {  	[dreg:$0x4] =	wrdreg $0xC0  }
0xab: {  	_ =	task [dreg:s7], $0x5FFFF  }
0xac: {  	[dreg:$0x1] =	wrdreg $0xFFFFFFFF  }
0xad: {  	[dreg:$0x0] =	wrdreg $0x60  }
0xae: {  	[dreg:$0x2] =	wrdreg s24  }
0xaf: {  	[dreg:$0x3] =	wrdreg s2  }
0xb0: {  	[dreg:$0x4] =	wrdreg $0x2F000  }
0xb1: {  	[dreg:$0x5] =	wrdreg $0x9  }
0xb2: {  	_ =	task.clear_ibuf [dreg:s7], $0x6FFFF;
	_ =	strace $0x90000046  }
0xb3: {  	s29 =	simm.s32 $0x9;
	_ =	strace $0x80000048  }
0xb4: {  	_ =	swait.ge [sflag:s29], $0x1  }
0xb5: {  	[sflag:s29] =	ssyncadd.s32 $0xFFFFFFFF  }
0xb6: {  	_ =	strace $0x90000048  }
0xb7: {  	_ =	sfence  }
0xb8: {  	s30 =	sld [smem:$0x0];
	_ =	sdelay $0x2  }
0xb9: {  	s31 =	sshll.u32 s1, $0xD;
	s1 =	sshrl.u32 s1, $0x2  }
0xba: {  	s3 =	sand.u32 $0x4000, s31;
	s1 =	sadd.s32 s1, s30  }
0xbb: {  	s0 =	sor.u32 s3, s0;
	s1 =	sshll.u32 s1, $0x11  }
0xbc: {  	s0 =	sor.u32 s1, s0  }
0xbd: {  	s0 =	sadd.s32 $0x8F2B, s0  }
0xbe: {  	[sflag:s0] =	ssyncadd.remote.s32 $0x1  }
0xbf: {  	_ =	sfence.sel $0xFFFF  }
0xc0: {  	[dreg:$0x0] =	wrdreg $0xFFFFFFFF;
	(pc) =	sbr.abs _section_cstart, $3  }
0xc1: {  	[dreg:$0x1] =	wrdreg $0xFFFFFFFF  }
0xc2: {  	_ =	task.clear_ibuf [dreg:s7], $0x2FFFF;
	_ =	strace $0x9FFFFFFF  }
0xc3: {  	(tm) =	ssettm $0x7FFFFFFF  }
tec
execute0_lowered:
.L_overlay_start_1:
0x0: {  	(tag) =	ssettag $0x1  }
0x1: {  	s6 =	rddreg [dreg:$0x0]  }
0x2: {  	s2 =	rddreg [dreg:$0x1];
	s1 =	srdreg.scid  }
0x3: {  	s0 =	stileid.u32;
	s3 =	rddreg [dreg:$0x2]  }
0x4: {  	s4 =	simm.s32 $0x0;
	s12 =	simm.s32 $0x2C00;
	s13 =	simm.s32 $0x80  }
0x5: {  	s14 =	simm.s32 $0x100;
	s15 =	simm.s32 $0x0;
	s7 =	sand.u32 $0x1, s1  }
0x6: {  	s5 =	sshll.u32 s0, $0x1;
	s1 =	rddreg [dreg:$0x3];
	s8 =	smul.u32 $0x500, s0  }
0x7: {  	[smem:$0x7FF] =	sst s4;
	s11 =	smul.u32 $0xA00, s0;
	s5 =	sor.u32 s7, s5  }
0x8: {  	_ =	strace $0x80000047;
	s10 =	sshll.u32 s7, $0x7;
	s7 =	ssub.s32 $0x2, s7  }
0x9: {  	s5 =	smul.u32 $0x580, s5;
	s8 =	sor.u32 s10, s8;
	s31 =	sshrl.u32 s7, $0x1  }
0xa: {  	s11 =	sshrl.u32 s11, $0x2;
	s8 =	sshrl.u32 s8, $0x3;
	s10 =	ssub.s32 s7, s31  }
0xb: {  	s9 =	sadd.s32 s5, s6;
	s5 =	sadd.s32 $0xCC00, s6;
	s8 =	sadd.s32 s8, s6  }
0xc: {  	s6 =	sadd.s32 s11, s3;
	s11 =	simm.s32 $0x1;
	s7 =	sadd.s32 $0x1C00, s9  }
0xd: {  	s8 =	sadd.s32 $0xCE00, s8;
	s9 =	smax.u32 s10, $0x1;
	s10 =	simm.s32 $0x2C80  }
.LBB2_1:
0xe: {  	[tilespmem:s10], [sflag:$0x1] =	stream.linear.gather [hbm4b:s5+s4], $0x280, $0x38;
	[tilespmem:$0x3180] =	vst v63  }
0xf: {  	_ =	swait.ge [sflag:s11], $0x280  }
0x10: {  	[sflag:s11] =	ssyncset.done $0x0  }
0x11: {  	[sflag:s11] =	ssyncadd.s32 $0xFFFFFD80  }
0x12: {  	[spmem:s6] =	stream.linear.scatter [tilespmem:s10], [sflag:$0x1], $0x280, $0x38;
	[tilespmem:$0x3180] =	vst v63  }
0x13: {  	_ =	swait.ge [sflag:s11], $0x280  }
0x14: {  	[sflag:s11] =	ssyncset.done $0x0  }
0x15: {  	[sflag:s11] =	ssyncadd.s32 $0xFFFFFD80  }
0x16: {  	[tilespmem:s12], [sflag:$0x1] =	stream.linear.gather [hbm4b:s2+s4], $0x80, $0x38;
	[tilespmem:$0x3180] =	vst v63  }
0x17: {  	_ =	swait.ge [sflag:s11], $0x80  }
0x18: {  	[sflag:s11] =	ssyncset.done $0x0  }
0x19: {  	[sflag:s11] =	ssyncadd.s32 $0xFFFFFF80  }
0x1a: {  	[tilespmem:s4], [sflag:$0x1] =	stream.linear.gather [hbm4b:s7+s4], $0x2C00, $0x38;
	[tilespmem:$0x3180] =	vst v63  }
0x1b: {  	_ =	swait.ge [sflag:s11], $0x2C00  }
0x1c: {  	[sflag:s11] =	ssyncset.done $0x0  }
0x1d: {  	[sflag:s11] =	ssyncadd.s32 $0xFFFFD400  }
0x1e: {  	s16 =	simm.s32 $0x0;
	[bflag:$0x0] =	sbarrier.arrive $0xFFFF  }
0x1f: {  	[spmem:s3] =	stream.indirect.scatter.add.f32 [tilespmem:s12], [sflag:$0x1], $0x1, s16, s13, $0xb8;
	[tilespmem:$0x3180] =	vst v63  }
0x20: {  	_ =	swait.ge [sflag:s11], $0x80  }
0x21: {  	s16 =	simm.s32 $0x200;
	[sflag:s11] =	ssyncset.done $0x0  }
.LBB2_2:
0x22: {  	s17 =	sshra.s32 s16, $0x2;
	[sflag:s11] =	ssyncadd.s32 $0xFFFFFF80;
	p0 =	sne.s32 s16, $0x9E00  }
0x23: {  	[spmem:s3] =	stream.indirect.scatter.add.f32 [tilespmem:s12], [sflag:$0x1], $0x1, s17, s13, $0xb8;
	[tilespmem:$0x3180] =	vst v63  }
.Ltmp0:
0x24: {  	_ = 	snop;
	(pc) =	sbr.rel @p0 .LBB2_2-.Ltmp0, $4  }
0x25: {  	_ = 	snop  }
0x26: {  	s16 =	sadd.s32 $0x200, s16  }
0x27: {  	_ =	swait.ge [sflag:s11], $0x80  }
0x28: {  	[sflag:s11] =	ssyncset.done $0x0  }
0x29: {  	[sflag:s11] =	ssyncadd.s32 $0xFFFFFF80  }
0x2a: {  	[bflag:$0x0] =	sbarrier.arrive $0xFFFF  }
0x2b: {  	[tilespmem:s10], [sflag:$0x1] =	stream.linear.gather [spmem:s6], $0x280, $0x38;
	[tilespmem:$0x3180] =	vst v63  }
0x2c: {  	s15 =	sadd.s32 $0x1, s15;
	_ =	swait.ge [sflag:s11], $0x280  }
0x2d: {  	p0 =	sne.s32 s15, s9;
	[sflag:s11] =	ssyncset.done $0x0  }
.Ltmp1:
0x2e: {  	[sflag:s11] =	ssyncadd.s32 $0xFFFFFD80;
	(pc) =	sbr.rel @p0 .LBB2_1-.Ltmp1, $4  }
0x2f: {  	[hbm4b:s8+s13] =	stream.strided.scatter [tilespmem:s10], [sflag:$0x1], $0x280, s14, s13, $0x38;
	[tilespmem:$0x3180] =	vst v63  }
0x30: {  	_ =	swait.ge [sflag:s11], $0x280  }
0x31: {  	[sflag:s11] =	ssyncset.done $0x0  }
0x32: {  	[sflag:s11] =	ssyncadd.s32 $0xFFFFFD80  }
0x33: {  	_ =	sfence.sel $0x180000  }
0x34: {  	[bflag:$0x0] =	sbarrier.arrive $0xFFFF  }
0x35: {  	p0 =	sne.s32 s0, $0x0;
	_ =	strace $0x90000047  }
0x36: {  	s0 =	sadd.s32 @!p0 $0x100000, s1;
	[bflag:$0x2] =	sbarrier.arrive $0xFFFF  }
0x37: {  	[sflag:s0] =	ssyncadd.tile.s32 @!p0 $0x1;
	_ =	shalt  }
.Lfunc_end2:
_tile_overlayer_lowered:
.L_overlay_start_2:
0x38: {  	(tag) =	ssettag $0x2  }
0x39: {  	s0 =	rddreg [dreg:$0x0];
	s2 =	stileid.u32  }
0x3a: {  	s1 =	rddreg [dreg:$0x1];
	p0 =	sne.s32 s2, $0x0  }
0x3b: {  	s3 =	rddreg [dreg:$0x2];
	[bflag:$0x3] =	sbarrier.arrive $0xFFFF;
	s2 =	simm.s32 @!p0 $0x1C01  }
0x3c: {  	[timem:s3], [sflag:s2] =	dma.local @!p0 [hbm:s0], s1  }
0x3d: {  	s0 =	simm.s32 @!p0 $0x1  }
0x3e: {  	_ =	swait.ge @!p0 [sflag:s0], s1  }
0x3f: {  	s1 =	ssub.s32 @!p0 $0x0, s1;
	[sflag:s0] =	ssyncset.done @!p0 $0x0  }
0x40: {  	[sflag:s0] =	ssyncadd.s32 @!p0 s1  }
0x41: {  	[bflag:$0x3] =	sbarrier.arrive $0xFFFF  }
0x42: {  	_ =	shalt  }

</sc_bundles>
